<compile_context>
chip_gen: v7x
topology: tpu7x:2x2x1
jax: 0.10.2.dev20260603
libtpu: 0.0.44.dev20260713+nightly
codegen_flags: <defaults>
</compile_context>

<pallas_src>
import functools

import jax
import jax.numpy as jnp
import numpy as np
from jax import lax
from jax.experimental import pallas as pl
from jax.experimental.pallas import tpu as pltpu
from jax.experimental.pallas import tpu_sc as plsc

_N = 10000
_E = 320000
_D = 128

_NC = 2
_NS = 16
_NW = _NC * _NS

_K = 64
_SUB = 4
_SC_CHUNKS = 40
_EPW = _K * _SUB * _SC_CHUNKS
_EP = _NW * _EPW
_PAD = _EP - _E
_DUMP = 240
_NACC = _N + _DUMP
_ZPS = _NACC // _NS

_mesh = plsc.VectorSubcoreMesh(core_axis_name="c", subcore_axis_name="s")


_DCH = _EPW // 128


def _sc_degree(dstp):

  @functools.partial(
      pl.kernel,
      out_type=jax.ShapeDtypeStruct((_NC, _NACC), jnp.float32),
      mesh=_mesh,
      scratch_types=[
          pltpu.VMEM((_DCH, 128), jnp.int32),
          pltpu.VMEM((128,), jnp.float32),
          pltpu.VMEM((_ZPS,), jnp.float32),
          pltpu.VMEM_SHARED((_NACC,), jnp.float32),
          pltpu.SemaphoreType.DMA,
          pltpu.SemaphoreType.DMA,
      ],
  )
  def kern(dstp_hbm, deg_hbm, idx_v, ones_v, z_v, acc_sh, sem, sems):
    c = lax.axis_index("c")
    s = lax.axis_index("s")
    w = c * _NS + s
    cp = pltpu.async_copy(dstp_hbm.at[w], idx_v, sem)

    @pl.loop(0, 128 // 16)
    def _(j):
      ones_v[pl.ds(j * 16, 16)] = jnp.ones((16,), jnp.float32)

    @pl.loop(0, _ZPS // 16)
    def _(j):
      z_v[pl.ds(j * 16, 16)] = jnp.zeros((16,), jnp.float32)

    pltpu.sync_copy(z_v, acc_sh.at[pl.ds(s * _ZPS, _ZPS)])
    cp.wait()
    plsc.subcore_barrier()

    @pl.loop(0, _DCH)
    def _(i):
      pltpu.async_copy(ones_v, acc_sh.at[idx_v.at[i]], sems, add=True)

    @pl.loop(0, _DCH)
    def _(i):
      pltpu.make_async_copy(ones_v, acc_sh.at[idx_v.at[i]], sems).wait()

    plsc.subcore_barrier()

    pltpu.sync_copy(acc_sh.at[pl.ds(s * _ZPS, _ZPS)],
                    deg_hbm.at[c].at[pl.ds(s * _ZPS, _ZPS)])

  return kern(dstp)


def _sc_spmm(hs, srcp, dstp, zrows):

  @functools.partial(
      pl.kernel,
      out_type=jax.ShapeDtypeStruct((_NC, _NACC, _D), jnp.float32),
      mesh=_mesh,
      scratch_types=[
          pltpu.VMEM((_SUB * _K,), jnp.int32),
          pltpu.VMEM((_SUB * _K,), jnp.int32),
          pltpu.VMEM((2, 128), jnp.int32),
          pltpu.VMEM((2, 128), jnp.int32),
          pltpu.VMEM((_SUB * _K, _D), jnp.float32),
          pltpu.VMEM_SHARED((_NACC, _D), jnp.float32),
          pltpu.SemaphoreType.DMA,
          pltpu.SemaphoreType.DMA,
          pltpu.SemaphoreType.DMA,
          pltpu.SemaphoreType.DMA,
      ] + [pltpu.SemaphoreType.DMA] * _SUB,
  )
  def kern(hs_hbm, srcp_hbm, dstp_hbm, z_hbm, out_hbm,
           q0, q1, d0, d1, rb, acc_sh,
           semq0, semq1, semd0, semd1, *sgs):
    c = lax.axis_index("c")
    s = lax.axis_index("s")
    w = c * _NS + s
    spw = srcp_hbm.at[w]
    dpw = dstp_hbm.at[w]

    def gather(q, t):
      pltpu.async_copy(hs_hbm.at[q.at[pl.ds(t * _K, _K)]],
                       rb.at[pl.ds(t * _K, _K)], sgs[t])

    def gather_wait(q, t):
      pltpu.make_async_copy(hs_hbm.at[q.at[pl.ds(t * _K, _K)]],
                            rb.at[pl.ds(t * _K, _K)], sgs[t]).wait()

    _HS = _SUB // 2

    def process(qcur, dcur, qnext):
      for p in range(2):
        for t in range(p * _HS, (p + 1) * _HS):
          gather_wait(qcur, t)
        pltpu.sync_copy(rb.at[pl.ds(p * 128, 128)], acc_sh.at[dcur.at[p]],
                        add=True)
        for t in range(p * _HS, (p + 1) * _HS):
          gather(qnext, t)

    def drain(qcur, dcur):
      for p in range(2):
        for t in range(p * _HS, (p + 1) * _HS):
          gather_wait(qcur, t)
        pltpu.sync_copy(rb.at[pl.ds(p * 128, 128)], acc_sh.at[dcur.at[p]],
                        add=True)

    pltpu.sync_copy(spw.at[0], q0)
    pltpu.sync_copy(dpw.at[pl.ds(0, 2)], d0)
    for t in range(_SUB):
      gather(q0, t)
    pltpu.async_copy(spw.at[1], q1, semq1)
    pltpu.async_copy(dpw.at[pl.ds(2, 2)], d1, semd1)
    pltpu.sync_copy(z_hbm.at[pl.ds(s * _ZPS, _ZPS)],
                    acc_sh.at[pl.ds(s * _ZPS, _ZPS)])
    plsc.subcore_barrier()

    @pl.loop(0, _SC_CHUNKS // 2 - 1)
    def _(i):
      a = 2 * i
      pltpu.make_async_copy(spw.at[a + 1], q1, semq1).wait()
      pltpu.make_async_copy(dpw.at[pl.ds(2 * a + 2, 2)], d1, semd1).wait()
      process(q0, d0, q1)
      pltpu.async_copy(spw.at[a + 2], q0, semq0)
      pltpu.async_copy(dpw.at[pl.ds(2 * a + 4, 2)], d0, semd0)
      pltpu.make_async_copy(spw.at[a + 2], q0, semq0).wait()
      pltpu.make_async_copy(dpw.at[pl.ds(2 * a + 4, 2)], d0, semd0).wait()
      process(q1, d1, q0)
      pltpu.async_copy(spw.at[a + 3], q1, semq1)
      pltpu.async_copy(dpw.at[pl.ds(2 * a + 6, 2)], d1, semd1)

    pltpu.make_async_copy(spw.at[_SC_CHUNKS - 1], q1, semq1).wait()
    pltpu.make_async_copy(
        dpw.at[pl.ds(2 * _SC_CHUNKS - 2, 2)], d1, semd1).wait()
    process(q0, d0, q1)
    drain(q1, d1)

    plsc.subcore_barrier()
    pltpu.sync_copy(acc_sh.at[pl.ds(s * _ZPS, _ZPS)],
                    out_hbm.at[c].at[pl.ds(s * _ZPS, _ZPS)])

  return kern(hs, srcp, dstp, zrows)


_SQRT_HALF = float(1.0 / np.sqrt(2.0))


def _tc_prep(edge_index):

  def body(e_ref, s_ref, d_ref):
    ei = e_ref[...]
    s2 = ei[0:1, :].reshape(_E // 256, 256)
    r = lax.broadcasted_iota(jnp.int32, (_PAD // 256, 256), 0)
    cc = lax.broadcasted_iota(jnp.int32, (_PAD // 256, 256), 1)
    pad_s = (r * 256 + cc) % _N
    s_ref[...] = jnp.concatenate([s2, pad_s], axis=0)
    d2 = ei[1:2, :].reshape(_E // 128, 128)
    r = lax.broadcasted_iota(jnp.int32, (_PAD // 128, 128), 0)
    cc = lax.broadcasted_iota(jnp.int32, (_PAD // 128, 128), 1)
    pad_d = _N + (r * 128 + cc) % _DUMP
    d_ref[...] = jnp.concatenate([d2, pad_d], axis=0)

  return pl.pallas_call(
      body,
      out_shape=(
          jax.ShapeDtypeStruct((_EP // 256, 256), jnp.int32),
          jax.ShapeDtypeStruct((_EP // 128, 128), jnp.int32),
      ),
  )(edge_index)


def _ln(x, g, b):
  m = jnp.mean(x, axis=-1, keepdims=True)
  xc = x - m
  v = jnp.mean(xc * xc, axis=-1, keepdims=True)
  return xc * lax.rsqrt(v + 1e-5) * g[None, :] + b[None, :]


_BR = 2000
_GRID = _N // _BR


def _rows(i):
  return (i, 0)


def _full(i):
  return (0,)


def _bs_rows(width):
  return pl.BlockSpec((_BR, width), _rows)


_BS_VEC = pl.BlockSpec((_D,), _full)
_BS_MAT = pl.BlockSpec((_D, _D), lambda i: (0, 0))
_BS_ACC = pl.BlockSpec((2, _BR, _D), lambda i: (0, i, 0))


def _tc_first(degT, x, g1, beta1, W1, b1):
  def body(d_ref, x_ref, g_ref, be_ref, w_ref, b_ref,
           hs_ref, s1_ref, di_ref):
    dd = d_ref[...]
    deg = dd[:, 0:1] + dd[:, 1:2] + 1.0
    di = lax.rsqrt(deg)
    xn = _ln(x_ref[...], g_ref[...], be_ref[...])
    h = jnp.dot(xn, w_ref[...], preferred_element_type=jnp.float32)
    hs_ref[...] = h * di
    s1_ref[...] = h * (di * di) + b_ref[...][None, :]
    di_ref[...] = di

  return pl.pallas_call(
      body,
      grid=(_GRID,),
      in_specs=[_bs_rows(2), _bs_rows(_D), _BS_VEC, _BS_VEC, _BS_MAT,
                _BS_VEC],
      out_specs=(_bs_rows(_D), _bs_rows(_D), _bs_rows(1)),
      out_shape=(
          jax.ShapeDtypeStruct((_N, _D), jnp.float32),
          jax.ShapeDtypeStruct((_N, _D), jnp.float32),
          jax.ShapeDtypeStruct((_N, 1), jnp.float32),
      ),
  )(degT, x, g1, beta1, W1, b1)


def _tc_mid(acc, self1, dinv, g4, beta4, W4, b4):
  def body(a_ref, s1_ref, di_ref, g_ref, be_ref, w_ref, b_ref,
           hs_ref, s2_ref):
    di = di_ref[...]
    a = a_ref[...]
    h1 = (a[0] + a[1]) * di + s1_ref[...]
    gel = 0.5 * h1 * (1.0 + lax.erf(h1 * _SQRT_HALF))
    gn = _ln(gel, g_ref[...], be_ref[...])
    h2 = jnp.dot(gn, w_ref[...], preferred_element_type=jnp.float32)
    hs_ref[...] = h2 * di
    s2_ref[...] = h2 * (di * di) + b_ref[...][None, :]

  return pl.pallas_call(
      body,
      grid=(_GRID,),
      in_specs=[_BS_ACC, _bs_rows(_D), _bs_rows(1), _BS_VEC, _BS_VEC,
                _BS_MAT, _BS_VEC],
      out_specs=(_bs_rows(_D), _bs_rows(_D)),
      out_shape=(
          jax.ShapeDtypeStruct((_N, _D), jnp.float32),
          jax.ShapeDtypeStruct((_N, _D), jnp.float32),
      ),
  )(acc, self1, dinv, g4, beta4, W4, b4)


def _tc_post(acc, self2, dinv):
  def body(a_ref, s2_ref, di_ref, o_ref):
    a = a_ref[...]
    o_ref[...] = (a[0] + a[1]) * di_ref[...] + s2_ref[...]

  return pl.pallas_call(
      body,
      grid=(_GRID,),
      in_specs=[_BS_ACC, _bs_rows(_D), _bs_rows(1)],
      out_specs=_bs_rows(_D),
      out_shape=jax.ShapeDtypeStruct((_N, _D), jnp.float32),
  )(acc, self2, dinv)


def kernel(x, edge_index, W1, b1, W4, b4, g1, beta1, g4, beta4):
  srcp2, dstp2 = _tc_prep(edge_index)
  srcp = srcp2.reshape(_NW, _SC_CHUNKS, 256)
  dstp = dstp2.reshape(_NW, _DCH, 128)
  zrows = jnp.zeros((_NACC, _D), jnp.float32)

  deg_p = _sc_degree(dstp)
  hs1, self1, dinv = _tc_first(deg_p.T, x, g1, beta1, W1, b1)
  acc1 = _sc_spmm(hs1, srcp, dstp, zrows)
  hs2, self2 = _tc_mid(acc1, self1, dinv, g4, beta4, W4, b4)
  acc2 = _sc_spmm(hs2, srcp, dstp, zrows)
  return _tc_post(acc2, self2, dinv)

# --- scband reference (transcript-rebuilt; emitter-appended) ---
"""Pipeline reference for scband-gno-51075751084700 (READ-ONLY COPY).

The authoritative reference and input builder live on the scoring server;
editing this copy changes nothing except your own understanding.
"""

import jax, jax.numpy as jnp
import numpy as np

N = 10000
E = 320000
D_IN = 128
D_MID = 128
D_OUT = 128


def layer_norm(x, g, b, eps=1e-5):
    m = jnp.mean(x, axis=-1, keepdims=True)
    v = jnp.var(x, axis=-1, keepdims=True)
    return (x - m) / jnp.sqrt(v + eps) * g + b


def gcn_conv(x, edge_index, W, b, n):
    # PyG GCNConv: add self loops, symmetric normalization, x @ W, scatter-add to dst, + bias
    src = edge_index[0]
    dst = edge_index[1]
    loop = jnp.arange(n, dtype=edge_index.dtype)
    src = jnp.concatenate([src, loop])
    dst = jnp.concatenate([dst, loop])
    deg = jnp.zeros((n,), x.dtype).at[dst].add(1.0)
    dinv = jnp.where(deg > 0.0, jax.lax.rsqrt(jnp.maximum(deg, 1e-12)), 0.0)
    norm = dinv[src] * dinv[dst]
    h = x @ W
    msg = h[src] * norm[:, None]
    out = jnp.zeros((n, W.shape[1]), x.dtype).at[dst].add(msg)
    return out + b


def setup_inputs(seed: int = 0) -> dict:
    key = jax.random.key(seed)
    ks = jax.random.split(key, 10)
    x = jax.random.normal(ks[0], (N, D_IN), jnp.float32)
    edge_index = jax.random.randint(ks[1], (2, E), 0, N, jnp.int32)
    s1 = 1.0 / np.sqrt(D_IN)
    s4 = 1.0 / np.sqrt(D_MID)
    W1 = jax.random.uniform(ks[2], (D_IN, D_MID), jnp.float32, -s1, s1)
    b1 = jnp.zeros((D_MID,), jnp.float32)
    W4 = jax.random.uniform(ks[3], (D_MID, D_OUT), jnp.float32, -s4, s4)
    b4 = jnp.zeros((D_OUT,), jnp.float32)
    g1 = jnp.ones((D_IN,), jnp.float32)
    beta1 = jnp.zeros((D_IN,), jnp.float32)
    g4 = jnp.ones((D_MID,), jnp.float32)
    beta4 = jnp.zeros((D_MID,), jnp.float32)
    return {"x": x, "edge_index": edge_index, "W1": W1, "b1": b1, "W4": W4, "b4": b4,
            "g1": g1, "beta1": beta1, "g4": g4, "beta4": beta4}


def reference(x, edge_index, W1, b1, W4, b4, g1, beta1, g4, beta4):
    h = gcn_conv(layer_norm(x, g1, beta1), edge_index, W1, b1, N)
    h = jax.nn.gelu(h, approximate=False)
    out = gcn_conv(layer_norm(h, g4, beta4), edge_index, W4, b4, N)
    return out

if __name__ == "__main__":
    import jax
    _d = setup_inputs()
    print(jax.jit(kernel)(*tuple(_d.values())))

</pallas_src>

<mosaic_0001>
#map = affine_map<(d0, d1) -> (0, 0, 0)>
#map1 = affine_map<(d0, d1) -> (0, 0)>
module attributes {stable_mosaic.version = 14 : i64} {
  func.func @kern(%arg0: i32, %arg1: i32, %arg2: memref<32x80x128xi32, #tpu.memory_space<hbm>>, %arg3: memref<2x10240xf32, #tpu.memory_space<hbm>>, %arg4: memref<80x128xi32, #tpu.memory_space<vmem>>, %arg5: memref<128xf32, #tpu.memory_space<vmem>>, %arg6: memref<640xf32, #tpu.memory_space<vmem>>, %arg7: memref<10240xf32, #tpu.memory_space<vmem_shared>>, %arg8: memref<!tpu.dma_semaphore, #tpu.memory_space<semaphore_mem>>, %arg9: memref<!tpu.dma_semaphore, #tpu.memory_space<semaphore_mem>>) attributes {dimension_semantics = [#tpu.dimension_semantics<core_parallel>, #tpu.dimension_semantics<subcore_parallel>], iteration_bounds = array<i64: 2, 16>, scalar_prefetch = 0 : i64, scratch_operands = 6 : i64, tpu.core_type = #tpu.core_type<sc_vector_subcore>, window_params = [{transform_indices = #map}, {transform_indices = #map1}]} {
    %mul3A = arith.constant 16 : i32
    %mul3A_0 = arith.muli %arg0, %mul3A : i32
    %add3A = arith.addi %mul3A_0, %arg1 : i32
    %dma_start3A = arith.constant 0 : i32
    %dma_start3A_1 = arith.constant 0 : i32
    %dma_start3A_2 = tpu.memref_slice %arg2[%add3A, %dma_start3A, %dma_start3A_1] : memref<32x80x128xi32, #tpu.memory_space<hbm>> -> memref<1x80x128xi32, #tpu.memory_space<hbm>>
    %dma_start3A_3 = tpu.memref_squeeze %dma_start3A_2 : memref<1x80x128xi32, #tpu.memory_space<hbm>> -> memref<80x128xi32, #tpu.memory_space<hbm>>
    %dma_start3A_4 = arith.constant 0 : i32
    %dma_start3A_5 = arith.constant 0 : i32
    %dma_start3A_6 = tpu.memref_slice %arg2[%add3A, %dma_start3A_4, %dma_start3A_5] : memref<32x80x128xi32, #tpu.memory_space<hbm>> -> memref<1x80x128xi32, #tpu.memory_space<hbm>>
    %dma_start3A_7 = tpu.memref_squeeze %dma_start3A_6 : memref<1x80x128xi32, #tpu.memory_space<hbm>> -> memref<80x128xi32, #tpu.memory_space<hbm>>
    tpu.enqueue_dma source(%dma_start3A_7 : memref<80x128xi32, #tpu.memory_space<hbm>>) target(%arg4 : memref<80x128xi32, #tpu.memory_space<vmem>>) target_semaphore(%arg8 : memref<!tpu.dma_semaphore, #tpu.memory_space<semaphore_mem>>)
    %scan3A = arith.constant 0 : i32
    %scan3A_8 = arith.constant 8 : i32
    %scan3A_9 = arith.addi %scan3A, %scan3A_8 : i32
    %scan3A_10 = arith.constant 1 : i32
    scf.for %scan3A_41 = %scan3A to %scan3A_9 step %scan3A_10  : i32 {
      %mul3A_42 = arith.constant 1 : i32
      %mul3A_43 = arith.muli %scan3A_41, %mul3A_42 : i32
      %add3A_44 = arith.constant 0 : i32
      %add3A_45 = arith.addi %add3A_44, %mul3A_43 : i32
      %broadcast_in_dim3A = arith.constant 1.000000e+00 : f32
      %broadcast_in_dim3A_46 = vector.broadcast %broadcast_in_dim3A : f32 to vector<16xf32>
      %mul3A_47 = arith.constant 16 : i32
      %mul3A_48 = arith.muli %add3A_45, %mul3A_47 : i32
      %swap3A = arith.index_cast %mul3A_48 : i32 to index
      %swap3A_49 = tpu.vector_load %arg5[%swap3A] {strides = array<i32>} : memref<128xf32, #tpu.memory_space<vmem>>, vector<16xf32>,
      %swap3A_50 = vector.shape_cast %swap3A_49 : vector<16xf32> to vector<16xf32>
      %swap3A_51 = vector.shape_cast %broadcast_in_dim3A_46 : vector<16xf32> to vector<16xf32>
      tpu.vector_store %arg5[%swap3A], %swap3A_51 {strides = array<i32>} : memref<128xf32, #tpu.memory_space<vmem>>, vector<16xf32>,
    }
    %scan3A_11 = arith.constant 8 : i32
    %scan3A_12 = arith.constant 0 : i32
    %scan3A_13 = arith.constant 40 : i32
    %scan3A_14 = arith.addi %scan3A_12, %scan3A_13 : i32
    %scan3A_15 = arith.constant 1 : i32
    scf.for %scan3A_41 = %scan3A_12 to %scan3A_14 step %scan3A_15  : i32 {
      %mul3A_42 = arith.constant 1 : i32
      %mul3A_43 = arith.muli %scan3A_41, %mul3A_42 : i32
      %add3A_44 = arith.constant 0 : i32
      %add3A_45 = arith.addi %add3A_44, %mul3A_43 : i32
      %broadcast_in_dim3A = arith.constant 0.000000e+00 : f32
      %broadcast_in_dim3A_46 = vector.broadcast %broadcast_in_dim3A : f32 to vector<16xf32>
      %mul3A_47 = arith.constant 16 : i32
      %mul3A_48 = arith.muli %add3A_45, %mul3A_47 : i32
      %swap3A = arith.index_cast %mul3A_48 : i32 to index
      %swap3A_49 = tpu.vector_load %arg6[%swap3A] {strides = array<i32>} : memref<640xf32, #tpu.memory_space<vmem>>, vector<16xf32>,
      %swap3A_50 = vector.shape_cast %swap3A_49 : vector<16xf32> to vector<16xf32>
      %swap3A_51 = vector.shape_cast %broadcast_in_dim3A_46 : vector<16xf32> to vector<16xf32>
      tpu.vector_store %arg6[%swap3A], %swap3A_51 {strides = array<i32>} : memref<640xf32, #tpu.memory_space<vmem>>, vector<16xf32>,
    }
    %scan3A_16 = arith.constant 40 : i32
    %mul3A_17 = arith.constant 640 : i32
    %mul3A_18 = arith.muli %arg1, %mul3A_17 : i32
    "tpu.region"() ({
      %run_scoped3A = tpu.sem_alloc : memref<!tpu.dma_semaphore, #tpu.memory_space<semaphore_mem>>
      %dma_start3A_41 = tpu.memref_slice %arg7[%mul3A_18] : memref<10240xf32, #tpu.memory_space<vmem_shared>> -> memref<640xf32, #tpu.memory_space<vmem_shared>>
      %dma_start3A_42 = tpu.memref_slice %arg7[%mul3A_18] : memref<10240xf32, #tpu.memory_space<vmem_shared>> -> memref<640xf32, #tpu.memory_space<vmem_shared>>
      tpu.enqueue_dma source(%arg6 : memref<640xf32, #tpu.memory_space<vmem>>) target(%dma_start3A_42 : memref<640xf32, #tpu.memory_space<vmem_shared>>) target_semaphore(%run_scoped3A : memref<!tpu.dma_semaphore, #tpu.memory_space<semaphore_mem>>)
      %dma_wait3A_43 = tpu.memref_slice %arg7[%mul3A_18] : memref<10240xf32, #tpu.memory_space<vmem_shared>> -> memref<640xf32, #tpu.memory_space<vmem_shared>>
      %dma_wait3A_44 = tpu.memref_slice %arg7[%mul3A_18] : memref<10240xf32, #tpu.memory_space<vmem_shared>> -> memref<640xf32, #tpu.memory_space<vmem_shared>>
      tpu.wait_dma2 semaphore(%run_scoped3A : memref<!tpu.dma_semaphore, #tpu.memory_space<semaphore_mem>>) src(%arg6 : memref<640xf32, #tpu.memory_space<vmem>>) dst(%dma_wait3A_44 : memref<640xf32, #tpu.memory_space<vmem_shared>>)
      tpu.yield
    }) : () -> ()
    %dma_wait3A = arith.constant 0 : i32
    %dma_wait3A_19 = arith.constant 0 : i32
    %dma_wait3A_20 = tpu.memref_slice %arg2[%add3A, %dma_wait3A, %dma_wait3A_19] : memref<32x80x128xi32, #tpu.memory_space<hbm>> -> memref<1x80x128xi32, #tpu.memory_space<hbm>>
    %dma_wait3A_21 = tpu.memref_squeeze %dma_wait3A_20 : memref<1x80x128xi32, #tpu.memory_space<hbm>> -> memref<80x128xi32, #tpu.memory_space<hbm>>
    %dma_wait3A_22 = arith.constant 0 : i32
    %dma_wait3A_23 = arith.constant 0 : i32
    %dma_wait3A_24 = tpu.memref_slice %arg2[%add3A, %dma_wait3A_22, %dma_wait3A_23] : memref<32x80x128xi32, #tpu.memory_space<hbm>> -> memref<1x80x128xi32, #tpu.memory_space<hbm>>
    %dma_wait3A_25 = tpu.memref_squeeze %dma_wait3A_24 : memref<1x80x128xi32, #tpu.memory_space<hbm>> -> memref<80x128xi32, #tpu.memory_space<hbm>>
    tpu.wait_dma2 semaphore(%arg8 : memref<!tpu.dma_semaphore, #tpu.memory_space<semaphore_mem>>) src(%dma_wait3A_25 : memref<80x128xi32, #tpu.memory_space<hbm>>) dst(%arg4 : memref<80x128xi32, #tpu.memory_space<vmem>>)
    %barrier3A = arith.constant 0 : index
    tpu.barrier barrier_id(%barrier3A)
    %scan3A_26 = arith.constant 0 : i32
    %scan3A_27 = arith.constant 80 : i32
    %scan3A_28 = arith.addi %scan3A_26, %scan3A_27 : i32
    %scan3A_29 = arith.constant 1 : i32
    scf.for %scan3A_41 = %scan3A_26 to %scan3A_28 step %scan3A_29  : i32 {
      %mul3A_42 = arith.constant 1 : i32
      %mul3A_43 = arith.muli %scan3A_41, %mul3A_42 : i32
      %add3A_44 = arith.constant 0 : i32
      %add3A_45 = arith.addi %add3A_44, %mul3A_43 : i32
      %dma_start3A_46 = arith.constant 0 : i32
      %dma_start3A_47 = tpu.memref_slice %arg4[%add3A_45, %dma_start3A_46] : memref<80x128xi32, #tpu.memory_space<vmem>> -> memref<1x128xi32, #tpu.memory_space<vmem>>
      %dma_start3A_48 = tpu.memref_squeeze %dma_start3A_47 : memref<1x128xi32, #tpu.memory_space<vmem>> -> memref<128xi32, #tpu.memory_space<vmem>>
      %dma_start3A_49 = arith.constant 0 : i32
      %dma_start3A_50 = tpu.memref_slice %arg7[%dma_start3A_49] : memref<10240xf32, #tpu.memory_space<vmem_shared>> -> memref<10240xf32, #tpu.memory_space<vmem_shared>>
      tpu.enqueue_indirect_dma source(%arg5 : memref<128xf32, #tpu.memory_space<vmem>>) target(%dma_start3A_50 : memref<10240xf32, #tpu.memory_space<vmem_shared>>) offsets(%dma_start3A_48 : memref<128xi32, #tpu.memory_space<vmem>>) semaphore(%arg9 : memref<!tpu.dma_semaphore, #tpu.memory_space<semaphore_mem>>) {add = true}
    }
    %scan3A_30 = arith.constant 80 : i32
    %scan3A_31 = arith.constant 0 : i32
    %scan3A_32 = arith.constant 80 : i32
    %scan3A_33 = arith.addi %scan3A_31, %scan3A_32 : i32
    %scan3A_34 = arith.constant 1 : i32
    scf.for %scan3A_41 = %scan3A_31 to %scan3A_33 step %scan3A_34  : i32 {
      %mul3A_42 = arith.constant 1 : i32
      %mul3A_43 = arith.muli %scan3A_41, %mul3A_42 : i32
      %add3A_44 = arith.constant 0 : i32
      %add3A_45 = arith.addi %add3A_44, %mul3A_43 : i32
      %dma_wait3A_46 = arith.constant 0 : i32
      %dma_wait3A_47 = tpu.memref_slice %arg4[%add3A_45, %dma_wait3A_46] : memref<80x128xi32, #tpu.memory_space<vmem>> -> memref<1x128xi32, #tpu.memory_space<vmem>>
      %dma_wait3A_48 = tpu.memref_squeeze %dma_wait3A_47 : memref<1x128xi32, #tpu.memory_space<vmem>> -> memref<128xi32, #tpu.memory_space<vmem>>
      %dma_wait3A_49 = arith.constant 0 : i32
      %dma_wait3A_50 = tpu.memref_slice %arg7[%dma_wait3A_49] : memref<10240xf32, #tpu.memory_space<vmem_shared>> -> memref<10240xf32, #tpu.memory_space<vmem_shared>>
      tpu.wait_indirect_dma semaphore(%arg9 : memref<!tpu.dma_semaphore, #tpu.memory_space<semaphore_mem>>) src(%arg5 : memref<128xf32, #tpu.memory_space<vmem>>) dst(%dma_wait3A_50 : memref<10240xf32, #tpu.memory_space<vmem_shared>>)
    }
    %scan3A_35 = arith.constant 80 : i32
    %barrier3A_36 = arith.constant 0 : index
    tpu.barrier barrier_id(%barrier3A_36)
    %mul3A_37 = arith.constant 640 : i32
    %mul3A_38 = arith.muli %arg1, %mul3A_37 : i32
    %mul3A_39 = arith.constant 640 : i32
    %mul3A_40 = arith.muli %arg1, %mul3A_39 : i32
    "tpu.region"() ({
      %run_scoped3A = tpu.sem_alloc : memref<!tpu.dma_semaphore, #tpu.memory_space<semaphore_mem>>
      %dma_start3A_41 = arith.constant 0 : i32
      %dma_start3A_42 = tpu.memref_slice %arg3[%arg0, %dma_start3A_41] : memref<2x10240xf32, #tpu.memory_space<hbm>> -> memref<1x10240xf32, #tpu.memory_space<hbm>>
      %dma_start3A_43 = tpu.memref_squeeze %dma_start3A_42 : memref<1x10240xf32, #tpu.memory_space<hbm>> -> memref<10240xf32, #tpu.memory_space<hbm>>
      %dma_start3A_44 = tpu.memref_slice %dma_start3A_43[%mul3A_40] : memref<10240xf32, #tpu.memory_space<hbm>> -> memref<640xf32, #tpu.memory_space<hbm>>
      %dma_start3A_45 = tpu.memref_slice %arg7[%mul3A_38] : memref<10240xf32, #tpu.memory_space<vmem_shared>> -> memref<640xf32, #tpu.memory_space<vmem_shared>>
      tpu.enqueue_dma source(%dma_start3A_45 : memref<640xf32, #tpu.memory_space<vmem_shared>>) target(%dma_start3A_44 : memref<640xf32, #tpu.memory_space<hbm>>) target_semaphore(%run_scoped3A : memref<!tpu.dma_semaphore, #tpu.memory_space<semaphore_mem>>)
      %dma_wait3A_46 = arith.constant 0 : i32
      %dma_wait3A_47 = tpu.memref_slice %arg3[%arg0, %dma_wait3A_46] : memref<2x10240xf32, #tpu.memory_space<hbm>> -> memref<1x10240xf32, #tpu.memory_space<hbm>>
      %dma_wait3A_48 = tpu.memref_squeeze %dma_wait3A_47 : memref<1x10240xf32, #tpu.memory_space<hbm>> -> memref<10240xf32, #tpu.memory_space<hbm>>
      %dma_wait3A_49 = tpu.memref_slice %dma_wait3A_48[%mul3A_40] : memref<10240xf32, #tpu.memory_space<hbm>> -> memref<640xf32, #tpu.memory_space<hbm>>
      %dma_wait3A_50 = tpu.memref_slice %arg7[%mul3A_38] : memref<10240xf32, #tpu.memory_space<vmem_shared>> -> memref<640xf32, #tpu.memory_space<vmem_shared>>
      tpu.wait_dma2 semaphore(%run_scoped3A : memref<!tpu.dma_semaphore, #tpu.memory_space<semaphore_mem>>) src(%dma_wait3A_50 : memref<640xf32, #tpu.memory_space<vmem_shared>>) dst(%dma_wait3A_49 : memref<640xf32, #tpu.memory_space<hbm>>)
      tpu.yield
    }) : () -> ()
    return
  }
}

#map = affine_map<(d0, d1) -> (0, 0)>
#map1 = affine_map<(d0, d1) -> (0, 0, 0)>
module attributes {stable_mosaic.version = 14 : i64} {
  func.func @kern(%arg0: i32, %arg1: i32, %arg2: memref<10000x128xf32, #tpu.memory_space<hbm>>, %arg3: memref<32x40x256xi32, #tpu.memory_space<hbm>>, %arg4: memref<32x80x128xi32, #tpu.memory_space<hbm>>, %arg5: memref<10240x128xf32, #tpu.memory_space<hbm>>, %arg6: memref<2x10240x128xf32, #tpu.memory_space<hbm>>, %arg7: memref<256xi32, #tpu.memory_space<vmem>>, %arg8: memref<256xi32, #tpu.memory_space<vmem>>, %arg9: memref<2x128xi32, #tpu.memory_space<vmem>>, %arg10: memref<2x128xi32, #tpu.memory_space<vmem>>, %arg11: memref<256x128xf32, #tpu.memory_space<vmem>>, %arg12: memref<10240x128xf32, #tpu.memory_space<vmem_shared>>, %arg13: memref<!tpu.dma_semaphore, #tpu.memory_space<semaphore_mem>>, %arg14: memref<!tpu.dma_semaphore, #tpu.memory_space<semaphore_mem>>, %arg15: memref<!tpu.dma_semaphore, #tpu.memory_space<semaphore_mem>>, %arg16: memref<!tpu.dma_semaphore, #tpu.memory_space<semaphore_mem>>, %arg17: memref<!tpu.dma_semaphore, #tpu.memory_space<semaphore_mem>>, %arg18: memref<!tpu.dma_semaphore, #tpu.memory_space<semaphore_mem>>, %arg19: memref<!tpu.dma_semaphore, #tpu.memory_space<semaphore_mem>>, %arg20: memref<!tpu.dma_semaphore, #tpu.memory_space<semaphore_mem>>) attributes {dimension_semantics = [#tpu.dimension_semantics<core_parallel>, #tpu.dimension_semantics<subcore_parallel>], iteration_bounds = array<i64: 2, 16>, scalar_prefetch = 0 : i64, scratch_operands = 14 : i64, tpu.core_type = #tpu.core_type<sc_vector_subcore>, window_params = [{transform_indices = #map}, {transform_indices = #map1}, {transform_indices = #map1}, {transform_indices = #map}, {transform_indices = #map1}]} {
    %mul3A = arith.constant 16 : i32
    %mul3A_0 = arith.muli %arg0, %mul3A : i32
    %add3A = arith.addi %mul3A_0, %arg1 : i32
    %run_scoped3A = arith.constant 0 : i32
    "tpu.region"() ({
      %run_scoped3A_202 = tpu.sem_alloc : memref<!tpu.dma_semaphore, #tpu.memory_space<semaphore_mem>>
      %dma_start3A_203 = arith.constant 0 : i32
      %dma_start3A_204 = arith.constant 0 : i32
      %dma_start3A_205 = tpu.memref_slice %arg3[%add3A, %dma_start3A_203, %dma_start3A_204] : memref<32x40x256xi32, #tpu.memory_space<hbm>> -> memref<1x40x256xi32, #tpu.memory_space<hbm>>
      %dma_start3A_206 = tpu.memref_squeeze %dma_start3A_205 : memref<1x40x256xi32, #tpu.memory_space<hbm>> -> memref<40x256xi32, #tpu.memory_space<hbm>>
      %dma_start3A_207 = arith.constant 0 : i32
      %dma_start3A_208 = tpu.memref_slice %dma_start3A_206[%run_scoped3A, %dma_start3A_207] : memref<40x256xi32, #tpu.memory_space<hbm>> -> memref<1x256xi32, #tpu.memory_space<hbm>>
      %dma_start3A_209 = tpu.memref_squeeze %dma_start3A_208 : memref<1x256xi32, #tpu.memory_space<hbm>> -> memref<256xi32, #tpu.memory_space<hbm>>
      %dma_start3A_210 = arith.constant 0 : i32
      %dma_start3A_211 = arith.constant 0 : i32
      %dma_start3A_212 = tpu.memref_slice %arg3[%add3A, %dma_start3A_210, %dma_start3A_211] : memref<32x40x256xi32, #tpu.memory_space<hbm>> -> memref<1x40x256xi32, #tpu.memory_space<hbm>>
      %dma_start3A_213 = tpu.memref_squeeze %dma_start3A_212 : memref<1x40x256xi32, #tpu.memory_space<hbm>> -> memref<40x256xi32, #tpu.memory_space<hbm>>
      %dma_start3A_214 = arith.constant 0 : i32
      %dma_start3A_215 = tpu.memref_slice %dma_start3A_213[%run_scoped3A, %dma_start3A_214] : memref<40x256xi32, #tpu.memory_space<hbm>> -> memref<1x256xi32, #tpu.memory_space<hbm>>
      %dma_start3A_216 = tpu.memref_squeeze %dma_start3A_215 : memref<1x256xi32, #tpu.memory_space<hbm>> -> memref<256xi32, #tpu.memory_space<hbm>>
      tpu.enqueue_dma source(%dma_start3A_216 : memref<256xi32, #tpu.memory_space<hbm>>) target(%arg7 : memref<256xi32, #tpu.memory_space<vmem>>) target_semaphore(%run_scoped3A_202 : memref<!tpu.dma_semaphore, #tpu.memory_space<semaphore_mem>>)
      %dma_wait3A_217 = arith.constant 0 : i32
      %dma_wait3A_218 = arith.constant 0 : i32
      %dma_wait3A_219 = tpu.memref_slice %arg3[%add3A, %dma_wait3A_217, %dma_wait3A_218] : memref<32x40x256xi32, #tpu.memory_space<hbm>> -> memref<1x40x256xi32, #tpu.memory_space<hbm>>
      %dma_wait3A_220 = tpu.memref_squeeze %dma_wait3A_219 : memref<1x40x256xi32, #tpu.memory_space<hbm>> -> memref<40x256xi32, #tpu.memory_space<hbm>>
      %dma_wait3A_221 = arith.constant 0 : i32
      %dma_wait3A_222 = tpu.memref_slice %dma_wait3A_220[%run_scoped3A, %dma_wait3A_221] : memref<40x256xi32, #tpu.memory_space<hbm>> -> memref<1x256xi32, #tpu.memory_space<hbm>>
      %dma_wait3A_223 = tpu.memref_squeeze %dma_wait3A_222 : memref<1x256xi32, #tpu.memory_space<hbm>> -> memref<256xi32, #tpu.memory_space<hbm>>
      %dma_wait3A_224 = arith.constant 0 : i32
      %dma_wait3A_225 = arith.constant 0 : i32
      %dma_wait3A_226 = tpu.memref_slice %arg3[%add3A, %dma_wait3A_224, %dma_wait3A_225] : memref<32x40x256xi32, #tpu.memory_space<hbm>> -> memref<1x40x256xi32, #tpu.memory_space<hbm>>
      %dma_wait3A_227 = tpu.memref_squeeze %dma_wait3A_226 : memref<1x40x256xi32, #tpu.memory_space<hbm>> -> memref<40x256xi32, #tpu.memory_space<hbm>>
      %dma_wait3A_228 = arith.constant 0 : i32
      %dma_wait3A_229 = tpu.memref_slice %dma_wait3A_227[%run_scoped3A, %dma_wait3A_228] : memref<40x256xi32, #tpu.memory_space<hbm>> -> memref<1x256xi32, #tpu.memory_space<hbm>>
      %dma_wait3A_230 = tpu.memref_squeeze %dma_wait3A_229 : memref<1x256xi32, #tpu.memory_space<hbm>> -> memref<256xi32, #tpu.memory_space<hbm>>
      tpu.wait_dma2 semaphore(%run_scoped3A_202 : memref<!tpu.dma_semaphore, #tpu.memory_space<semaphore_mem>>) src(%dma_wait3A_230 : memref<256xi32, #tpu.memory_space<hbm>>) dst(%arg7 : memref<256xi32, #tpu.memory_space<vmem>>)
      tpu.yield
    }) : () -> ()
    "tpu.region"() ({
      %run_scoped3A_202 = tpu.sem_alloc : memref<!tpu.dma_semaphore, #tpu.memory_space<semaphore_mem>>
      %dma_start3A_203 = arith.constant 0 : i32
      %dma_start3A_204 = arith.constant 0 : i32
      %dma_start3A_205 = tpu.memref_slice %arg4[%add3A, %dma_start3A_203, %dma_start3A_204] : memref<32x80x128xi32, #tpu.memory_space<hbm>> -> memref<1x80x128xi32, #tpu.memory_space<hbm>>
      %dma_start3A_206 = tpu.memref_squeeze %dma_start3A_205 : memref<1x80x128xi32, #tpu.memory_space<hbm>> -> memref<80x128xi32, #tpu.memory_space<hbm>>
      %dma_start3A_207 = arith.constant 0 : i32
      %dma_start3A_208 = arith.constant 0 : i32
      %dma_start3A_209 = tpu.memref_slice %dma_start3A_206[%dma_start3A_207, %dma_start3A_208] : memref<80x128xi32, #tpu.memory_space<hbm>> -> memref<2x128xi32, #tpu.memory_space<hbm>>
      %dma_start3A_210 = arith.constant 0 : i32
      %dma_start3A_211 = arith.constant 0 : i32
      %dma_start3A_212 = tpu.memref_slice %arg4[%add3A, %dma_start3A_210, %dma_start3A_211] : memref<32x80x128xi32, #tpu.memory_space<hbm>> -> memref<1x80x128xi32, #tpu.memory_space<hbm>>
      %dma_start3A_213 = tpu.memref_squeeze %dma_start3A_212 : memref<1x80x128xi32, #tpu.memory_space<hbm>> -> memref<80x128xi32, #tpu.memory_space<hbm>>
      %dma_start3A_214 = arith.constant 0 : i32
      %dma_start3A_215 = arith.constant 0 : i32
      %dma_start3A_216 = tpu.memref_slice %dma_start3A_213[%dma_start3A_214, %dma_start3A_215] : memref<80x128xi32, #tpu.memory_space<hbm>> -> memref<2x128xi32, #tpu.memory_space<hbm>>
      tpu.enqueue_dma source(%dma_start3A_216 : memref<2x128xi32, #tpu.memory_space<hbm>>) target(%arg9 : memref<2x128xi32, #tpu.memory_space<vmem>>) target_semaphore(%run_scoped3A_202 : memref<!tpu.dma_semaphore, #tpu.memory_space<semaphore_mem>>)
      %dma_wait3A_217 = arith.constant 0 : i32
      %dma_wait3A_218 = arith.constant 0 : i32
      %dma_wait3A_219 = tpu.memref_slice %arg4[%add3A, %dma_wait3A_217, %dma_wait3A_218] : memref<32x80x128xi32, #tpu.memory_space<hbm>> -> memref<1x80x128xi32, #tpu.memory_space<hbm>>
      %dma_wait3A_220 = tpu.memref_squeeze %dma_wait3A_219 : memref<1x80x128xi32, #tpu.memory_space<hbm>> -> memref<80x128xi32, #tpu.memory_space<hbm>>
      %dma_wait3A_221 = arith.constant 0 : i32
      %dma_wait3A_222 = arith.constant 0 : i32
      %dma_wait3A_223 = tpu.memref_slice %dma_wait3A_220[%dma_wait3A_221, %dma_wait3A_222] : memref<80x128xi32, #tpu.memory_space<hbm>> -> memref<2x128xi32, #tpu.memory_space<hbm>>
      %dma_wait3A_224 = arith.constant 0 : i32
      %dma_wait3A_225 = arith.constant 0 : i32
      %dma_wait3A_226 = tpu.memref_slice %arg4[%add3A, %dma_wait3A_224, %dma_wait3A_225] : memref<32x80x128xi32, #tpu.memory_space<hbm>> -> memref<1x80x128xi32, #tpu.memory_space<hbm>>
      %dma_wait3A_227 = tpu.memref_squeeze %dma_wait3A_226 : memref<1x80x128xi32, #tpu.memory_space<hbm>> -> memref<80x128xi32, #tpu.memory_space<hbm>>
      %dma_wait3A_228 = arith.constant 0 : i32
      %dma_wait3A_229 = arith.constant 0 : i32
      %dma_wait3A_230 = tpu.memref_slice %dma_wait3A_227[%dma_wait3A_228, %dma_wait3A_229] : memref<80x128xi32, #tpu.memory_space<hbm>> -> memref<2x128xi32, #tpu.memory_space<hbm>>
      tpu.wait_dma2 semaphore(%run_scoped3A_202 : memref<!tpu.dma_semaphore, #tpu.memory_space<semaphore_mem>>) src(%dma_wait3A_230 : memref<2x128xi32, #tpu.memory_space<hbm>>) dst(%arg9 : memref<2x128xi32, #tpu.memory_space<vmem>>)
      tpu.yield
    }) : () -> ()
    %dma_start3A = arith.constant 0 : i32
    %dma_start3A_1 = arith.constant 0 : i32
    %dma_start3A_2 = tpu.memref_slice %arg11[%dma_start3A, %dma_start3A_1] : memref<256x128xf32, #tpu.memory_space<vmem>> -> memref<64x128xf32, #tpu.memory_space<vmem>>
    %dma_start3A_3 = arith.constant 0 : i32
    %dma_start3A_4 = tpu.memref_slice %arg7[%dma_start3A_3] : memref<256xi32, #tpu.memory_space<vmem>> -> memref<64xi32, #tpu.memory_space<vmem>>
    %dma_start3A_5 = arith.constant 0 : i32
    %dma_start3A_6 = arith.constant 0 : i32
    %dma_start3A_7 = tpu.memref_slice %arg2[%dma_start3A_5, %dma_start3A_6] : memref<10000x128xf32, #tpu.memory_space<hbm>> -> memref<10000x128xf32, #tpu.memory_space<hbm>>
    tpu.enqueue_indirect_dma source(%dma_start3A_7 : memref<10000x128xf32, #tpu.memory_space<hbm>>) target(%dma_start3A_2 : memref<64x128xf32, #tpu.memory_space<vmem>>) offsets(%dma_start3A_4 : memref<64xi32, #tpu.memory_space<vmem>>) semaphore(%arg17 : memref<!tpu.dma_semaphore, #tpu.memory_space<semaphore_mem>>)
    %dma_start3A_8 = arith.constant 64 : i32
    %dma_start3A_9 = arith.constant 0 : i32
    %dma_start3A_10 = tpu.memref_slice %arg11[%dma_start3A_8, %dma_start3A_9] : memref<256x128xf32, #tpu.memory_space<vmem>> -> memref<64x128xf32, #tpu.memory_space<vmem>>
    %dma_start3A_11 = arith.constant 64 : i32
    %dma_start3A_12 = tpu.memref_slice %arg7[%dma_start3A_11] : memref<256xi32, #tpu.memory_space<vmem>> -> memref<64xi32, #tpu.memory_space<vmem>>
    %dma_start3A_13 = arith.constant 0 : i32
    %dma_start3A_14 = arith.constant 0 : i32
    %dma_start3A_15 = tpu.memref_slice %arg2[%dma_start3A_13, %dma_start3A_14] : memref<10000x128xf32, #tpu.memory_space<hbm>> -> memref<10000x128xf32, #tpu.memory_space<hbm>>
    tpu.enqueue_indirect_dma source(%dma_start3A_15 : memref<10000x128xf32, #tpu.memory_space<hbm>>) target(%dma_start3A_10 : memref<64x128xf32, #tpu.memory_space<vmem>>) offsets(%dma_start3A_12 : memref<64xi32, #tpu.memory_space<vmem>>) semaphore(%arg18 : memref<!tpu.dma_semaphore, #tpu.memory_space<semaphore_mem>>)
    %dma_start3A_16 = arith.constant 128 : i32
    %dma_start3A_17 = arith.constant 0 : i32
    %dma_start3A_18 = tpu.memref_slice %arg11[%dma_start3A_16, %dma_start3A_17] : memref<256x128xf32, #tpu.memory_space<vmem>> -> memref<64x128xf32, #tpu.memory_space<vmem>>
    %dma_start3A_19 = arith.constant 128 : i32
    %dma_start3A_20 = tpu.memref_slice %arg7[%dma_start3A_19] : memref<256xi32, #tpu.memory_space<vmem>> -> memref<64xi32, #tpu.memory_space<vmem>>
    %dma_start3A_21 = arith.constant 0 : i32
    %dma_start3A_22 = arith.constant 0 : i32
    %dma_start3A_23 = tpu.memref_slice %arg2[%dma_start3A_21, %dma_start3A_22] : memref<10000x128xf32, #tpu.memory_space<hbm>> -> memref<10000x128xf32, #tpu.memory_space<hbm>>
    tpu.enqueue_indirect_dma source(%dma_start3A_23 : memref<10000x128xf32, #tpu.memory_space<hbm>>) target(%dma_start3A_18 : memref<64x128xf32, #tpu.memory_space<vmem>>) offsets(%dma_start3A_20 : memref<64xi32, #tpu.memory_space<vmem>>) semaphore(%arg19 : memref<!tpu.dma_semaphore, #tpu.memory_space<semaphore_mem>>)
    %dma_start3A_24 = arith.constant 192 : i32
    %dma_start3A_25 = arith.constant 0 : i32
    %dma_start3A_26 = tpu.memref_slice %arg11[%dma_start3A_24, %dma_start3A_25] : memref<256x128xf32, #tpu.memory_space<vmem>> -> memref<64x128xf32, #tpu.memory_space<vmem>>
    %dma_start3A_27 = arith.constant 192 : i32
    %dma_start3A_28 = tpu.memref_slice %arg7[%dma_start3A_27] : memref<256xi32, #tpu.memory_space<vmem>> -> memref<64xi32, #tpu.memory_space<vmem>>
    %dma_start3A_29 = arith.constant 0 : i32
    %dma_start3A_30 = arith.constant 0 : i32
    %dma_start3A_31 = tpu.memref_slice %arg2[%dma_start3A_29, %dma_start3A_30] : memref<10000x128xf32, #tpu.memory_space<hbm>> -> memref<10000x128xf32, #tpu.memory_space<hbm>>
    tpu.enqueue_indirect_dma source(%dma_start3A_31 : memref<10000x128xf32, #tpu.memory_space<hbm>>) target(%dma_start3A_26 : memref<64x128xf32, #tpu.memory_space<vmem>>) offsets(%dma_start3A_28 : memref<64xi32, #tpu.memory_space<vmem>>) semaphore(%arg20 : memref<!tpu.dma_semaphore, #tpu.memory_space<semaphore_mem>>)
    %dma_start3A_32 = arith.constant 1 : i32
    %dma_start3A_33 = arith.constant 0 : i32
    %dma_start3A_34 = arith.constant 0 : i32
    %dma_start3A_35 = tpu.memref_slice %arg3[%add3A, %dma_start3A_33, %dma_start3A_34] : memref<32x40x256xi32, #tpu.memory_space<hbm>> -> memref<1x40x256xi32, #tpu.memory_space<hbm>>
    %dma_start3A_36 = tpu.memref_squeeze %dma_start3A_35 : memref<1x40x256xi32, #tpu.memory_space<hbm>> -> memref<40x256xi32, #tpu.memory_space<hbm>>
    %dma_start3A_37 = arith.constant 0 : i32
    %dma_start3A_38 = tpu.memref_slice %dma_start3A_36[%dma_start3A_32, %dma_start3A_37] : memref<40x256xi32, #tpu.memory_space<hbm>> -> memref<1x256xi32, #tpu.memory_space<hbm>>
    %dma_start3A_39 = tpu.memref_squeeze %dma_start3A_38 : memref<1x256xi32, #tpu.memory_space<hbm>> -> memref<256xi32, #tpu.memory_space<hbm>>
    %dma_start3A_40 = arith.constant 0 : i32
    %dma_start3A_41 = arith.constant 0 : i32
    %dma_start3A_42 = tpu.memref_slice %arg3[%add3A, %dma_start3A_40, %dma_start3A_41] : memref<32x40x256xi32, #tpu.memory_space<hbm>> -> memref<1x40x256xi32, #tpu.memory_space<hbm>>
    %dma_start3A_43 = tpu.memref_squeeze %dma_start3A_42 : memref<1x40x256xi32, #tpu.memory_space<hbm>> -> memref<40x256xi32, #tpu.memory_space<hbm>>
    %dma_start3A_44 = arith.constant 0 : i32
    %dma_start3A_45 = tpu.memref_slice %dma_start3A_43[%dma_start3A_32, %dma_start3A_44] : memref<40x256xi32, #tpu.memory_space<hbm>> -> memref<1x256xi32, #tpu.memory_space<hbm>>
    %dma_start3A_46 = tpu.memref_squeeze %dma_start3A_45 : memref<1x256xi32, #tpu.memory_space<hbm>> -> memref<256xi32, #tpu.memory_space<hbm>>
    tpu.enqueue_dma source(%dma_start3A_46 : memref<256xi32, #tpu.memory_space<hbm>>) target(%arg8 : memref<256xi32, #tpu.memory_space<vmem>>) target_semaphore(%arg14 : memref<!tpu.dma_semaphore, #tpu.memory_space<semaphore_mem>>)
    %dma_start3A_47 = arith.constant 0 : i32
    %dma_start3A_48 = arith.constant 0 : i32
    %dma_start3A_49 = tpu.memref_slice %arg4[%add3A, %dma_start3A_47, %dma_start3A_48] : memref<32x80x128xi32, #tpu.memory_space<hbm>> -> memref<1x80x128xi32, #tpu.memory_space<hbm>>
    %dma_start3A_50 = tpu.memref_squeeze %dma_start3A_49 : memref<1x80x128xi32, #tpu.memory_space<hbm>> -> memref<80x128xi32, #tpu.memory_space<hbm>>
    %dma_start3A_51 = arith.constant 2 : i32
    %dma_start3A_52 = arith.constant 0 : i32
    %dma_start3A_53 = tpu.memref_slice %dma_start3A_50[%dma_start3A_51, %dma_start3A_52] : memref<80x128xi32, #tpu.memory_space<hbm>> -> memref<2x128xi32, #tpu.memory_space<hbm>>
    %dma_start3A_54 = arith.constant 0 : i32
    %dma_start3A_55 = arith.constant 0 : i32
    %dma_start3A_56 = tpu.memref_slice %arg4[%add3A, %dma_start3A_54, %dma_start3A_55] : memref<32x80x128xi32, #tpu.memory_space<hbm>> -> memref<1x80x128xi32, #tpu.memory_space<hbm>>
    %dma_start3A_57 = tpu.memref_squeeze %dma_start3A_56 : memref<1x80x128xi32, #tpu.memory_space<hbm>> -> memref<80x128xi32, #tpu.memory_space<hbm>>
    %dma_start3A_58 = arith.constant 2 : i32
    %dma_start3A_59 = arith.constant 0 : i32
    %dma_start3A_60 = tpu.memref_slice %dma_start3A_57[%dma_start3A_58, %dma_start3A_59] : memref<80x128xi32, #tpu.memory_space<hbm>> -> memref<2x128xi32, #tpu.memory_space<hbm>>
    tpu.enqueue_dma source(%dma_start3A_60 : memref<2x128xi32, #tpu.memory_space<hbm>>) target(%arg10 : memref<2x128xi32, #tpu.memory_space<vmem>>) target_semaphore(%arg16 : memref<!tpu.dma_semaphore, #tpu.memory_space<semaphore_mem>>)
    %mul3A_61 = arith.constant 640 : i32
    %mul3A_62 = arith.muli %arg1, %mul3A_61 : i32
    %mul3A_63 = arith.constant 640 : i32
    %mul3A_64 = arith.muli %arg1, %mul3A_63 : i32
    "tpu.region"() ({
      %run_scoped3A_202 = tpu.sem_alloc : memref<!tpu.dma_semaphore, #tpu.memory_space<semaphore_mem>>
      %dma_start3A_203 = arith.constant 0 : i32
      %dma_start3A_204 = tpu.memref_slice %arg12[%mul3A_64, %dma_start3A_203] : memref<10240x128xf32, #tpu.memory_space<vmem_shared>> -> memref<640x128xf32, #tpu.memory_space<vmem_shared>>
      %dma_start3A_205 = arith.constant 0 : i32
      %dma_start3A_206 = tpu.memref_slice %arg5[%mul3A_62, %dma_start3A_205] : memref<10240x128xf32, #tpu.memory_space<hbm>> -> memref<640x128xf32, #tpu.memory_space<hbm>>
      tpu.enqueue_dma source(%dma_start3A_206 : memref<640x128xf32, #tpu.memory_space<hbm>>) target(%dma_start3A_204 : memref<640x128xf32, #tpu.memory_space<vmem_shared>>) target_semaphore(%run_scoped3A_202 : memref<!tpu.dma_semaphore, #tpu.memory_space<semaphore_mem>>)
      %dma_wait3A_207 = arith.constant 0 : i32
      %dma_wait3A_208 = tpu.memref_slice %arg12[%mul3A_64, %dma_wait3A_207] : memref<10240x128xf32, #tpu.memory_space<vmem_shared>> -> memref<640x128xf32, #tpu.memory_space<vmem_shared>>
      %dma_wait3A_209 = arith.constant 0 : i32
      %dma_wait3A_210 = tpu.memref_slice %arg5[%mul3A_62, %dma_wait3A_209] : memref<10240x128xf32, #tpu.memory_space<hbm>> -> memref<640x128xf32, #tpu.memory_space<hbm>>
      tpu.wait_dma2 semaphore(%run_scoped3A_202 : memref<!tpu.dma_semaphore, #tpu.memory_space<semaphore_mem>>) src(%dma_wait3A_210 : memref<640x128xf32, #tpu.memory_space<hbm>>) dst(%dma_wait3A_208 : memref<640x128xf32, #tpu.memory_space<vmem_shared>>)
      tpu.yield
    }) : () -> ()
    %barrier3A = arith.constant 0 : index
    tpu.barrier barrier_id(%barrier3A)
    %scan3A = arith.constant 0 : i32
    %scan3A_65 = arith.constant 19 : i32
    %scan3A_66 = arith.addi %scan3A, %scan3A_65 : i32
    %scan3A_67 = arith.constant 1 : i32
    scf.for %scan3A_202 = %scan3A to %scan3A_66 step %scan3A_67  : i32 {
      %mul3A_203 = arith.constant 1 : i32
      %mul3A_204 = arith.muli %scan3A_202, %mul3A_203 : i32
      %add3A_205 = arith.constant 0 : i32
      %add3A_206 = arith.addi %add3A_205, %mul3A_204 : i32
      %mul3A_207 = arith.constant 2 : i32
      %mul3A_208 = arith.muli %mul3A_207, %add3A_206 : i32
      %add3A_209 = arith.constant 1 : i32
      %add3A_210 = arith.addi %mul3A_208, %add3A_209 : i32
      %dma_wait3A_211 = arith.constant 0 : i32
      %dma_wait3A_212 = arith.constant 0 : i32
      %dma_wait3A_213 = tpu.memref_slice %arg3[%add3A, %dma_wait3A_211, %dma_wait3A_212] : memref<32x40x256xi32, #tpu.memory_space<hbm>> -> memref<1x40x256xi32, #tpu.memory_space<hbm>>
      %dma_wait3A_214 = tpu.memref_squeeze %dma_wait3A_213 : memref<1x40x256xi32, #tpu.memory_space<hbm>> -> memref<40x256xi32, #tpu.memory_space<hbm>>
      %dma_wait3A_215 = arith.constant 0 : i32
      %dma_wait3A_216 = tpu.memref_slice %dma_wait3A_214[%add3A_210, %dma_wait3A_215] : memref<40x256xi32, #tpu.memory_space<hbm>> -> memref<1x256xi32, #tpu.memory_space<hbm>>
      %dma_wait3A_217 = tpu.memref_squeeze %dma_wait3A_216 : memref<1x256xi32, #tpu.memory_space<hbm>> -> memref<256xi32, #tpu.memory_space<hbm>>
      %dma_wait3A_218 = arith.constant 0 : i32
      %dma_wait3A_219 = arith.constant 0 : i32
      %dma_wait3A_220 = tpu.memref_slice %arg3[%add3A, %dma_wait3A_218, %dma_wait3A_219] : memref<32x40x256xi32, #tpu.memory_space<hbm>> -> memref<1x40x256xi32, #tpu.memory_space<hbm>>
      %dma_wait3A_221 = tpu.memref_squeeze %dma_wait3A_220 : memref<1x40x256xi32, #tpu.memory_space<hbm>> -> memref<40x256xi32, #tpu.memory_space<hbm>>
      %dma_wait3A_222 = arith.constant 0 : i32
      %dma_wait3A_223 = tpu.memref_slice %dma_wait3A_221[%add3A_210, %dma_wait3A_222] : memref<40x256xi32, #tpu.memory_space<hbm>> -> memref<1x256xi32, #tpu.memory_space<hbm>>
      %dma_wait3A_224 = tpu.memref_squeeze %dma_wait3A_223 : memref<1x256xi32, #tpu.memory_space<hbm>> -> memref<256xi32, #tpu.memory_space<hbm>>
      tpu.wait_dma2 semaphore(%arg14 : memref<!tpu.dma_semaphore, #tpu.memory_space<semaphore_mem>>) src(%dma_wait3A_224 : memref<256xi32, #tpu.memory_space<hbm>>) dst(%arg8 : memref<256xi32, #tpu.memory_space<vmem>>)
      %mul3A_225 = arith.constant 2 : i32
      %mul3A_226 = arith.muli %mul3A_225, %mul3A_208 : i32
      %add3A_227 = arith.constant 2 : i32
      %add3A_228 = arith.addi %mul3A_226, %add3A_227 : i32
      %dma_wait3A_229 = arith.constant 0 : i32
      %dma_wait3A_230 = arith.constant 0 : i32
      %dma_wait3A_231 = tpu.memref_slice %arg4[%add3A, %dma_wait3A_229, %dma_wait3A_230] : memref<32x80x128xi32, #tpu.memory_space<hbm>> -> memref<1x80x128xi32, #tpu.memory_space<hbm>>
      %dma_wait3A_232 = tpu.memref_squeeze %dma_wait3A_231 : memref<1x80x128xi32, #tpu.memory_space<hbm>> -> memref<80x128xi32, #tpu.memory_space<hbm>>
      %dma_wait3A_233 = arith.constant 0 : i32
      %dma_wait3A_234 = tpu.memref_slice %dma_wait3A_232[%add3A_228, %dma_wait3A_233] : memref<80x128xi32, #tpu.memory_space<hbm>> -> memref<2x128xi32, #tpu.memory_space<hbm>>
      %dma_wait3A_235 = arith.constant 0 : i32
      %dma_wait3A_236 = arith.constant 0 : i32
      %dma_wait3A_237 = tpu.memref_slice %arg4[%add3A, %dma_wait3A_235, %dma_wait3A_236] : memref<32x80x128xi32, #tpu.memory_space<hbm>> -> memref<1x80x128xi32, #tpu.memory_space<hbm>>
      %dma_wait3A_238 = tpu.memref_squeeze %dma_wait3A_237 : memref<1x80x128xi32, #tpu.memory_space<hbm>> -> memref<80x128xi32, #tpu.memory_space<hbm>>
      %dma_wait3A_239 = arith.constant 0 : i32
      %dma_wait3A_240 = tpu.memref_slice %dma_wait3A_238[%add3A_228, %dma_wait3A_239] : memref<80x128xi32, #tpu.memory_space<hbm>> -> memref<2x128xi32, #tpu.memory_space<hbm>>
      tpu.wait_dma2 semaphore(%arg16 : memref<!tpu.dma_semaphore, #tpu.memory_space<semaphore_mem>>) src(%dma_wait3A_240 : memref<2x128xi32, #tpu.memory_space<hbm>>) dst(%arg10 : memref<2x128xi32, #tpu.memory_space<vmem>>)
      %dma_wait3A_241 = arith.constant 0 : i32
      %dma_wait3A_242 = arith.constant 0 : i32
      %dma_wait3A_243 = tpu.memref_slice %arg11[%dma_wait3A_241, %dma_wait3A_242] : memref<256x128xf32, #tpu.memory_space<vmem>> -> memref<64x128xf32, #tpu.memory_space<vmem>>
      %dma_wait3A_244 = arith.constant 0 : i32
      %dma_wait3A_245 = tpu.memref_slice %arg7[%dma_wait3A_244] : memref<256xi32, #tpu.memory_space<vmem>> -> memref<64xi32, #tpu.memory_space<vmem>>
      %dma_wait3A_246 = arith.constant 0 : i32
      %dma_wait3A_247 = arith.constant 0 : i32
      %dma_wait3A_248 = tpu.memref_slice %arg2[%dma_wait3A_246, %dma_wait3A_247] : memref<10000x128xf32, #tpu.memory_space<hbm>> -> memref<10000x128xf32, #tpu.memory_space<hbm>>
      tpu.wait_indirect_dma semaphore(%arg17 : memref<!tpu.dma_semaphore, #tpu.memory_space<semaphore_mem>>) src(%dma_wait3A_248 : memref<10000x128xf32, #tpu.memory_space<hbm>>) dst(%dma_wait3A_243 : memref<64x128xf32, #tpu.memory_space<vmem>>)
      %dma_wait3A_249 = arith.constant 64 : i32
      %dma_wait3A_250 = arith.constant 0 : i32
      %dma_wait3A_251 = tpu.memref_slice %arg11[%dma_wait3A_249, %dma_wait3A_250] : memref<256x128xf32, #tpu.memory_space<vmem>> -> memref<64x128xf32, #tpu.memory_space<vmem>>
      %dma_wait3A_252 = arith.constant 64 : i32
      %dma_wait3A_253 = tpu.memref_slice %arg7[%dma_wait3A_252] : memref<256xi32, #tpu.memory_space<vmem>> -> memref<64xi32, #tpu.memory_space<vmem>>
      %dma_wait3A_254 = arith.constant 0 : i32
      %dma_wait3A_255 = arith.constant 0 : i32
      %dma_wait3A_256 = tpu.memref_slice %arg2[%dma_wait3A_254, %dma_wait3A_255] : memref<10000x128xf32, #tpu.memory_space<hbm>> -> memref<10000x128xf32, #tpu.memory_space<hbm>>
      tpu.wait_indirect_dma semaphore(%arg18 : memref<!tpu.dma_semaphore, #tpu.memory_space<semaphore_mem>>) src(%dma_wait3A_256 : memref<10000x128xf32, #tpu.memory_space<hbm>>) dst(%dma_wait3A_251 : memref<64x128xf32, #tpu.memory_space<vmem>>)
      %run_scoped3A_257 = arith.constant 0 : i32
      "tpu.region"() ({
        %run_scoped3A_469 = tpu.sem_alloc : memref<!tpu.dma_semaphore, #tpu.memory_space<semaphore_mem>>
        %dma_start3A_470 = arith.constant 0 : i32
        %dma_start3A_471 = arith.constant 0 : i32
        %dma_start3A_472 = tpu.memref_slice %arg11[%dma_start3A_470, %dma_start3A_471] : memref<256x128xf32, #tpu.memory_space<vmem>> -> memref<128x128xf32, #tpu.memory_space<vmem>>
        %dma_start3A_473 = arith.constant 0 : i32
        %dma_start3A_474 = tpu.memref_slice %arg9[%run_scoped3A_257, %dma_start3A_473] : memref<2x128xi32, #tpu.memory_space<vmem>> -> memref<1x128xi32, #tpu.memory_space<vmem>>
        %dma_start3A_475 = tpu.memref_squeeze %dma_start3A_474 : memref<1x128xi32, #tpu.memory_space<vmem>> -> memref<128xi32, #tpu.memory_space<vmem>>
        %dma_start3A_476 = arith.constant 0 : i32
        %dma_start3A_477 = arith.constant 0 : i32
        %dma_start3A_478 = tpu.memref_slice %arg12[%dma_start3A_476, %dma_start3A_477] : memref<10240x128xf32, #tpu.memory_space<vmem_shared>> -> memref<10240x128xf32, #tpu.memory_space<vmem_shared>>
        tpu.enqueue_indirect_dma source(%dma_start3A_472 : memref<128x128xf32, #tpu.memory_space<vmem>>) target(%dma_start3A_478 : memref<10240x128xf32, #tpu.memory_space<vmem_shared>>) offsets(%dma_start3A_475 : memref<128xi32, #tpu.memory_space<vmem>>) semaphore(%run_scoped3A_469 : memref<!tpu.dma_semaphore, #tpu.memory_space<semaphore_mem>>) {add = true}
        %dma_wait3A_479 = arith.constant 0 : i32
        %dma_wait3A_480 = arith.constant 0 : i32
        %dma_wait3A_481 = tpu.memref_slice %arg11[%dma_wait3A_479, %dma_wait3A_480] : memref<256x128xf32, #tpu.memory_space<vmem>> -> memref<128x128xf32, #tpu.memory_space<vmem>>
        %dma_wait3A_482 = arith.constant 0 : i32
        %dma_wait3A_483 = tpu.memref_slice %arg9[%run_scoped3A_257, %dma_wait3A_482] : memref<2x128xi32, #tpu.memory_space<vmem>> -> memref<1x128xi32, #tpu.memory_space<vmem>>
        %dma_wait3A_484 = tpu.memref_squeeze %dma_wait3A_483 : memref<1x128xi32, #tpu.memory_space<vmem>> -> memref<128xi32, #tpu.memory_space<vmem>>
        %dma_wait3A_485 = arith.constant 0 : i32
        %dma_wait3A_486 = arith.constant 0 : i32
        %dma_wait3A_487 = tpu.memref_slice %arg12[%dma_wait3A_485, %dma_wait3A_486] : memref<10240x128xf32, #tpu.memory_space<vmem_shared>> -> memref<10240x128xf32, #tpu.memory_space<vmem_shared>>
        tpu.wait_indirect_dma semaphore(%run_scoped3A_469 : memref<!tpu.dma_semaphore, #tpu.memory_space<semaphore_mem>>) src(%dma_wait3A_481 : memref<128x128xf32, #tpu.memory_space<vmem>>) dst(%dma_wait3A_487 : memref<10240x128xf32, #tpu.memory_space<vmem_shared>>)
        tpu.yield
      }) : () -> ()
      %dma_start3A_258 = arith.constant 0 : i32
      %dma_start3A_259 = arith.constant 0 : i32
      %dma_start3A_260 = tpu.memref_slice %arg11[%dma_start3A_258, %dma_start3A_259] : memref<256x128xf32, #tpu.memory_space<vmem>> -> memref<64x128xf32, #tpu.memory_space<vmem>>
      %dma_start3A_261 = arith.constant 0 : i32
      %dma_start3A_262 = tpu.memref_slice %arg8[%dma_start3A_261] : memref<256xi32, #tpu.memory_space<vmem>> -> memref<64xi32, #tpu.memory_space<vmem>>
      %dma_start3A_263 = arith.constant 0 : i32
      %dma_start3A_264 = arith.constant 0 : i32
      %dma_start3A_265 = tpu.memref_slice %arg2[%dma_start3A_263, %dma_start3A_264] : memref<10000x128xf32, #tpu.memory_space<hbm>> -> memref<10000x128xf32, #tpu.memory_space<hbm>>
      tpu.enqueue_indirect_dma source(%dma_start3A_265 : memref<10000x128xf32, #tpu.memory_space<hbm>>) target(%dma_start3A_260 : memref<64x128xf32, #tpu.memory_space<vmem>>) offsets(%dma_start3A_262 : memref<64xi32, #tpu.memory_space<vmem>>) semaphore(%arg17 : memref<!tpu.dma_semaphore, #tpu.memory_space<semaphore_mem>>)
      %dma_start3A_266 = arith.constant 64 : i32
      %dma_start3A_267 = arith.constant 0 : i32
      %dma_start3A_268 = tpu.memref_slice %arg11[%dma_start3A_266, %dma_start3A_267] : memref<256x128xf32, #tpu.memory_space<vmem>> -> memref<64x128xf32, #tpu.memory_space<vmem>>
      %dma_start3A_269 = arith.constant 64 : i32
      %dma_start3A_270 = tpu.memref_slice %arg8[%dma_start3A_269] : memref<256xi32, #tpu.memory_space<vmem>> -> memref<64xi32, #tpu.memory_space<vmem>>
      %dma_start3A_271 = arith.constant 0 : i32
      %dma_start3A_272 = arith.constant 0 : i32
      %dma_start3A_273 = tpu.memref_slice %arg2[%dma_start3A_271, %dma_start3A_272] : memref<10000x128xf32, #tpu.memory_space<hbm>> -> memref<10000x128xf32, #tpu.memory_space<hbm>>
      tpu.enqueue_indirect_dma source(%dma_start3A_273 : memref<10000x128xf32, #tpu.memory_space<hbm>>) target(%dma_start3A_268 : memref<64x128xf32, #tpu.memory_space<vmem>>) offsets(%dma_start3A_270 : memref<64xi32, #tpu.memory_space<vmem>>) semaphore(%arg18 : memref<!tpu.dma_semaphore, #tpu.memory_space<semaphore_mem>>)
      %dma_wait3A_274 = arith.constant 128 : i32
      %dma_wait3A_275 = arith.constant 0 : i32
      %dma_wait3A_276 = tpu.memref_slice %arg11[%dma_wait3A_274, %dma_wait3A_275] : memref<256x128xf32, #tpu.memory_space<vmem>> -> memref<64x128xf32, #tpu.memory_space<vmem>>
      %dma_wait3A_277 = arith.constant 128 : i32
      %dma_wait3A_278 = tpu.memref_slice %arg7[%dma_wait3A_277] : memref<256xi32, #tpu.memory_space<vmem>> -> memref<64xi32, #tpu.memory_space<vmem>>
      %dma_wait3A_279 = arith.constant 0 : i32
      %dma_wait3A_280 = arith.constant 0 : i32
      %dma_wait3A_281 = tpu.memref_slice %arg2[%dma_wait3A_279, %dma_wait3A_280] : memref<10000x128xf32, #tpu.memory_space<hbm>> -> memref<10000x128xf32, #tpu.memory_space<hbm>>
      tpu.wait_indirect_dma semaphore(%arg19 : memref<!tpu.dma_semaphore, #tpu.memory_space<semaphore_mem>>) src(%dma_wait3A_281 : memref<10000x128xf32, #tpu.memory_space<hbm>>) dst(%dma_wait3A_276 : memref<64x128xf32, #tpu.memory_space<vmem>>)
      %dma_wait3A_282 = arith.constant 192 : i32
      %dma_wait3A_283 = arith.constant 0 : i32
      %dma_wait3A_284 = tpu.memref_slice %arg11[%dma_wait3A_282, %dma_wait3A_283] : memref<256x128xf32, #tpu.memory_space<vmem>> -> memref<64x128xf32, #tpu.memory_space<vmem>>
      %dma_wait3A_285 = arith.constant 192 : i32
      %dma_wait3A_286 = tpu.memref_slice %arg7[%dma_wait3A_285] : memref<256xi32, #tpu.memory_space<vmem>> -> memref<64xi32, #tpu.memory_space<vmem>>
      %dma_wait3A_287 = arith.constant 0 : i32
      %dma_wait3A_288 = arith.constant 0 : i32
      %dma_wait3A_289 = tpu.memref_slice %arg2[%dma_wait3A_287, %dma_wait3A_288] : memref<10000x128xf32, #tpu.memory_space<hbm>> -> memref<10000x128xf32, #tpu.memory_space<hbm>>
      tpu.wait_indirect_dma semaphore(%arg20 : memref<!tpu.dma_semaphore, #tpu.memory_space<semaphore_mem>>) src(%dma_wait3A_289 : memref<10000x128xf32, #tpu.memory_space<hbm>>) dst(%dma_wait3A_284 : memref<64x128xf32, #tpu.memory_space<vmem>>)
      %run_scoped3A_290 = arith.constant 1 : i32
      "tpu.region"() ({
        %run_scoped3A_469 = tpu.sem_alloc : memref<!tpu.dma_semaphore, #tpu.memory_space<semaphore_mem>>
        %dma_start3A_470 = arith.constant 128 : i32
        %dma_start3A_471 = arith.constant 0 : i32
        %dma_start3A_472 = tpu.memref_slice %arg11[%dma_start3A_470, %dma_start3A_471] : memref<256x128xf32, #tpu.memory_space<vmem>> -> memref<128x128xf32, #tpu.memory_space<vmem>>
        %dma_start3A_473 = arith.constant 0 : i32
        %dma_start3A_474 = tpu.memref_slice %arg9[%run_scoped3A_290, %dma_start3A_473] : memref<2x128xi32, #tpu.memory_space<vmem>> -> memref<1x128xi32, #tpu.memory_space<vmem>>
        %dma_start3A_475 = tpu.memref_squeeze %dma_start3A_474 : memref<1x128xi32, #tpu.memory_space<vmem>> -> memref<128xi32, #tpu.memory_space<vmem>>
        %dma_start3A_476 = arith.constant 0 : i32
        %dma_start3A_477 = arith.constant 0 : i32
        %dma_start3A_478 = tpu.memref_slice %arg12[%dma_start3A_476, %dma_start3A_477] : memref<10240x128xf32, #tpu.memory_space<vmem_shared>> -> memref<10240x128xf32, #tpu.memory_space<vmem_shared>>
        tpu.enqueue_indirect_dma source(%dma_start3A_472 : memref<128x128xf32, #tpu.memory_space<vmem>>) target(%dma_start3A_478 : memref<10240x128xf32, #tpu.memory_space<vmem_shared>>) offsets(%dma_start3A_475 : memref<128xi32, #tpu.memory_space<vmem>>) semaphore(%run_scoped3A_469 : memref<!tpu.dma_semaphore, #tpu.memory_space<semaphore_mem>>) {add = true}
        %dma_wait3A_479 = arith.constant 128 : i32
        %dma_wait3A_480 = arith.constant 0 : i32
        %dma_wait3A_481 = tpu.memref_slice %arg11[%dma_wait3A_479, %dma_wait3A_480] : memref<256x128xf32, #tpu.memory_space<vmem>> -> memref<128x128xf32, #tpu.memory_space<vmem>>
        %dma_wait3A_482 = arith.constant 0 : i32
        %dma_wait3A_483 = tpu.memref_slice %arg9[%run_scoped3A_290, %dma_wait3A_482] : memref<2x128xi32, #tpu.memory_space<vmem>> -> memref<1x128xi32, #tpu.memory_space<vmem>>
        %dma_wait3A_484 = tpu.memref_squeeze %dma_wait3A_483 : memref<1x128xi32, #tpu.memory_space<vmem>> -> memref<128xi32, #tpu.memory_space<vmem>>
        %dma_wait3A_485 = arith.constant 0 : i32
        %dma_wait3A_486 = arith.constant 0 : i32
        %dma_wait3A_487 = tpu.memref_slice %arg12[%dma_wait3A_485, %dma_wait3A_486] : memref<10240x128xf32, #tpu.memory_space<vmem_shared>> -> memref<10240x128xf32, #tpu.memory_space<vmem_shared>>
        tpu.wait_indirect_dma semaphore(%run_scoped3A_469 : memref<!tpu.dma_semaphore, #tpu.memory_space<semaphore_mem>>) src(%dma_wait3A_481 : memref<128x128xf32, #tpu.memory_space<vmem>>) dst(%dma_wait3A_487 : memref<10240x128xf32, #tpu.memory_space<vmem_shared>>)
        tpu.yield
      }) : () -> ()
      %dma_start3A_291 = arith.constant 128 : i32
      %dma_start3A_292 = arith.constant 0 : i32
      %dma_start3A_293 = tpu.memref_slice %arg11[%dma_start3A_291, %dma_start3A_292] : memref<256x128xf32, #tpu.memory_space<vmem>> -> memref<64x128xf32, #tpu.memory_space<vmem>>
      %dma_start3A_294 = arith.constant 128 : i32
      %dma_start3A_295 = tpu.memref_slice %arg8[%dma_start3A_294] : memref<256xi32, #tpu.memory_space<vmem>> -> memref<64xi32, #tpu.memory_space<vmem>>
      %dma_start3A_296 = arith.constant 0 : i32
      %dma_start3A_297 = arith.constant 0 : i32
      %dma_start3A_298 = tpu.memref_slice %arg2[%dma_start3A_296, %dma_start3A_297] : memref<10000x128xf32, #tpu.memory_space<hbm>> -> memref<10000x128xf32, #tpu.memory_space<hbm>>
      tpu.enqueue_indirect_dma source(%dma_start3A_298 : memref<10000x128xf32, #tpu.memory_space<hbm>>) target(%dma_start3A_293 : memref<64x128xf32, #tpu.memory_space<vmem>>) offsets(%dma_start3A_295 : memref<64xi32, #tpu.memory_space<vmem>>) semaphore(%arg19 : memref<!tpu.dma_semaphore, #tpu.memory_space<semaphore_mem>>)
      %dma_start3A_299 = arith.constant 192 : i32
      %dma_start3A_300 = arith.constant 0 : i32
      %dma_start3A_301 = tpu.memref_slice %arg11[%dma_start3A_299, %dma_start3A_300] : memref<256x128xf32, #tpu.memory_space<vmem>> -> memref<64x128xf32, #tpu.memory_space<vmem>>
      %dma_start3A_302 = arith.constant 192 : i32
      %dma_start3A_303 = tpu.memref_slice %arg8[%dma_start3A_302] : memref<256xi32, #tpu.memory_space<vmem>> -> memref<64xi32, #tpu.memory_space<vmem>>
      %dma_start3A_304 = arith.constant 0 : i32
      %dma_start3A_305 = arith.constant 0 : i32
      %dma_start3A_306 = tpu.memref_slice %arg2[%dma_start3A_304, %dma_start3A_305] : memref<10000x128xf32, #tpu.memory_space<hbm>> -> memref<10000x128xf32, #tpu.memory_space<hbm>>
      tpu.enqueue_indirect_dma source(%dma_start3A_306 : memref<10000x128xf32, #tpu.memory_space<hbm>>) target(%dma_start3A_301 : memref<64x128xf32, #tpu.memory_space<vmem>>) offsets(%dma_start3A_303 : memref<64xi32, #tpu.memory_space<vmem>>) semaphore(%arg20 : memref<!tpu.dma_semaphore, #tpu.memory_space<semaphore_mem>>)
      %add3A_307 = arith.constant 2 : i32
      %add3A_308 = arith.addi %mul3A_208, %add3A_307 : i32
      %dma_start3A_309 = arith.constant 0 : i32
      %dma_start3A_310 = arith.constant 0 : i32
      %dma_start3A_311 = tpu.memref_slice %arg3[%add3A, %dma_start3A_309, %dma_start3A_310] : memref<32x40x256xi32, #tpu.memory_space<hbm>> -> memref<1x40x256xi32, #tpu.memory_space<hbm>>
      %dma_start3A_312 = tpu.memref_squeeze %dma_start3A_311 : memref<1x40x256xi32, #tpu.memory_space<hbm>> -> memref<40x256xi32, #tpu.memory_space<hbm>>
      %dma_start3A_313 = arith.constant 0 : i32
      %dma_start3A_314 = tpu.memref_slice %dma_start3A_312[%add3A_308, %dma_start3A_313] : memref<40x256xi32, #tpu.memory_space<hbm>> -> memref<1x256xi32, #tpu.memory_space<hbm>>
      %dma_start3A_315 = tpu.memref_squeeze %dma_start3A_314 : memref<1x256xi32, #tpu.memory_space<hbm>> -> memref<256xi32, #tpu.memory_space<hbm>>
      %dma_start3A_316 = arith.constant 0 : i32
      %dma_start3A_317 = arith.constant 0 : i32
      %dma_start3A_318 = tpu.memref_slice %arg3[%add3A, %dma_start3A_316, %dma_start3A_317] : memref<32x40x256xi32, #tpu.memory_space<hbm>> -> memref<1x40x256xi32, #tpu.memory_space<hbm>>
      %dma_start3A_319 = tpu.memref_squeeze %dma_start3A_318 : memref<1x40x256xi32, #tpu.memory_space<hbm>> -> memref<40x256xi32, #tpu.memory_space<hbm>>
      %dma_start3A_320 = arith.constant 0 : i32
      %dma_start3A_321 = tpu.memref_slice %dma_start3A_319[%add3A_308, %dma_start3A_320] : memref<40x256xi32, #tpu.memory_space<hbm>> -> memref<1x256xi32, #tpu.memory_space<hbm>>
      %dma_start3A_322 = tpu.memref_squeeze %dma_start3A_321 : memref<1x256xi32, #tpu.memory_space<hbm>> -> memref<256xi32, #tpu.memory_space<hbm>>
      tpu.enqueue_dma source(%dma_start3A_322 : memref<256xi32, #tpu.memory_space<hbm>>) target(%arg7 : memref<256xi32, #tpu.memory_space<vmem>>) target_semaphore(%arg13 : memref<!tpu.dma_semaphore, #tpu.memory_space<semaphore_mem>>)
      %mul3A_323 = arith.constant 2 : i32
      %mul3A_324 = arith.muli %mul3A_323, %mul3A_208 : i32
      %add3A_325 = arith.constant 4 : i32
      %add3A_326 = arith.addi %mul3A_324, %add3A_325 : i32
      %dma_start3A_327 = arith.constant 0 : i32
      %dma_start3A_328 = arith.constant 0 : i32
      %dma_start3A_329 = tpu.memref_slice %arg4[%add3A, %dma_start3A_327, %dma_start3A_328] : memref<32x80x128xi32, #tpu.memory_space<hbm>> -> memref<1x80x128xi32, #tpu.memory_space<hbm>>
      %dma_start3A_330 = tpu.memref_squeeze %dma_start3A_329 : memref<1x80x128xi32, #tpu.memory_space<hbm>> -> memref<80x128xi32, #tpu.memory_space<hbm>>
      %dma_start3A_331 = arith.constant 0 : i32
      %dma_start3A_332 = tpu.memref_slice %dma_start3A_330[%add3A_326, %dma_start3A_331] : memref<80x128xi32, #tpu.memory_space<hbm>> -> memref<2x128xi32, #tpu.memory_space<hbm>>
      %dma_start3A_333 = arith.constant 0 : i32
      %dma_start3A_334 = arith.constant 0 : i32
      %dma_start3A_335 = tpu.memref_slice %arg4[%add3A, %dma_start3A_333, %dma_start3A_334] : memref<32x80x128xi32, #tpu.memory_space<hbm>> -> memref<1x80x128xi32, #tpu.memory_space<hbm>>
      %dma_start3A_336 = tpu.memref_squeeze %dma_start3A_335 : memref<1x80x128xi32, #tpu.memory_space<hbm>> -> memref<80x128xi32, #tpu.memory_space<hbm>>
      %dma_start3A_337 = arith.constant 0 : i32
      %dma_start3A_338 = tpu.memref_slice %dma_start3A_336[%add3A_326, %dma_start3A_337] : memref<80x128xi32, #tpu.memory_space<hbm>> -> memref<2x128xi32, #tpu.memory_space<hbm>>
      tpu.enqueue_dma source(%dma_start3A_338 : memref<2x128xi32, #tpu.memory_space<hbm>>) target(%arg9 : memref<2x128xi32, #tpu.memory_space<vmem>>) target_semaphore(%arg15 : memref<!tpu.dma_semaphore, #tpu.memory_space<semaphore_mem>>)
      %add3A_339 = arith.constant 2 : i32
      %add3A_340 = arith.addi %mul3A_208, %add3A_339 : i32
      %dma_wait3A_341 = arith.constant 0 : i32
      %dma_wait3A_342 = arith.constant 0 : i32
      %dma_wait3A_343 = tpu.memref_slice %arg3[%add3A, %dma_wait3A_341, %dma_wait3A_342] : memref<32x40x256xi32, #tpu.memory_space<hbm>> -> memref<1x40x256xi32, #tpu.memory_space<hbm>>
      %dma_wait3A_344 = tpu.memref_squeeze %dma_wait3A_343 : memref<1x40x256xi32, #tpu.memory_space<hbm>> -> memref<40x256xi32, #tpu.memory_space<hbm>>
      %dma_wait3A_345 = arith.constant 0 : i32
      %dma_wait3A_346 = tpu.memref_slice %dma_wait3A_344[%add3A_340, %dma_wait3A_345] : memref<40x256xi32, #tpu.memory_space<hbm>> -> memref<1x256xi32, #tpu.memory_space<hbm>>
      %dma_wait3A_347 = tpu.memref_squeeze %dma_wait3A_346 : memref<1x256xi32, #tpu.memory_space<hbm>> -> memref<256xi32, #tpu.memory_space<hbm>>
      %dma_wait3A_348 = arith.constant 0 : i32
      %dma_wait3A_349 = arith.constant 0 : i32
      %dma_wait3A_350 = tpu.memref_slice %arg3[%add3A, %dma_wait3A_348, %dma_wait3A_349] : memref<32x40x256xi32, #tpu.memory_space<hbm>> -> memref<1x40x256xi32, #tpu.memory_space<hbm>>
      %dma_wait3A_351 = tpu.memref_squeeze %dma_wait3A_350 : memref<1x40x256xi32, #tpu.memory_space<hbm>> -> memref<40x256xi32, #tpu.memory_space<hbm>>
      %dma_wait3A_352 = arith.constant 0 : i32
      %dma_wait3A_353 = tpu.memref_slice %dma_wait3A_351[%add3A_340, %dma_wait3A_352] : memref<40x256xi32, #tpu.memory_space<hbm>> -> memref<1x256xi32, #tpu.memory_space<hbm>>
      %dma_wait3A_354 = tpu.memref_squeeze %dma_wait3A_353 : memref<1x256xi32, #tpu.memory_space<hbm>> -> memref<256xi32, #tpu.memory_space<hbm>>
      tpu.wait_dma2 semaphore(%arg13 : memref<!tpu.dma_semaphore, #tpu.memory_space<semaphore_mem>>) src(%dma_wait3A_354 : memref<256xi32, #tpu.memory_space<hbm>>) dst(%arg7 : memref<256xi32, #tpu.memory_space<vmem>>)
      %mul3A_355 = arith.constant 2 : i32
      %mul3A_356 = arith.muli %mul3A_355, %mul3A_208 : i32
      %add3A_357 = arith.constant 4 : i32
      %add3A_358 = arith.addi %mul3A_356, %add3A_357 : i32
      %dma_wait3A_359 = arith.constant 0 : i32
      %dma_wait3A_360 = arith.constant 0 : i32
      %dma_wait3A_361 = tpu.memref_slice %arg4[%add3A, %dma_wait3A_359, %dma_wait3A_360] : memref<32x80x128xi32, #tpu.memory_space<hbm>> -> memref<1x80x128xi32, #tpu.memory_space<hbm>>
      %dma_wait3A_362 = tpu.memref_squeeze %dma_wait3A_361 : memref<1x80x128xi32, #tpu.memory_space<hbm>> -> memref<80x128xi32, #tpu.memory_space<hbm>>
      %dma_wait3A_363 = arith.constant 0 : i32
      %dma_wait3A_364 = tpu.memref_slice %dma_wait3A_362[%add3A_358, %dma_wait3A_363] : memref<80x128xi32, #tpu.memory_space<hbm>> -> memref<2x128xi32, #tpu.memory_space<hbm>>
      %dma_wait3A_365 = arith.constant 0 : i32
      %dma_wait3A_366 = arith.constant 0 : i32
      %dma_wait3A_367 = tpu.memref_slice %arg4[%add3A, %dma_wait3A_365, %dma_wait3A_366] : memref<32x80x128xi32, #tpu.memory_space<hbm>> -> memref<1x80x128xi32, #tpu.memory_space<hbm>>
      %dma_wait3A_368 = tpu.memref_squeeze %dma_wait3A_367 : memref<1x80x128xi32, #tpu.memory_space<hbm>> -> memref<80x128xi32, #tpu.memory_space<hbm>>
      %dma_wait3A_369 = arith.constant 0 : i32
      %dma_wait3A_370 = tpu.memref_slice %dma_wait3A_368[%add3A_358, %dma_wait3A_369] : memref<80x128xi32, #tpu.memory_space<hbm>> -> memref<2x128xi32, #tpu.memory_space<hbm>>
      tpu.wait_dma2 semaphore(%arg15 : memref<!tpu.dma_semaphore, #tpu.memory_space<semaphore_mem>>) src(%dma_wait3A_370 : memref<2x128xi32, #tpu.memory_space<hbm>>) dst(%arg9 : memref<2x128xi32, #tpu.memory_space<vmem>>)
      %dma_wait3A_371 = arith.constant 0 : i32
      %dma_wait3A_372 = arith.constant 0 : i32
      %dma_wait3A_373 = tpu.memref_slice %arg11[%dma_wait3A_371, %dma_wait3A_372] : memref<256x128xf32, #tpu.memory_space<vmem>> -> memref<64x128xf32, #tpu.memory_space<vmem>>
      %dma_wait3A_374 = arith.constant 0 : i32
      %dma_wait3A_375 = tpu.memref_slice %arg8[%dma_wait3A_374] : memref<256xi32, #tpu.memory_space<vmem>> -> memref<64xi32, #tpu.memory_space<vmem>>
      %dma_wait3A_376 = arith.constant 0 : i32
      %dma_wait3A_377 = arith.constant 0 : i32
      %dma_wait3A_378 = tpu.memref_slice %arg2[%dma_wait3A_376, %dma_wait3A_377] : memref<10000x128xf32, #tpu.memory_space<hbm>> -> memref<10000x128xf32, #tpu.memory_space<hbm>>
      tpu.wait_indirect_dma semaphore(%arg17 : memref<!tpu.dma_semaphore, #tpu.memory_space<semaphore_mem>>) src(%dma_wait3A_378 : memref<10000x128xf32, #tpu.memory_space<hbm>>) dst(%dma_wait3A_373 : memref<64x128xf32, #tpu.memory_space<vmem>>)
      %dma_wait3A_379 = arith.constant 64 : i32
      %dma_wait3A_380 = arith.constant 0 : i32
      %dma_wait3A_381 = tpu.memref_slice %arg11[%dma_wait3A_379, %dma_wait3A_380] : memref<256x128xf32, #tpu.memory_space<vmem>> -> memref<64x128xf32, #tpu.memory_space<vmem>>
      %dma_wait3A_382 = arith.constant 64 : i32
      %dma_wait3A_383 = tpu.memref_slice %arg8[%dma_wait3A_382] : memref<256xi32, #tpu.memory_space<vmem>> -> memref<64xi32, #tpu.memory_space<vmem>>
      %dma_wait3A_384 = arith.constant 0 : i32
      %dma_wait3A_385 = arith.constant 0 : i32
      %dma_wait3A_386 = tpu.memref_slice %arg2[%dma_wait3A_384, %dma_wait3A_385] : memref<10000x128xf32, #tpu.memory_space<hbm>> -> memref<10000x128xf32, #tpu.memory_space<hbm>>
      tpu.wait_indirect_dma semaphore(%arg18 : memref<!tpu.dma_semaphore, #tpu.memory_space<semaphore_mem>>) src(%dma_wait3A_386 : memref<10000x128xf32, #tpu.memory_space<hbm>>) dst(%dma_wait3A_381 : memref<64x128xf32, #tpu.memory_space<vmem>>)
      %run_scoped3A_387 = arith.constant 0 : i32
      "tpu.region"() ({
        %run_scoped3A_469 = tpu.sem_alloc : memref<!tpu.dma_semaphore, #tpu.memory_space<semaphore_mem>>
        %dma_start3A_470 = arith.constant 0 : i32
        %dma_start3A_471 = arith.constant 0 : i32
        %dma_start3A_472 = tpu.memref_slice %arg11[%dma_start3A_470, %dma_start3A_471] : memref<256x128xf32, #tpu.memory_space<vmem>> -> memref<128x128xf32, #tpu.memory_space<vmem>>
        %dma_start3A_473 = arith.constant 0 : i32
        %dma_start3A_474 = tpu.memref_slice %arg10[%run_scoped3A_387, %dma_start3A_473] : memref<2x128xi32, #tpu.memory_space<vmem>> -> memref<1x128xi32, #tpu.memory_space<vmem>>
        %dma_start3A_475 = tpu.memref_squeeze %dma_start3A_474 : memref<1x128xi32, #tpu.memory_space<vmem>> -> memref<128xi32, #tpu.memory_space<vmem>>
        %dma_start3A_476 = arith.constant 0 : i32
        %dma_start3A_477 = arith.constant 0 : i32
        %dma_start3A_478 = tpu.memref_slice %arg12[%dma_start3A_476, %dma_start3A_477] : memref<10240x128xf32, #tpu.memory_space<vmem_shared>> -> memref<10240x128xf32, #tpu.memory_space<vmem_shared>>
        tpu.enqueue_indirect_dma source(%dma_start3A_472 : memref<128x128xf32, #tpu.memory_space<vmem>>) target(%dma_start3A_478 : memref<10240x128xf32, #tpu.memory_space<vmem_shared>>) offsets(%dma_start3A_475 : memref<128xi32, #tpu.memory_space<vmem>>) semaphore(%run_scoped3A_469 : memref<!tpu.dma_semaphore, #tpu.memory_space<semaphore_mem>>) {add = true}
        %dma_wait3A_479 = arith.constant 0 : i32
        %dma_wait3A_480 = arith.constant 0 : i32
        %dma_wait3A_481 = tpu.memref_slice %arg11[%dma_wait3A_479, %dma_wait3A_480] : memref<256x128xf32, #tpu.memory_space<vmem>> -> memref<128x128xf32, #tpu.memory_space<vmem>>
        %dma_wait3A_482 = arith.constant 0 : i32
        %dma_wait3A_483 = tpu.memref_slice %arg10[%run_scoped3A_387, %dma_wait3A_482] : memref<2x128xi32, #tpu.memory_space<vmem>> -> memref<1x128xi32, #tpu.memory_space<vmem>>
        %dma_wait3A_484 = tpu.memref_squeeze %dma_wait3A_483 : memref<1x128xi32, #tpu.memory_space<vmem>> -> memref<128xi32, #tpu.memory_space<vmem>>
        %dma_wait3A_485 = arith.constant 0 : i32
        %dma_wait3A_486 = arith.constant 0 : i32
        %dma_wait3A_487 = tpu.memref_slice %arg12[%dma_wait3A_485, %dma_wait3A_486] : memref<10240x128xf32, #tpu.memory_space<vmem_shared>> -> memref<10240x128xf32, #tpu.memory_space<vmem_shared>>
        tpu.wait_indirect_dma semaphore(%run_scoped3A_469 : memref<!tpu.dma_semaphore, #tpu.memory_space<semaphore_mem>>) src(%dma_wait3A_481 : memref<128x128xf32, #tpu.memory_space<vmem>>) dst(%dma_wait3A_487 : memref<10240x128xf32, #tpu.memory_space<vmem_shared>>)
        tpu.yield
      }) : () -> ()
      %dma_start3A_388 = arith.constant 0 : i32
      %dma_start3A_389 = arith.constant 0 : i32
      %dma_start3A_390 = tpu.memref_slice %arg11[%dma_start3A_388, %dma_start3A_389] : memref<256x128xf32, #tpu.memory_space<vmem>> -> memref<64x128xf32, #tpu.memory_space<vmem>>
      %dma_start3A_391 = arith.constant 0 : i32
      %dma_start3A_392 = tpu.memref_slice %arg7[%dma_start3A_391] : memref<256xi32, #tpu.memory_space<vmem>> -> memref<64xi32, #tpu.memory_space<vmem>>
      %dma_start3A_393 = arith.constant 0 : i32
      %dma_start3A_394 = arith.constant 0 : i32
      %dma_start3A_395 = tpu.memref_slice %arg2[%dma_start3A_393, %dma_start3A_394] : memref<10000x128xf32, #tpu.memory_space<hbm>> -> memref<10000x128xf32, #tpu.memory_space<hbm>>
      tpu.enqueue_indirect_dma source(%dma_start3A_395 : memref<10000x128xf32, #tpu.memory_space<hbm>>) target(%dma_start3A_390 : memref<64x128xf32, #tpu.memory_space<vmem>>) offsets(%dma_start3A_392 : memref<64xi32, #tpu.memory_space<vmem>>) semaphore(%arg17 : memref<!tpu.dma_semaphore, #tpu.memory_space<semaphore_mem>>)
      %dma_start3A_396 = arith.constant 64 : i32
      %dma_start3A_397 = arith.constant 0 : i32
      %dma_start3A_398 = tpu.memref_slice %arg11[%dma_start3A_396, %dma_start3A_397] : memref<256x128xf32, #tpu.memory_space<vmem>> -> memref<64x128xf32, #tpu.memory_space<vmem>>
      %dma_start3A_399 = arith.constant 64 : i32
      %dma_start3A_400 = tpu.memref_slice %arg7[%dma_start3A_399] : memref<256xi32, #tpu.memory_space<vmem>> -> memref<64xi32, #tpu.memory_space<vmem>>
      %dma_start3A_401 = arith.constant 0 : i32
      %dma_start3A_402 = arith.constant 0 : i32
      %dma_start3A_403 = tpu.memref_slice %arg2[%dma_start3A_401, %dma_start3A_402] : memref<10000x128xf32, #tpu.memory_space<hbm>> -> memref<10000x128xf32, #tpu.memory_space<hbm>>
      tpu.enqueue_indirect_dma source(%dma_start3A_403 : memref<10000x128xf32, #tpu.memory_space<hbm>>) target(%dma_start3A_398 : memref<64x128xf32, #tpu.memory_space<vmem>>) offsets(%dma_start3A_400 : memref<64xi32, #tpu.memory_space<vmem>>) semaphore(%arg18 : memref<!tpu.dma_semaphore, #tpu.memory_space<semaphore_mem>>)
      %dma_wait3A_404 = arith.constant 128 : i32
      %dma_wait3A_405 = arith.constant 0 : i32
      %dma_wait3A_406 = tpu.memref_slice %arg11[%dma_wait3A_404, %dma_wait3A_405] : memref<256x128xf32, #tpu.memory_space<vmem>> -> memref<64x128xf32, #tpu.memory_space<vmem>>
      %dma_wait3A_407 = arith.constant 128 : i32
      %dma_wait3A_408 = tpu.memref_slice %arg8[%dma_wait3A_407] : memref<256xi32, #tpu.memory_space<vmem>> -> memref<64xi32, #tpu.memory_space<vmem>>
      %dma_wait3A_409 = arith.constant 0 : i32
      %dma_wait3A_410 = arith.constant 0 : i32
      %dma_wait3A_411 = tpu.memref_slice %arg2[%dma_wait3A_409, %dma_wait3A_410] : memref<10000x128xf32, #tpu.memory_space<hbm>> -> memref<10000x128xf32, #tpu.memory_space<hbm>>
      tpu.wait_indirect_dma semaphore(%arg19 : memref<!tpu.dma_semaphore, #tpu.memory_space<semaphore_mem>>) src(%dma_wait3A_411 : memref<10000x128xf32, #tpu.memory_space<hbm>>) dst(%dma_wait3A_406 : memref<64x128xf32, #tpu.memory_space<vmem>>)
      %dma_wait3A_412 = arith.constant 192 : i32
      %dma_wait3A_413 = arith.constant 0 : i32
      %dma_wait3A_414 = tpu.memref_slice %arg11[%dma_wait3A_412, %dma_wait3A_413] : memref<256x128xf32, #tpu.memory_space<vmem>> -> memref<64x128xf32, #tpu.memory_space<vmem>>
      %dma_wait3A_415 = arith.constant 192 : i32
      %dma_wait3A_416 = tpu.memref_slice %arg8[%dma_wait3A_415] : memref<256xi32, #tpu.memory_space<vmem>> -> memref<64xi32, #tpu.memory_space<vmem>>
      %dma_wait3A_417 = arith.constant 0 : i32
      %dma_wait3A_418 = arith.constant 0 : i32
      %dma_wait3A_419 = tpu.memref_slice %arg2[%dma_wait3A_417, %dma_wait3A_418] : memref<10000x128xf32, #tpu.memory_space<hbm>> -> memref<10000x128xf32, #tpu.memory_space<hbm>>
      tpu.wait_indirect_dma semaphore(%arg20 : memref<!tpu.dma_semaphore, #tpu.memory_space<semaphore_mem>>) src(%dma_wait3A_419 : memref<10000x128xf32, #tpu.memory_space<hbm>>) dst(%dma_wait3A_414 : memref<64x128xf32, #tpu.memory_space<vmem>>)
      %run_scoped3A_420 = arith.constant 1 : i32
      "tpu.region"() ({
        %run_scoped3A_469 = tpu.sem_alloc : memref<!tpu.dma_semaphore, #tpu.memory_space<semaphore_mem>>
        %dma_start3A_470 = arith.constant 128 : i32
        %dma_start3A_471 = arith.constant 0 : i32
        %dma_start3A_472 = tpu.memref_slice %arg11[%dma_start3A_470, %dma_start3A_471] : memref<256x128xf32, #tpu.memory_space<vmem>> -> memref<128x128xf32, #tpu.memory_space<vmem>>
        %dma_start3A_473 = arith.constant 0 : i32
        %dma_start3A_474 = tpu.memref_slice %arg10[%run_scoped3A_420, %dma_start3A_473] : memref<2x128xi32, #tpu.memory_space<vmem>> -> memref<1x128xi32, #tpu.memory_space<vmem>>
        %dma_start3A_475 = tpu.memref_squeeze %dma_start3A_474 : memref<1x128xi32, #tpu.memory_space<vmem>> -> memref<128xi32, #tpu.memory_space<vmem>>
        %dma_start3A_476 = arith.constant 0 : i32
        %dma_start3A_477 = arith.constant 0 : i32
        %dma_start3A_478 = tpu.memref_slice %arg12[%dma_start3A_476, %dma_start3A_477] : memref<10240x128xf32, #tpu.memory_space<vmem_shared>> -> memref<10240x128xf32, #tpu.memory_space<vmem_shared>>
        tpu.enqueue_indirect_dma source(%dma_start3A_472 : memref<128x128xf32, #tpu.memory_space<vmem>>) target(%dma_start3A_478 : memref<10240x128xf32, #tpu.memory_space<vmem_shared>>) offsets(%dma_start3A_475 : memref<128xi32, #tpu.memory_space<vmem>>) semaphore(%run_scoped3A_469 : memref<!tpu.dma_semaphore, #tpu.memory_space<semaphore_mem>>) {add = true}
        %dma_wait3A_479 = arith.constant 128 : i32
        %dma_wait3A_480 = arith.constant 0 : i32
        %dma_wait3A_481 = tpu.memref_slice %arg11[%dma_wait3A_479, %dma_wait3A_480] : memref<256x128xf32, #tpu.memory_space<vmem>> -> memref<128x128xf32, #tpu.memory_space<vmem>>
        %dma_wait3A_482 = arith.constant 0 : i32
        %dma_wait3A_483 = tpu.memref_slice %arg10[%run_scoped3A_420, %dma_wait3A_482] : memref<2x128xi32, #tpu.memory_space<vmem>> -> memref<1x128xi32, #tpu.memory_space<vmem>>
        %dma_wait3A_484 = tpu.memref_squeeze %dma_wait3A_483 : memref<1x128xi32, #tpu.memory_space<vmem>> -> memref<128xi32, #tpu.memory_space<vmem>>
        %dma_wait3A_485 = arith.constant 0 : i32
        %dma_wait3A_486 = arith.constant 0 : i32
        %dma_wait3A_487 = tpu.memref_slice %arg12[%dma_wait3A_485, %dma_wait3A_486] : memref<10240x128xf32, #tpu.memory_space<vmem_shared>> -> memref<10240x128xf32, #tpu.memory_space<vmem_shared>>
        tpu.wait_indirect_dma semaphore(%run_scoped3A_469 : memref<!tpu.dma_semaphore, #tpu.memory_space<semaphore_mem>>) src(%dma_wait3A_481 : memref<128x128xf32, #tpu.memory_space<vmem>>) dst(%dma_wait3A_487 : memref<10240x128xf32, #tpu.memory_space<vmem_shared>>)
        tpu.yield
      }) : () -> ()
      %dma_start3A_421 = arith.constant 128 : i32
      %dma_start3A_422 = arith.constant 0 : i32
      %dma_start3A_423 = tpu.memref_slice %arg11[%dma_start3A_421, %dma_start3A_422] : memref<256x128xf32, #tpu.memory_space<vmem>> -> memref<64x128xf32, #tpu.memory_space<vmem>>
      %dma_start3A_424 = arith.constant 128 : i32
      %dma_start3A_425 = tpu.memref_slice %arg7[%dma_start3A_424] : memref<256xi32, #tpu.memory_space<vmem>> -> memref<64xi32, #tpu.memory_space<vmem>>
      %dma_start3A_426 = arith.constant 0 : i32
      %dma_start3A_427 = arith.constant 0 : i32
      %dma_start3A_428 = tpu.memref_slice %arg2[%dma_start3A_426, %dma_start3A_427] : memref<10000x128xf32, #tpu.memory_space<hbm>> -> memref<10000x128xf32, #tpu.memory_space<hbm>>
      tpu.enqueue_indirect_dma source(%dma_start3A_428 : memref<10000x128xf32, #tpu.memory_space<hbm>>) target(%dma_start3A_423 : memref<64x128xf32, #tpu.memory_space<vmem>>) offsets(%dma_start3A_425 : memref<64xi32, #tpu.memory_space<vmem>>) semaphore(%arg19 : memref<!tpu.dma_semaphore, #tpu.memory_space<semaphore_mem>>)
      %dma_start3A_429 = arith.constant 192 : i32
      %dma_start3A_430 = arith.constant 0 : i32
      %dma_start3A_431 = tpu.memref_slice %arg11[%dma_start3A_429, %dma_start3A_430] : memref<256x128xf32, #tpu.memory_space<vmem>> -> memref<64x128xf32, #tpu.memory_space<vmem>>
      %dma_start3A_432 = arith.constant 192 : i32
      %dma_start3A_433 = tpu.memref_slice %arg7[%dma_start3A_432] : memref<256xi32, #tpu.memory_space<vmem>> -> memref<64xi32, #tpu.memory_space<vmem>>
      %dma_start3A_434 = arith.constant 0 : i32
      %dma_start3A_435 = arith.constant 0 : i32
      %dma_start3A_436 = tpu.memref_slice %arg2[%dma_start3A_434, %dma_start3A_435] : memref<10000x128xf32, #tpu.memory_space<hbm>> -> memref<10000x128xf32, #tpu.memory_space<hbm>>
      tpu.enqueue_indirect_dma source(%dma_start3A_436 : memref<10000x128xf32, #tpu.memory_space<hbm>>) target(%dma_start3A_431 : memref<64x128xf32, #tpu.memory_space<vmem>>) offsets(%dma_start3A_433 : memref<64xi32, #tpu.memory_space<vmem>>) semaphore(%arg20 : memref<!tpu.dma_semaphore, #tpu.memory_space<semaphore_mem>>)
      %add3A_437 = arith.constant 3 : i32
      %add3A_438 = arith.addi %mul3A_208, %add3A_437 : i32
      %dma_start3A_439 = arith.constant 0 : i32
      %dma_start3A_440 = arith.constant 0 : i32
      %dma_start3A_441 = tpu.memref_slice %arg3[%add3A, %dma_start3A_439, %dma_start3A_440] : memref<32x40x256xi32, #tpu.memory_space<hbm>> -> memref<1x40x256xi32, #tpu.memory_space<hbm>>
      %dma_start3A_442 = tpu.memref_squeeze %dma_start3A_441 : memref<1x40x256xi32, #tpu.memory_space<hbm>> -> memref<40x256xi32, #tpu.memory_space<hbm>>
      %dma_start3A_443 = arith.constant 0 : i32
      %dma_start3A_444 = tpu.memref_slice %dma_start3A_442[%add3A_438, %dma_start3A_443] : memref<40x256xi32, #tpu.memory_space<hbm>> -> memref<1x256xi32, #tpu.memory_space<hbm>>
      %dma_start3A_445 = tpu.memref_squeeze %dma_start3A_444 : memref<1x256xi32, #tpu.memory_space<hbm>> -> memref<256xi32, #tpu.memory_space<hbm>>
      %dma_start3A_446 = arith.constant 0 : i32
      %dma_start3A_447 = arith.constant 0 : i32
      %dma_start3A_448 = tpu.memref_slice %arg3[%add3A, %dma_start3A_446, %dma_start3A_447] : memref<32x40x256xi32, #tpu.memory_space<hbm>> -> memref<1x40x256xi32, #tpu.memory_space<hbm>>
      %dma_start3A_449 = tpu.memref_squeeze %dma_start3A_448 : memref<1x40x256xi32, #tpu.memory_space<hbm>> -> memref<40x256xi32, #tpu.memory_space<hbm>>
      %dma_start3A_450 = arith.constant 0 : i32
      %dma_start3A_451 = tpu.memref_slice %dma_start3A_449[%add3A_438, %dma_start3A_450] : memref<40x256xi32, #tpu.memory_space<hbm>> -> memref<1x256xi32, #tpu.memory_space<hbm>>
      %dma_start3A_452 = tpu.memref_squeeze %dma_start3A_451 : memref<1x256xi32, #tpu.memory_space<hbm>> -> memref<256xi32, #tpu.memory_space<hbm>>
      tpu.enqueue_dma source(%dma_start3A_452 : memref<256xi32, #tpu.memory_space<hbm>>) target(%arg8 : memref<256xi32, #tpu.memory_space<vmem>>) target_semaphore(%arg14 : memref<!tpu.dma_semaphore, #tpu.memory_space<semaphore_mem>>)
      %mul3A_453 = arith.constant 2 : i32
      %mul3A_454 = arith.muli %mul3A_453, %mul3A_208 : i32
      %add3A_455 = arith.constant 6 : i32
      %add3A_456 = arith.addi %mul3A_454, %add3A_455 : i32
      %dma_start3A_457 = arith.constant 0 : i32
      %dma_start3A_458 = arith.constant 0 : i32
      %dma_start3A_459 = tpu.memref_slice %arg4[%add3A, %dma_start3A_457, %dma_start3A_458] : memref<32x80x128xi32, #tpu.memory_space<hbm>> -> memref<1x80x128xi32, #tpu.memory_space<hbm>>
      %dma_start3A_460 = tpu.memref_squeeze %dma_start3A_459 : memref<1x80x128xi32, #tpu.memory_space<hbm>> -> memref<80x128xi32, #tpu.memory_space<hbm>>
      %dma_start3A_461 = arith.constant 0 : i32
      %dma_start3A_462 = tpu.memref_slice %dma_start3A_460[%add3A_456, %dma_start3A_461] : memref<80x128xi32, #tpu.memory_space<hbm>> -> memref<2x128xi32, #tpu.memory_space<hbm>>
      %dma_start3A_463 = arith.constant 0 : i32
      %dma_start3A_464 = arith.constant 0 : i32
      %dma_start3A_465 = tpu.memref_slice %arg4[%add3A, %dma_start3A_463, %dma_start3A_464] : memref<32x80x128xi32, #tpu.memory_space<hbm>> -> memref<1x80x128xi32, #tpu.memory_space<hbm>>
      %dma_start3A_466 = tpu.memref_squeeze %dma_start3A_465 : memref<1x80x128xi32, #tpu.memory_space<hbm>> -> memref<80x128xi32, #tpu.memory_space<hbm>>
      %dma_start3A_467 = arith.constant 0 : i32
      %dma_start3A_468 = tpu.memref_slice %dma_start3A_466[%add3A_456, %dma_start3A_467] : memref<80x128xi32, #tpu.memory_space<hbm>> -> memref<2x128xi32, #tpu.memory_space<hbm>>
      tpu.enqueue_dma source(%dma_start3A_468 : memref<2x128xi32, #tpu.memory_space<hbm>>) target(%arg10 : memref<2x128xi32, #tpu.memory_space<vmem>>) target_semaphore(%arg16 : memref<!tpu.dma_semaphore, #tpu.memory_space<semaphore_mem>>)
    }
    %scan3A_68 = arith.constant 19 : i32
    %dma_wait3A = arith.constant 39 : i32
    %dma_wait3A_69 = arith.constant 0 : i32
    %dma_wait3A_70 = arith.constant 0 : i32
    %dma_wait3A_71 = tpu.memref_slice %arg3[%add3A, %dma_wait3A_69, %dma_wait3A_70] : memref<32x40x256xi32, #tpu.memory_space<hbm>> -> memref<1x40x256xi32, #tpu.memory_space<hbm>>
    %dma_wait3A_72 = tpu.memref_squeeze %dma_wait3A_71 : memref<1x40x256xi32, #tpu.memory_space<hbm>> -> memref<40x256xi32, #tpu.memory_space<hbm>>
    %dma_wait3A_73 = arith.constant 0 : i32
    %dma_wait3A_74 = tpu.memref_slice %dma_wait3A_72[%dma_wait3A, %dma_wait3A_73] : memref<40x256xi32, #tpu.memory_space<hbm>> -> memref<1x256xi32, #tpu.memory_space<hbm>>
    %dma_wait3A_75 = tpu.memref_squeeze %dma_wait3A_74 : memref<1x256xi32, #tpu.memory_space<hbm>> -> memref<256xi32, #tpu.memory_space<hbm>>
    %dma_wait3A_76 = arith.constant 0 : i32
    %dma_wait3A_77 = arith.constant 0 : i32
    %dma_wait3A_78 = tpu.memref_slice %arg3[%add3A, %dma_wait3A_76, %dma_wait3A_77] : memref<32x40x256xi32, #tpu.memory_space<hbm>> -> memref<1x40x256xi32, #tpu.memory_space<hbm>>
    %dma_wait3A_79 = tpu.memref_squeeze %dma_wait3A_78 : memref<1x40x256xi32, #tpu.memory_space<hbm>> -> memref<40x256xi32, #tpu.memory_space<hbm>>
    %dma_wait3A_80 = arith.constant 0 : i32
    %dma_wait3A_81 = tpu.memref_slice %dma_wait3A_79[%dma_wait3A, %dma_wait3A_80] : memref<40x256xi32, #tpu.memory_space<hbm>> -> memref<1x256xi32, #tpu.memory_space<hbm>>
    %dma_wait3A_82 = tpu.memref_squeeze %dma_wait3A_81 : memref<1x256xi32, #tpu.memory_space<hbm>> -> memref<256xi32, #tpu.memory_space<hbm>>
    tpu.wait_dma2 semaphore(%arg14 : memref<!tpu.dma_semaphore, #tpu.memory_space<semaphore_mem>>) src(%dma_wait3A_82 : memref<256xi32, #tpu.memory_space<hbm>>) dst(%arg8 : memref<256xi32, #tpu.memory_space<vmem>>)
    %dma_wait3A_83 = arith.constant 0 : i32
    %dma_wait3A_84 = arith.constant 0 : i32
    %dma_wait3A_85 = tpu.memref_slice %arg4[%add3A, %dma_wait3A_83, %dma_wait3A_84] : memref<32x80x128xi32, #tpu.memory_space<hbm>> -> memref<1x80x128xi32, #tpu.memory_space<hbm>>
    %dma_wait3A_86 = tpu.memref_squeeze %dma_wait3A_85 : memref<1x80x128xi32, #tpu.memory_space<hbm>> -> memref<80x128xi32, #tpu.memory_space<hbm>>
    %dma_wait3A_87 = arith.constant 78 : i32
    %dma_wait3A_88 = arith.constant 0 : i32
    %dma_wait3A_89 = tpu.memref_slice %dma_wait3A_86[%dma_wait3A_87, %dma_wait3A_88] : memref<80x128xi32, #tpu.memory_space<hbm>> -> memref<2x128xi32, #tpu.memory_space<hbm>>
    %dma_wait3A_90 = arith.constant 0 : i32
    %dma_wait3A_91 = arith.constant 0 : i32
    %dma_wait3A_92 = tpu.memref_slice %arg4[%add3A, %dma_wait3A_90, %dma_wait3A_91] : memref<32x80x128xi32, #tpu.memory_space<hbm>> -> memref<1x80x128xi32, #tpu.memory_space<hbm>>
    %dma_wait3A_93 = tpu.memref_squeeze %dma_wait3A_92 : memref<1x80x128xi32, #tpu.memory_space<hbm>> -> memref<80x128xi32, #tpu.memory_space<hbm>>
    %dma_wait3A_94 = arith.constant 78 : i32
    %dma_wait3A_95 = arith.constant 0 : i32
    %dma_wait3A_96 = tpu.memref_slice %dma_wait3A_93[%dma_wait3A_94, %dma_wait3A_95] : memref<80x128xi32, #tpu.memory_space<hbm>> -> memref<2x128xi32, #tpu.memory_space<hbm>>
    tpu.wait_dma2 semaphore(%arg16 : memref<!tpu.dma_semaphore, #tpu.memory_space<semaphore_mem>>) src(%dma_wait3A_96 : memref<2x128xi32, #tpu.memory_space<hbm>>) dst(%arg10 : memref<2x128xi32, #tpu.memory_space<vmem>>)
    %dma_wait3A_97 = arith.constant 0 : i32
    %dma_wait3A_98 = arith.constant 0 : i32
    %dma_wait3A_99 = tpu.memref_slice %arg11[%dma_wait3A_97, %dma_wait3A_98] : memref<256x128xf32, #tpu.memory_space<vmem>> -> memref<64x128xf32, #tpu.memory_space<vmem>>
    %dma_wait3A_100 = arith.constant 0 : i32
    %dma_wait3A_101 = tpu.memref_slice %arg7[%dma_wait3A_100] : memref<256xi32, #tpu.memory_space<vmem>> -> memref<64xi32, #tpu.memory_space<vmem>>
    %dma_wait3A_102 = arith.constant 0 : i32
    %dma_wait3A_103 = arith.constant 0 : i32
    %dma_wait3A_104 = tpu.memref_slice %arg2[%dma_wait3A_102, %dma_wait3A_103] : memref<10000x128xf32, #tpu.memory_space<hbm>> -> memref<10000x128xf32, #tpu.memory_space<hbm>>
    tpu.wait_indirect_dma semaphore(%arg17 : memref<!tpu.dma_semaphore, #tpu.memory_space<semaphore_mem>>) src(%dma_wait3A_104 : memref<10000x128xf32, #tpu.memory_space<hbm>>) dst(%dma_wait3A_99 : memref<64x128xf32, #tpu.memory_space<vmem>>)
    %dma_wait3A_105 = arith.constant 64 : i32
    %dma_wait3A_106 = arith.constant 0 : i32
    %dma_wait3A_107 = tpu.memref_slice %arg11[%dma_wait3A_105, %dma_wait3A_106] : memref<256x128xf32, #tpu.memory_space<vmem>> -> memref<64x128xf32, #tpu.memory_space<vmem>>
    %dma_wait3A_108 = arith.constant 64 : i32
    %dma_wait3A_109 = tpu.memref_slice %arg7[%dma_wait3A_108] : memref<256xi32, #tpu.memory_space<vmem>> -> memref<64xi32, #tpu.memory_space<vmem>>
    %dma_wait3A_110 = arith.constant 0 : i32
    %dma_wait3A_111 = arith.constant 0 : i32
    %dma_wait3A_112 = tpu.memref_slice %arg2[%dma_wait3A_110, %dma_wait3A_111] : memref<10000x128xf32, #tpu.memory_space<hbm>> -> memref<10000x128xf32, #tpu.memory_space<hbm>>
    tpu.wait_indirect_dma semaphore(%arg18 : memref<!tpu.dma_semaphore, #tpu.memory_space<semaphore_mem>>) src(%dma_wait3A_112 : memref<10000x128xf32, #tpu.memory_space<hbm>>) dst(%dma_wait3A_107 : memref<64x128xf32, #tpu.memory_space<vmem>>)
    %run_scoped3A_113 = arith.constant 0 : i32
    "tpu.region"() ({
      %run_scoped3A_202 = tpu.sem_alloc : memref<!tpu.dma_semaphore, #tpu.memory_space<semaphore_mem>>
      %dma_start3A_203 = arith.constant 0 : i32
      %dma_start3A_204 = arith.constant 0 : i32
      %dma_start3A_205 = tpu.memref_slice %arg11[%dma_start3A_203, %dma_start3A_204] : memref<256x128xf32, #tpu.memory_space<vmem>> -> memref<128x128xf32, #tpu.memory_space<vmem>>
      %dma_start3A_206 = arith.constant 0 : i32
      %dma_start3A_207 = tpu.memref_slice %arg9[%run_scoped3A_113, %dma_start3A_206] : memref<2x128xi32, #tpu.memory_space<vmem>> -> memref<1x128xi32, #tpu.memory_space<vmem>>
      %dma_start3A_208 = tpu.memref_squeeze %dma_start3A_207 : memref<1x128xi32, #tpu.memory_space<vmem>> -> memref<128xi32, #tpu.memory_space<vmem>>
      %dma_start3A_209 = arith.constant 0 : i32
      %dma_start3A_210 = arith.constant 0 : i32
      %dma_start3A_211 = tpu.memref_slice %arg12[%dma_start3A_209, %dma_start3A_210] : memref<10240x128xf32, #tpu.memory_space<vmem_shared>> -> memref<10240x128xf32, #tpu.memory_space<vmem_shared>>
      tpu.enqueue_indirect_dma source(%dma_start3A_205 : memref<128x128xf32, #tpu.memory_space<vmem>>) target(%dma_start3A_211 : memref<10240x128xf32, #tpu.memory_space<vmem_shared>>) offsets(%dma_start3A_208 : memref<128xi32, #tpu.memory_space<vmem>>) semaphore(%run_scoped3A_202 : memref<!tpu.dma_semaphore, #tpu.memory_space<semaphore_mem>>) {add = true}
      %dma_wait3A_212 = arith.constant 0 : i32
      %dma_wait3A_213 = arith.constant 0 : i32
      %dma_wait3A_214 = tpu.memref_slice %arg11[%dma_wait3A_212, %dma_wait3A_213] : memref<256x128xf32, #tpu.memory_space<vmem>> -> memref<128x128xf32, #tpu.memory_space<vmem>>
      %dma_wait3A_215 = arith.constant 0 : i32
      %dma_wait3A_216 = tpu.memref_slice %arg9[%run_scoped3A_113, %dma_wait3A_215] : memref<2x128xi32, #tpu.memory_space<vmem>> -> memref<1x128xi32, #tpu.memory_space<vmem>>
      %dma_wait3A_217 = tpu.memref_squeeze %dma_wait3A_216 : memref<1x128xi32, #tpu.memory_space<vmem>> -> memref<128xi32, #tpu.memory_space<vmem>>
      %dma_wait3A_218 = arith.constant 0 : i32
      %dma_wait3A_219 = arith.constant 0 : i32
      %dma_wait3A_220 = tpu.memref_slice %arg12[%dma_wait3A_218, %dma_wait3A_219] : memref<10240x128xf32, #tpu.memory_space<vmem_shared>> -> memref<10240x128xf32, #tpu.memory_space<vmem_shared>>
      tpu.wait_indirect_dma semaphore(%run_scoped3A_202 : memref<!tpu.dma_semaphore, #tpu.memory_space<semaphore_mem>>) src(%dma_wait3A_214 : memref<128x128xf32, #tpu.memory_space<vmem>>) dst(%dma_wait3A_220 : memref<10240x128xf32, #tpu.memory_space<vmem_shared>>)
      tpu.yield
    }) : () -> ()
    %dma_start3A_114 = arith.constant 0 : i32
    %dma_start3A_115 = arith.constant 0 : i32
    %dma_start3A_116 = tpu.memref_slice %arg11[%dma_start3A_114, %dma_start3A_115] : memref<256x128xf32, #tpu.memory_space<vmem>> -> memref<64x128xf32, #tpu.memory_space<vmem>>
    %dma_start3A_117 = arith.constant 0 : i32
    %dma_start3A_118 = tpu.memref_slice %arg8[%dma_start3A_117] : memref<256xi32, #tpu.memory_space<vmem>> -> memref<64xi32, #tpu.memory_space<vmem>>
    %dma_start3A_119 = arith.constant 0 : i32
    %dma_start3A_120 = arith.constant 0 : i32
    %dma_start3A_121 = tpu.memref_slice %arg2[%dma_start3A_119, %dma_start3A_120] : memref<10000x128xf32, #tpu.memory_space<hbm>> -> memref<10000x128xf32, #tpu.memory_space<hbm>>
    tpu.enqueue_indirect_dma source(%dma_start3A_121 : memref<10000x128xf32, #tpu.memory_space<hbm>>) target(%dma_start3A_116 : memref<64x128xf32, #tpu.memory_space<vmem>>) offsets(%dma_start3A_118 : memref<64xi32, #tpu.memory_space<vmem>>) semaphore(%arg17 : memref<!tpu.dma_semaphore, #tpu.memory_space<semaphore_mem>>)
    %dma_start3A_122 = arith.constant 64 : i32
    %dma_start3A_123 = arith.constant 0 : i32
    %dma_start3A_124 = tpu.memref_slice %arg11[%dma_start3A_122, %dma_start3A_123] : memref<256x128xf32, #tpu.memory_space<vmem>> -> memref<64x128xf32, #tpu.memory_space<vmem>>
    %dma_start3A_125 = arith.constant 64 : i32
    %dma_start3A_126 = tpu.memref_slice %arg8[%dma_start3A_125] : memref<256xi32, #tpu.memory_space<vmem>> -> memref<64xi32, #tpu.memory_space<vmem>>
    %dma_start3A_127 = arith.constant 0 : i32
    %dma_start3A_128 = arith.constant 0 : i32
    %dma_start3A_129 = tpu.memref_slice %arg2[%dma_start3A_127, %dma_start3A_128] : memref<10000x128xf32, #tpu.memory_space<hbm>> -> memref<10000x128xf32, #tpu.memory_space<hbm>>
    tpu.enqueue_indirect_dma source(%dma_start3A_129 : memref<10000x128xf32, #tpu.memory_space<hbm>>) target(%dma_start3A_124 : memref<64x128xf32, #tpu.memory_space<vmem>>) offsets(%dma_start3A_126 : memref<64xi32, #tpu.memory_space<vmem>>) semaphore(%arg18 : memref<!tpu.dma_semaphore, #tpu.memory_space<semaphore_mem>>)
    %dma_wait3A_130 = arith.constant 128 : i32
    %dma_wait3A_131 = arith.constant 0 : i32
    %dma_wait3A_132 = tpu.memref_slice %arg11[%dma_wait3A_130, %dma_wait3A_131] : memref<256x128xf32, #tpu.memory_space<vmem>> -> memref<64x128xf32, #tpu.memory_space<vmem>>
    %dma_wait3A_133 = arith.constant 128 : i32
    %dma_wait3A_134 = tpu.memref_slice %arg7[%dma_wait3A_133] : memref<256xi32, #tpu.memory_space<vmem>> -> memref<64xi32, #tpu.memory_space<vmem>>
    %dma_wait3A_135 = arith.constant 0 : i32
    %dma_wait3A_136 = arith.constant 0 : i32
    %dma_wait3A_137 = tpu.memref_slice %arg2[%dma_wait3A_135, %dma_wait3A_136] : memref<10000x128xf32, #tpu.memory_space<hbm>> -> memref<10000x128xf32, #tpu.memory_space<hbm>>
    tpu.wait_indirect_dma semaphore(%arg19 : memref<!tpu.dma_semaphore, #tpu.memory_space<semaphore_mem>>) src(%dma_wait3A_137 : memref<10000x128xf32, #tpu.memory_space<hbm>>) dst(%dma_wait3A_132 : memref<64x128xf32, #tpu.memory_space<vmem>>)
    %dma_wait3A_138 = arith.constant 192 : i32
    %dma_wait3A_139 = arith.constant 0 : i32
    %dma_wait3A_140 = tpu.memref_slice %arg11[%dma_wait3A_138, %dma_wait3A_139] : memref<256x128xf32, #tpu.memory_space<vmem>> -> memref<64x128xf32, #tpu.memory_space<vmem>>
    %dma_wait3A_141 = arith.constant 192 : i32
    %dma_wait3A_142 = tpu.memref_slice %arg7[%dma_wait3A_141] : memref<256xi32, #tpu.memory_space<vmem>> -> memref<64xi32, #tpu.memory_space<vmem>>
    %dma_wait3A_143 = arith.constant 0 : i32
    %dma_wait3A_144 = arith.constant 0 : i32
    %dma_wait3A_145 = tpu.memref_slice %arg2[%dma_wait3A_143, %dma_wait3A_144] : memref<10000x128xf32, #tpu.memory_space<hbm>> -> memref<10000x128xf32, #tpu.memory_space<hbm>>
    tpu.wait_indirect_dma semaphore(%arg20 : memref<!tpu.dma_semaphore, #tpu.memory_space<semaphore_mem>>) src(%dma_wait3A_145 : memref<10000x128xf32, #tpu.memory_space<hbm>>) dst(%dma_wait3A_140 : memref<64x128xf32, #tpu.memory_space<vmem>>)
    %run_scoped3A_146 = arith.constant 1 : i32
    "tpu.region"() ({
      %run_scoped3A_202 = tpu.sem_alloc : memref<!tpu.dma_semaphore, #tpu.memory_space<semaphore_mem>>
      %dma_start3A_203 = arith.constant 128 : i32
      %dma_start3A_204 = arith.constant 0 : i32
      %dma_start3A_205 = tpu.memref_slice %arg11[%dma_start3A_203, %dma_start3A_204] : memref<256x128xf32, #tpu.memory_space<vmem>> -> memref<128x128xf32, #tpu.memory_space<vmem>>
      %dma_start3A_206 = arith.constant 0 : i32
      %dma_start3A_207 = tpu.memref_slice %arg9[%run_scoped3A_146, %dma_start3A_206] : memref<2x128xi32, #tpu.memory_space<vmem>> -> memref<1x128xi32, #tpu.memory_space<vmem>>
      %dma_start3A_208 = tpu.memref_squeeze %dma_start3A_207 : memref<1x128xi32, #tpu.memory_space<vmem>> -> memref<128xi32, #tpu.memory_space<vmem>>
      %dma_start3A_209 = arith.constant 0 : i32
      %dma_start3A_210 = arith.constant 0 : i32
      %dma_start3A_211 = tpu.memref_slice %arg12[%dma_start3A_209, %dma_start3A_210] : memref<10240x128xf32, #tpu.memory_space<vmem_shared>> -> memref<10240x128xf32, #tpu.memory_space<vmem_shared>>
      tpu.enqueue_indirect_dma source(%dma_start3A_205 : memref<128x128xf32, #tpu.memory_space<vmem>>) target(%dma_start3A_211 : memref<10240x128xf32, #tpu.memory_space<vmem_shared>>) offsets(%dma_start3A_208 : memref<128xi32, #tpu.memory_space<vmem>>) semaphore(%run_scoped3A_202 : memref<!tpu.dma_semaphore, #tpu.memory_space<semaphore_mem>>) {add = true}
      %dma_wait3A_212 = arith.constant 128 : i32
      %dma_wait3A_213 = arith.constant 0 : i32
      %dma_wait3A_214 = tpu.memref_slice %arg11[%dma_wait3A_212, %dma_wait3A_213] : memref<256x128xf32, #tpu.memory_space<vmem>> -> memref<128x128xf32, #tpu.memory_space<vmem>>
      %dma_wait3A_215 = arith.constant 0 : i32
      %dma_wait3A_216 = tpu.memref_slice %arg9[%run_scoped3A_146, %dma_wait3A_215] : memref<2x128xi32, #tpu.memory_space<vmem>> -> memref<1x128xi32, #tpu.memory_space<vmem>>
      %dma_wait3A_217 = tpu.memref_squeeze %dma_wait3A_216 : memref<1x128xi32, #tpu.memory_space<vmem>> -> memref<128xi32, #tpu.memory_space<vmem>>
      %dma_wait3A_218 = arith.constant 0 : i32
      %dma_wait3A_219 = arith.constant 0 : i32
      %dma_wait3A_220 = tpu.memref_slice %arg12[%dma_wait3A_218, %dma_wait3A_219] : memref<10240x128xf32, #tpu.memory_space<vmem_shared>> -> memref<10240x128xf32, #tpu.memory_space<vmem_shared>>
      tpu.wait_indirect_dma semaphore(%run_scoped3A_202 : memref<!tpu.dma_semaphore, #tpu.memory_space<semaphore_mem>>) src(%dma_wait3A_214 : memref<128x128xf32, #tpu.memory_space<vmem>>) dst(%dma_wait3A_220 : memref<10240x128xf32, #tpu.memory_space<vmem_shared>>)
      tpu.yield
    }) : () -> ()
    %dma_start3A_147 = arith.constant 128 : i32
    %dma_start3A_148 = arith.constant 0 : i32
    %dma_start3A_149 = tpu.memref_slice %arg11[%dma_start3A_147, %dma_start3A_148] : memref<256x128xf32, #tpu.memory_space<vmem>> -> memref<64x128xf32, #tpu.memory_space<vmem>>
    %dma_start3A_150 = arith.constant 128 : i32
    %dma_start3A_151 = tpu.memref_slice %arg8[%dma_start3A_150] : memref<256xi32, #tpu.memory_space<vmem>> -> memref<64xi32, #tpu.memory_space<vmem>>
    %dma_start3A_152 = arith.constant 0 : i32
    %dma_start3A_153 = arith.constant 0 : i32
    %dma_start3A_154 = tpu.memref_slice %arg2[%dma_start3A_152, %dma_start3A_153] : memref<10000x128xf32, #tpu.memory_space<hbm>> -> memref<10000x128xf32, #tpu.memory_space<hbm>>
    tpu.enqueue_indirect_dma source(%dma_start3A_154 : memref<10000x128xf32, #tpu.memory_space<hbm>>) target(%dma_start3A_149 : memref<64x128xf32, #tpu.memory_space<vmem>>) offsets(%dma_start3A_151 : memref<64xi32, #tpu.memory_space<vmem>>) semaphore(%arg19 : memref<!tpu.dma_semaphore, #tpu.memory_space<semaphore_mem>>)
    %dma_start3A_155 = arith.constant 192 : i32
    %dma_start3A_156 = arith.constant 0 : i32
    %dma_start3A_157 = tpu.memref_slice %arg11[%dma_start3A_155, %dma_start3A_156] : memref<256x128xf32, #tpu.memory_space<vmem>> -> memref<64x128xf32, #tpu.memory_space<vmem>>
    %dma_start3A_158 = arith.constant 192 : i32
    %dma_start3A_159 = tpu.memref_slice %arg8[%dma_start3A_158] : memref<256xi32, #tpu.memory_space<vmem>> -> memref<64xi32, #tpu.memory_space<vmem>>
    %dma_start3A_160 = arith.constant 0 : i32
    %dma_start3A_161 = arith.constant 0 : i32
    %dma_start3A_162 = tpu.memref_slice %arg2[%dma_start3A_160, %dma_start3A_161] : memref<10000x128xf32, #tpu.memory_space<hbm>> -> memref<10000x128xf32, #tpu.memory_space<hbm>>
    tpu.enqueue_indirect_dma source(%dma_start3A_162 : memref<10000x128xf32, #tpu.memory_space<hbm>>) target(%dma_start3A_157 : memref<64x128xf32, #tpu.memory_space<vmem>>) offsets(%dma_start3A_159 : memref<64xi32, #tpu.memory_space<vmem>>) semaphore(%arg20 : memref<!tpu.dma_semaphore, #tpu.memory_space<semaphore_mem>>)
    %dma_wait3A_163 = arith.constant 0 : i32
    %dma_wait3A_164 = arith.constant 0 : i32
    %dma_wait3A_165 = tpu.memref_slice %arg11[%dma_wait3A_163, %dma_wait3A_164] : memref<256x128xf32, #tpu.memory_space<vmem>> -> memref<64x128xf32, #tpu.memory_space<vmem>>
    %dma_wait3A_166 = arith.constant 0 : i32
    %dma_wait3A_167 = tpu.memref_slice %arg8[%dma_wait3A_166] : memref<256xi32, #tpu.memory_space<vmem>> -> memref<64xi32, #tpu.memory_space<vmem>>
    %dma_wait3A_168 = arith.constant 0 : i32
    %dma_wait3A_169 = arith.constant 0 : i32
    %dma_wait3A_170 = tpu.memref_slice %arg2[%dma_wait3A_168, %dma_wait3A_169] : memref<10000x128xf32, #tpu.memory_space<hbm>> -> memref<10000x128xf32, #tpu.memory_space<hbm>>
    tpu.wait_indirect_dma semaphore(%arg17 : memref<!tpu.dma_semaphore, #tpu.memory_space<semaphore_mem>>) src(%dma_wait3A_170 : memref<10000x128xf32, #tpu.memory_space<hbm>>) dst(%dma_wait3A_165 : memref<64x128xf32, #tpu.memory_space<vmem>>)
    %dma_wait3A_171 = arith.constant 64 : i32
    %dma_wait3A_172 = arith.constant 0 : i32
    %dma_wait3A_173 = tpu.memref_slice %arg11[%dma_wait3A_171, %dma_wait3A_172] : memref<256x128xf32, #tpu.memory_space<vmem>> -> memref<64x128xf32, #tpu.memory_space<vmem>>
    %dma_wait3A_174 = arith.constant 64 : i32
    %dma_wait3A_175 = tpu.memref_slice %arg8[%dma_wait3A_174] : memref<256xi32, #tpu.memory_space<vmem>> -> memref<64xi32, #tpu.memory_space<vmem>>
    %dma_wait3A_176 = arith.constant 0 : i32
    %dma_wait3A_177 = arith.constant 0 : i32
    %dma_wait3A_178 = tpu.memref_slice %arg2[%dma_wait3A_176, %dma_wait3A_177] : memref<10000x128xf32, #tpu.memory_space<hbm>> -> memref<10000x128xf32, #tpu.memory_space<hbm>>
    tpu.wait_indirect_dma semaphore(%arg18 : memref<!tpu.dma_semaphore, #tpu.memory_space<semaphore_mem>>) src(%dma_wait3A_178 : memref<10000x128xf32, #tpu.memory_space<hbm>>) dst(%dma_wait3A_173 : memref<64x128xf32, #tpu.memory_space<vmem>>)
    %run_scoped3A_179 = arith.constant 0 : i32
    "tpu.region"() ({
      %run_scoped3A_202 = tpu.sem_alloc : memref<!tpu.dma_semaphore, #tpu.memory_space<semaphore_mem>>
      %dma_start3A_203 = arith.constant 0 : i32
      %dma_start3A_204 = arith.constant 0 : i32
      %dma_start3A_205 = tpu.memref_slice %arg11[%dma_start3A_203, %dma_start3A_204] : memref<256x128xf32, #tpu.memory_space<vmem>> -> memref<128x128xf32, #tpu.memory_space<vmem>>
      %dma_start3A_206 = arith.constant 0 : i32
      %dma_start3A_207 = tpu.memref_slice %arg10[%run_scoped3A_179, %dma_start3A_206] : memref<2x128xi32, #tpu.memory_space<vmem>> -> memref<1x128xi32, #tpu.memory_space<vmem>>
      %dma_start3A_208 = tpu.memref_squeeze %dma_start3A_207 : memref<1x128xi32, #tpu.memory_space<vmem>> -> memref<128xi32, #tpu.memory_space<vmem>>
      %dma_start3A_209 = arith.constant 0 : i32
      %dma_start3A_210 = arith.constant 0 : i32
      %dma_start3A_211 = tpu.memref_slice %arg12[%dma_start3A_209, %dma_start3A_210] : memref<10240x128xf32, #tpu.memory_space<vmem_shared>> -> memref<10240x128xf32, #tpu.memory_space<vmem_shared>>
      tpu.enqueue_indirect_dma source(%dma_start3A_205 : memref<128x128xf32, #tpu.memory_space<vmem>>) target(%dma_start3A_211 : memref<10240x128xf32, #tpu.memory_space<vmem_shared>>) offsets(%dma_start3A_208 : memref<128xi32, #tpu.memory_space<vmem>>) semaphore(%run_scoped3A_202 : memref<!tpu.dma_semaphore, #tpu.memory_space<semaphore_mem>>) {add = true}
      %dma_wait3A_212 = arith.constant 0 : i32
      %dma_wait3A_213 = arith.constant 0 : i32
      %dma_wait3A_214 = tpu.memref_slice %arg11[%dma_wait3A_212, %dma_wait3A_213] : memref<256x128xf32, #tpu.memory_space<vmem>> -> memref<128x128xf32, #tpu.memory_space<vmem>>
      %dma_wait3A_215 = arith.constant 0 : i32
      %dma_wait3A_216 = tpu.memref_slice %arg10[%run_scoped3A_179, %dma_wait3A_215] : memref<2x128xi32, #tpu.memory_space<vmem>> -> memref<1x128xi32, #tpu.memory_space<vmem>>
      %dma_wait3A_217 = tpu.memref_squeeze %dma_wait3A_216 : memref<1x128xi32, #tpu.memory_space<vmem>> -> memref<128xi32, #tpu.memory_space<vmem>>
      %dma_wait3A_218 = arith.constant 0 : i32
      %dma_wait3A_219 = arith.constant 0 : i32
      %dma_wait3A_220 = tpu.memref_slice %arg12[%dma_wait3A_218, %dma_wait3A_219] : memref<10240x128xf32, #tpu.memory_space<vmem_shared>> -> memref<10240x128xf32, #tpu.memory_space<vmem_shared>>
      tpu.wait_indirect_dma semaphore(%run_scoped3A_202 : memref<!tpu.dma_semaphore, #tpu.memory_space<semaphore_mem>>) src(%dma_wait3A_214 : memref<128x128xf32, #tpu.memory_space<vmem>>) dst(%dma_wait3A_220 : memref<10240x128xf32, #tpu.memory_space<vmem_shared>>)
      tpu.yield
    }) : () -> ()
    %dma_wait3A_180 = arith.constant 128 : i32
    %dma_wait3A_181 = arith.constant 0 : i32
    %dma_wait3A_182 = tpu.memref_slice %arg11[%dma_wait3A_180, %dma_wait3A_181] : memref<256x128xf32, #tpu.memory_space<vmem>> -> memref<64x128xf32, #tpu.memory_space<vmem>>
    %dma_wait3A_183 = arith.constant 128 : i32
    %dma_wait3A_184 = tpu.memref_slice %arg8[%dma_wait3A_183] : memref<256xi32, #tpu.memory_space<vmem>> -> memref<64xi32, #tpu.memory_space<vmem>>
    %dma_wait3A_185 = arith.constant 0 : i32
    %dma_wait3A_186 = arith.constant 0 : i32
    %dma_wait3A_187 = tpu.memref_slice %arg2[%dma_wait3A_185, %dma_wait3A_186] : memref<10000x128xf32, #tpu.memory_space<hbm>> -> memref<10000x128xf32, #tpu.memory_space<hbm>>
    tpu.wait_indirect_dma semaphore(%arg19 : memref<!tpu.dma_semaphore, #tpu.memory_space<semaphore_mem>>) src(%dma_wait3A_187 : memref<10000x128xf32, #tpu.memory_space<hbm>>) dst(%dma_wait3A_182 : memref<64x128xf32, #tpu.memory_space<vmem>>)
    %dma_wait3A_188 = arith.constant 192 : i32
    %dma_wait3A_189 = arith.constant 0 : i32
    %dma_wait3A_190 = tpu.memref_slice %arg11[%dma_wait3A_188, %dma_wait3A_189] : memref<256x128xf32, #tpu.memory_space<vmem>> -> memref<64x128xf32, #tpu.memory_space<vmem>>
    %dma_wait3A_191 = arith.constant 192 : i32
    %dma_wait3A_192 = tpu.memref_slice %arg8[%dma_wait3A_191] : memref<256xi32, #tpu.memory_space<vmem>> -> memref<64xi32, #tpu.memory_space<vmem>>
    %dma_wait3A_193 = arith.constant 0 : i32
    %dma_wait3A_194 = arith.constant 0 : i32
    %dma_wait3A_195 = tpu.memref_slice %arg2[%dma_wait3A_193, %dma_wait3A_194] : memref<10000x128xf32, #tpu.memory_space<hbm>> -> memref<10000x128xf32, #tpu.memory_space<hbm>>
    tpu.wait_indirect_dma semaphore(%arg20 : memref<!tpu.dma_semaphore, #tpu.memory_space<semaphore_mem>>) src(%dma_wait3A_195 : memref<10000x128xf32, #tpu.memory_space<hbm>>) dst(%dma_wait3A_190 : memref<64x128xf32, #tpu.memory_space<vmem>>)
    %run_scoped3A_196 = arith.constant 1 : i32
    "tpu.region"() ({
      %run_scoped3A_202 = tpu.sem_alloc : memref<!tpu.dma_semaphore, #tpu.memory_space<semaphore_mem>>
      %dma_start3A_203 = arith.constant 128 : i32
      %dma_start3A_204 = arith.constant 0 : i32
      %dma_start3A_205 = tpu.memref_slice %arg11[%dma_start3A_203, %dma_start3A_204] : memref<256x128xf32, #tpu.memory_space<vmem>> -> memref<128x128xf32, #tpu.memory_space<vmem>>
      %dma_start3A_206 = arith.constant 0 : i32
      %dma_start3A_207 = tpu.memref_slice %arg10[%run_scoped3A_196, %dma_start3A_206] : memref<2x128xi32, #tpu.memory_space<vmem>> -> memref<1x128xi32, #tpu.memory_space<vmem>>
      %dma_start3A_208 = tpu.memref_squeeze %dma_start3A_207 : memref<1x128xi32, #tpu.memory_space<vmem>> -> memref<128xi32, #tpu.memory_space<vmem>>
      %dma_start3A_209 = arith.constant 0 : i32
      %dma_start3A_210 = arith.constant 0 : i32
      %dma_start3A_211 = tpu.memref_slice %arg12[%dma_start3A_209, %dma_start3A_210] : memref<10240x128xf32, #tpu.memory_space<vmem_shared>> -> memref<10240x128xf32, #tpu.memory_space<vmem_shared>>
      tpu.enqueue_indirect_dma source(%dma_start3A_205 : memref<128x128xf32, #tpu.memory_space<vmem>>) target(%dma_start3A_211 : memref<10240x128xf32, #tpu.memory_space<vmem_shared>>) offsets(%dma_start3A_208 : memref<128xi32, #tpu.memory_space<vmem>>) semaphore(%run_scoped3A_202 : memref<!tpu.dma_semaphore, #tpu.memory_space<semaphore_mem>>) {add = true}
      %dma_wait3A_212 = arith.constant 128 : i32
      %dma_wait3A_213 = arith.constant 0 : i32
      %dma_wait3A_214 = tpu.memref_slice %arg11[%dma_wait3A_212, %dma_wait3A_213] : memref<256x128xf32, #tpu.memory_space<vmem>> -> memref<128x128xf32, #tpu.memory_space<vmem>>
      %dma_wait3A_215 = arith.constant 0 : i32
      %dma_wait3A_216 = tpu.memref_slice %arg10[%run_scoped3A_196, %dma_wait3A_215] : memref<2x128xi32, #tpu.memory_space<vmem>> -> memref<1x128xi32, #tpu.memory_space<vmem>>
      %dma_wait3A_217 = tpu.memref_squeeze %dma_wait3A_216 : memref<1x128xi32, #tpu.memory_space<vmem>> -> memref<128xi32, #tpu.memory_space<vmem>>
      %dma_wait3A_218 = arith.constant 0 : i32
      %dma_wait3A_219 = arith.constant 0 : i32
      %dma_wait3A_220 = tpu.memref_slice %arg12[%dma_wait3A_218, %dma_wait3A_219] : memref<10240x128xf32, #tpu.memory_space<vmem_shared>> -> memref<10240x128xf32, #tpu.memory_space<vmem_shared>>
      tpu.wait_indirect_dma semaphore(%run_scoped3A_202 : memref<!tpu.dma_semaphore, #tpu.memory_space<semaphore_mem>>) src(%dma_wait3A_214 : memref<128x128xf32, #tpu.memory_space<vmem>>) dst(%dma_wait3A_220 : memref<10240x128xf32, #tpu.memory_space<vmem_shared>>)
      tpu.yield
    }) : () -> ()
    %barrier3A_197 = arith.constant 0 : index
    tpu.barrier barrier_id(%barrier3A_197)
    %mul3A_198 = arith.constant 640 : i32
    %mul3A_199 = arith.muli %arg1, %mul3A_198 : i32
    %mul3A_200 = arith.constant 640 : i32
    %mul3A_201 = arith.muli %arg1, %mul3A_200 : i32
    "tpu.region"() ({
      %run_scoped3A_202 = tpu.sem_alloc : memref<!tpu.dma_semaphore, #tpu.memory_space<semaphore_mem>>
      %dma_start3A_203 = arith.constant 0 : i32
      %dma_start3A_204 = arith.constant 0 : i32
      %dma_start3A_205 = tpu.memref_slice %arg6[%arg0, %dma_start3A_203, %dma_start3A_204] : memref<2x10240x128xf32, #tpu.memory_space<hbm>> -> memref<1x10240x128xf32, #tpu.memory_space<hbm>>
      %dma_start3A_206 = tpu.memref_squeeze %dma_start3A_205 : memref<1x10240x128xf32, #tpu.memory_space<hbm>> -> memref<10240x128xf32, #tpu.memory_space<hbm>>
      %dma_start3A_207 = arith.constant 0 : i32
      %dma_start3A_208 = tpu.memref_slice %dma_start3A_206[%mul3A_201, %dma_start3A_207] : memref<10240x128xf32, #tpu.memory_space<hbm>> -> memref<640x128xf32, #tpu.memory_space<hbm>>
      %dma_start3A_209 = arith.constant 0 : i32
      %dma_start3A_210 = tpu.memref_slice %arg12[%mul3A_199, %dma_start3A_209] : memref<10240x128xf32, #tpu.memory_space<vmem_shared>> -> memref<640x128xf32, #tpu.memory_space<vmem_shared>>
      tpu.enqueue_dma source(%dma_start3A_210 : memref<640x128xf32, #tpu.memory_space<vmem_shared>>) target(%dma_start3A_208 : memref<640x128xf32, #tpu.memory_space<hbm>>) target_semaphore(%run_scoped3A_202 : memref<!tpu.dma_semaphore, #tpu.memory_space<semaphore_mem>>)
      %dma_wait3A_211 = arith.constant 0 : i32
      %dma_wait3A_212 = arith.constant 0 : i32
      %dma_wait3A_213 = tpu.memref_slice %arg6[%arg0, %dma_wait3A_211, %dma_wait3A_212] : memref<2x10240x128xf32, #tpu.memory_space<hbm>> -> memref<1x10240x128xf32, #tpu.memory_space<hbm>>
      %dma_wait3A_214 = tpu.memref_squeeze %dma_wait3A_213 : memref<1x10240x128xf32, #tpu.memory_space<hbm>> -> memref<10240x128xf32, #tpu.memory_space<hbm>>
      %dma_wait3A_215 = arith.constant 0 : i32
      %dma_wait3A_216 = tpu.memref_slice %dma_wait3A_214[%mul3A_201, %dma_wait3A_215] : memref<10240x128xf32, #tpu.memory_space<hbm>> -> memref<640x128xf32, #tpu.memory_space<hbm>>
      %dma_wait3A_217 = arith.constant 0 : i32
      %dma_wait3A_218 = tpu.memref_slice %arg12[%mul3A_199, %dma_wait3A_217] : memref<10240x128xf32, #tpu.memory_space<vmem_shared>> -> memref<640x128xf32, #tpu.memory_space<vmem_shared>>
      tpu.wait_dma2 semaphore(%run_scoped3A_202 : memref<!tpu.dma_semaphore, #tpu.memory_space<semaphore_mem>>) src(%dma_wait3A_218 : memref<640x128xf32, #tpu.memory_space<vmem_shared>>) dst(%dma_wait3A_216 : memref<640x128xf32, #tpu.memory_space<hbm>>)
      tpu.yield
    }) : () -> ()
    return
  }
}

#map = affine_map<(d0, d1) -> (0, 0)>
#map1 = affine_map<(d0, d1) -> (0, 0, 0)>
module attributes {stable_mosaic.version = 14 : i64} {
  func.func @kern(%arg0: i32, %arg1: i32, %arg2: memref<10000x128xf32, #tpu.memory_space<hbm>>, %arg3: memref<32x40x256xi32, #tpu.memory_space<hbm>>, %arg4: memref<32x80x128xi32, #tpu.memory_space<hbm>>, %arg5: memref<10240x128xf32, #tpu.memory_space<hbm>>, %arg6: memref<2x10240x128xf32, #tpu.memory_space<hbm>>, %arg7: memref<256xi32, #tpu.memory_space<vmem>>, %arg8: memref<256xi32, #tpu.memory_space<vmem>>, %arg9: memref<2x128xi32, #tpu.memory_space<vmem>>, %arg10: memref<2x128xi32, #tpu.memory_space<vmem>>, %arg11: memref<256x128xf32, #tpu.memory_space<vmem>>, %arg12: memref<10240x128xf32, #tpu.memory_space<vmem_shared>>, %arg13: memref<!tpu.dma_semaphore, #tpu.memory_space<semaphore_mem>>, %arg14: memref<!tpu.dma_semaphore, #tpu.memory_space<semaphore_mem>>, %arg15: memref<!tpu.dma_semaphore, #tpu.memory_space<semaphore_mem>>, %arg16: memref<!tpu.dma_semaphore, #tpu.memory_space<semaphore_mem>>, %arg17: memref<!tpu.dma_semaphore, #tpu.memory_space<semaphore_mem>>, %arg18: memref<!tpu.dma_semaphore, #tpu.memory_space<semaphore_mem>>, %arg19: memref<!tpu.dma_semaphore, #tpu.memory_space<semaphore_mem>>, %arg20: memref<!tpu.dma_semaphore, #tpu.memory_space<semaphore_mem>>) attributes {dimension_semantics = [#tpu.dimension_semantics<core_parallel>, #tpu.dimension_semantics<subcore_parallel>], iteration_bounds = array<i64: 2, 16>, scalar_prefetch = 0 : i64, scratch_operands = 14 : i64, tpu.core_type = #tpu.core_type<sc_vector_subcore>, window_params = [{transform_indices = #map}, {transform_indices = #map1}, {transform_indices = #map1}, {transform_indices = #map}, {transform_indices = #map1}]} {
    %mul3A = arith.constant 16 : i32
    %mul3A_0 = arith.muli %arg0, %mul3A : i32
    %add3A = arith.addi %mul3A_0, %arg1 : i32
    %run_scoped3A = arith.constant 0 : i32
    "tpu.region"() ({
      %run_scoped3A_202 = tpu.sem_alloc : memref<!tpu.dma_semaphore, #tpu.memory_space<semaphore_mem>>
      %dma_start3A_203 = arith.constant 0 : i32
      %dma_start3A_204 = arith.constant 0 : i32
      %dma_start3A_205 = tpu.memref_slice %arg3[%add3A, %dma_start3A_203, %dma_start3A_204] : memref<32x40x256xi32, #tpu.memory_space<hbm>> -> memref<1x40x256xi32, #tpu.memory_space<hbm>>
      %dma_start3A_206 = tpu.memref_squeeze %dma_start3A_205 : memref<1x40x256xi32, #tpu.memory_space<hbm>> -> memref<40x256xi32, #tpu.memory_space<hbm>>
      %dma_start3A_207 = arith.constant 0 : i32
      %dma_start3A_208 = tpu.memref_slice %dma_start3A_206[%run_scoped3A, %dma_start3A_207] : memref<40x256xi32, #tpu.memory_space<hbm>> -> memref<1x256xi32, #tpu.memory_space<hbm>>
      %dma_start3A_209 = tpu.memref_squeeze %dma_start3A_208 : memref<1x256xi32, #tpu.memory_space<hbm>> -> memref<256xi32, #tpu.memory_space<hbm>>
      %dma_start3A_210 = arith.constant 0 : i32
      %dma_start3A_211 = arith.constant 0 : i32
      %dma_start3A_212 = tpu.memref_slice %arg3[%add3A, %dma_start3A_210, %dma_start3A_211] : memref<32x40x256xi32, #tpu.memory_space<hbm>> -> memref<1x40x256xi32, #tpu.memory_space<hbm>>
      %dma_start3A_213 = tpu.memref_squeeze %dma_start3A_212 : memref<1x40x256xi32, #tpu.memory_space<hbm>> -> memref<40x256xi32, #tpu.memory_space<hbm>>
      %dma_start3A_214 = arith.constant 0 : i32
      %dma_start3A_215 = tpu.memref_slice %dma_start3A_213[%run_scoped3A, %dma_start3A_214] : memref<40x256xi32, #tpu.memory_space<hbm>> -> memref<1x256xi32, #tpu.memory_space<hbm>>
      %dma_start3A_216 = tpu.memref_squeeze %dma_start3A_215 : memref<1x256xi32, #tpu.memory_space<hbm>> -> memref<256xi32, #tpu.memory_space<hbm>>
      tpu.enqueue_dma source(%dma_start3A_216 : memref<256xi32, #tpu.memory_space<hbm>>) target(%arg7 : memref<256xi32, #tpu.memory_space<vmem>>) target_semaphore(%run_scoped3A_202 : memref<!tpu.dma_semaphore, #tpu.memory_space<semaphore_mem>>)
      %dma_wait3A_217 = arith.constant 0 : i32
      %dma_wait3A_218 = arith.constant 0 : i32
      %dma_wait3A_219 = tpu.memref_slice %arg3[%add3A, %dma_wait3A_217, %dma_wait3A_218] : memref<32x40x256xi32, #tpu.memory_space<hbm>> -> memref<1x40x256xi32, #tpu.memory_space<hbm>>
      %dma_wait3A_220 = tpu.memref_squeeze %dma_wait3A_219 : memref<1x40x256xi32, #tpu.memory_space<hbm>> -> memref<40x256xi32, #tpu.memory_space<hbm>>
      %dma_wait3A_221 = arith.constant 0 : i32
      %dma_wait3A_222 = tpu.memref_slice %dma_wait3A_220[%run_scoped3A, %dma_wait3A_221] : memref<40x256xi32, #tpu.memory_space<hbm>> -> memref<1x256xi32, #tpu.memory_space<hbm>>
      %dma_wait3A_223 = tpu.memref_squeeze %dma_wait3A_222 : memref<1x256xi32, #tpu.memory_space<hbm>> -> memref<256xi32, #tpu.memory_space<hbm>>
      %dma_wait3A_224 = arith.constant 0 : i32
      %dma_wait3A_225 = arith.constant 0 : i32
      %dma_wait3A_226 = tpu.memref_slice %arg3[%add3A, %dma_wait3A_224, %dma_wait3A_225] : memref<32x40x256xi32, #tpu.memory_space<hbm>> -> memref<1x40x256xi32, #tpu.memory_space<hbm>>
      %dma_wait3A_227 = tpu.memref_squeeze %dma_wait3A_226 : memref<1x40x256xi32, #tpu.memory_space<hbm>> -> memref<40x256xi32, #tpu.memory_space<hbm>>
      %dma_wait3A_228 = arith.constant 0 : i32
      %dma_wait3A_229 = tpu.memref_slice %dma_wait3A_227[%run_scoped3A, %dma_wait3A_228] : memref<40x256xi32, #tpu.memory_space<hbm>> -> memref<1x256xi32, #tpu.memory_space<hbm>>
      %dma_wait3A_230 = tpu.memref_squeeze %dma_wait3A_229 : memref<1x256xi32, #tpu.memory_space<hbm>> -> memref<256xi32, #tpu.memory_space<hbm>>
      tpu.wait_dma2 semaphore(%run_scoped3A_202 : memref<!tpu.dma_semaphore, #tpu.memory_space<semaphore_mem>>) src(%dma_wait3A_230 : memref<256xi32, #tpu.memory_space<hbm>>) dst(%arg7 : memref<256xi32, #tpu.memory_space<vmem>>)
      tpu.yield
    }) : () -> ()
    "tpu.region"() ({
      %run_scoped3A_202 = tpu.sem_alloc : memref<!tpu.dma_semaphore, #tpu.memory_space<semaphore_mem>>
      %dma_start3A_203 = arith.constant 0 : i32
      %dma_start3A_204 = arith.constant 0 : i32
      %dma_start3A_205 = tpu.memref_slice %arg4[%add3A, %dma_start3A_203, %dma_start3A_204] : memref<32x80x128xi32, #tpu.memory_space<hbm>> -> memref<1x80x128xi32, #tpu.memory_space<hbm>>
      %dma_start3A_206 = tpu.memref_squeeze %dma_start3A_205 : memref<1x80x128xi32, #tpu.memory_space<hbm>> -> memref<80x128xi32, #tpu.memory_space<hbm>>
      %dma_start3A_207 = arith.constant 0 : i32
      %dma_start3A_208 = arith.constant 0 : i32
      %dma_start3A_209 = tpu.memref_slice %dma_start3A_206[%dma_start3A_207, %dma_start3A_208] : memref<80x128xi32, #tpu.memory_space<hbm>> -> memref<2x128xi32, #tpu.memory_space<hbm>>
      %dma_start3A_210 = arith.constant 0 : i32
      %dma_start3A_211 = arith.constant 0 : i32
      %dma_start3A_212 = tpu.memref_slice %arg4[%add3A, %dma_start3A_210, %dma_start3A_211] : memref<32x80x128xi32, #tpu.memory_space<hbm>> -> memref<1x80x128xi32, #tpu.memory_space<hbm>>
      %dma_start3A_213 = tpu.memref_squeeze %dma_start3A_212 : memref<1x80x128xi32, #tpu.memory_space<hbm>> -> memref<80x128xi32, #tpu.memory_space<hbm>>
      %dma_start3A_214 = arith.constant 0 : i32
      %dma_start3A_215 = arith.constant 0 : i32
      %dma_start3A_216 = tpu.memref_slice %dma_start3A_213[%dma_start3A_214, %dma_start3A_215] : memref<80x128xi32, #tpu.memory_space<hbm>> -> memref<2x128xi32, #tpu.memory_space<hbm>>
      tpu.enqueue_dma source(%dma_start3A_216 : memref<2x128xi32, #tpu.memory_space<hbm>>) target(%arg9 : memref<2x128xi32, #tpu.memory_space<vmem>>) target_semaphore(%run_scoped3A_202 : memref<!tpu.dma_semaphore, #tpu.memory_space<semaphore_mem>>)
      %dma_wait3A_217 = arith.constant 0 : i32
      %dma_wait3A_218 = arith.constant 0 : i32
      %dma_wait3A_219 = tpu.memref_slice %arg4[%add3A, %dma_wait3A_217, %dma_wait3A_218] : memref<32x80x128xi32, #tpu.memory_space<hbm>> -> memref<1x80x128xi32, #tpu.memory_space<hbm>>
      %dma_wait3A_220 = tpu.memref_squeeze %dma_wait3A_219 : memref<1x80x128xi32, #tpu.memory_space<hbm>> -> memref<80x128xi32, #tpu.memory_space<hbm>>
      %dma_wait3A_221 = arith.constant 0 : i32
      %dma_wait3A_222 = arith.constant 0 : i32
      %dma_wait3A_223 = tpu.memref_slice %dma_wait3A_220[%dma_wait3A_221, %dma_wait3A_222] : memref<80x128xi32, #tpu.memory_space<hbm>> -> memref<2x128xi32, #tpu.memory_space<hbm>>
      %dma_wait3A_224 = arith.constant 0 : i32
      %dma_wait3A_225 = arith.constant 0 : i32
      %dma_wait3A_226 = tpu.memref_slice %arg4[%add3A, %dma_wait3A_224, %dma_wait3A_225] : memref<32x80x128xi32, #tpu.memory_space<hbm>> -> memref<1x80x128xi32, #tpu.memory_space<hbm>>
      %dma_wait3A_227 = tpu.memref_squeeze %dma_wait3A_226 : memref<1x80x128xi32, #tpu.memory_space<hbm>> -> memref<80x128xi32, #tpu.memory_space<hbm>>
      %dma_wait3A_228 = arith.constant 0 : i32
      %dma_wait3A_229 = arith.constant 0 : i32
      %dma_wait3A_230 = tpu.memref_slice %dma_wait3A_227[%dma_wait3A_228, %dma_wait3A_229] : memref<80x128xi32, #tpu.memory_space<hbm>> -> memref<2x128xi32, #tpu.memory_space<hbm>>
      tpu.wait_dma2 semaphore(%run_scoped3A_202 : memref<!tpu.dma_semaphore, #tpu.memory_space<semaphore_mem>>) src(%dma_wait3A_230 : memref<2x128xi32, #tpu.memory_space<hbm>>) dst(%arg9 : memref<2x128xi32, #tpu.memory_space<vmem>>)
      tpu.yield
    }) : () -> ()
    %dma_start3A = arith.constant 0 : i32
    %dma_start3A_1 = arith.constant 0 : i32
    %dma_start3A_2 = tpu.memref_slice %arg11[%dma_start3A, %dma_start3A_1] : memref<256x128xf32, #tpu.memory_space<vmem>> -> memref<64x128xf32, #tpu.memory_space<vmem>>
    %dma_start3A_3 = arith.constant 0 : i32
    %dma_start3A_4 = tpu.memref_slice %arg7[%dma_start3A_3] : memref<256xi32, #tpu.memory_space<vmem>> -> memref<64xi32, #tpu.memory_space<vmem>>
    %dma_start3A_5 = arith.constant 0 : i32
    %dma_start3A_6 = arith.constant 0 : i32
    %dma_start3A_7 = tpu.memref_slice %arg2[%dma_start3A_5, %dma_start3A_6] : memref<10000x128xf32, #tpu.memory_space<hbm>> -> memref<10000x128xf32, #tpu.memory_space<hbm>>
    tpu.enqueue_indirect_dma source(%dma_start3A_7 : memref<10000x128xf32, #tpu.memory_space<hbm>>) target(%dma_start3A_2 : memref<64x128xf32, #tpu.memory_space<vmem>>) offsets(%dma_start3A_4 : memref<64xi32, #tpu.memory_space<vmem>>) semaphore(%arg17 : memref<!tpu.dma_semaphore, #tpu.memory_space<semaphore_mem>>)
    %dma_start3A_8 = arith.constant 64 : i32
    %dma_start3A_9 = arith.constant 0 : i32
    %dma_start3A_10 = tpu.memref_slice %arg11[%dma_start3A_8, %dma_start3A_9] : memref<256x128xf32, #tpu.memory_space<vmem>> -> memref<64x128xf32, #tpu.memory_space<vmem>>
    %dma_start3A_11 = arith.constant 64 : i32
    %dma_start3A_12 = tpu.memref_slice %arg7[%dma_start3A_11] : memref<256xi32, #tpu.memory_space<vmem>> -> memref<64xi32, #tpu.memory_space<vmem>>
    %dma_start3A_13 = arith.constant 0 : i32
    %dma_start3A_14 = arith.constant 0 : i32
    %dma_start3A_15 = tpu.memref_slice %arg2[%dma_start3A_13, %dma_start3A_14] : memref<10000x128xf32, #tpu.memory_space<hbm>> -> memref<10000x128xf32, #tpu.memory_space<hbm>>
    tpu.enqueue_indirect_dma source(%dma_start3A_15 : memref<10000x128xf32, #tpu.memory_space<hbm>>) target(%dma_start3A_10 : memref<64x128xf32, #tpu.memory_space<vmem>>) offsets(%dma_start3A_12 : memref<64xi32, #tpu.memory_space<vmem>>) semaphore(%arg18 : memref<!tpu.dma_semaphore, #tpu.memory_space<semaphore_mem>>)
    %dma_start3A_16 = arith.constant 128 : i32
    %dma_start3A_17 = arith.constant 0 : i32
    %dma_start3A_18 = tpu.memref_slice %arg11[%dma_start3A_16, %dma_start3A_17] : memref<256x128xf32, #tpu.memory_space<vmem>> -> memref<64x128xf32, #tpu.memory_space<vmem>>
    %dma_start3A_19 = arith.constant 128 : i32
    %dma_start3A_20 = tpu.memref_slice %arg7[%dma_start3A_19] : memref<256xi32, #tpu.memory_space<vmem>> -> memref<64xi32, #tpu.memory_space<vmem>>
    %dma_start3A_21 = arith.constant 0 : i32
    %dma_start3A_22 = arith.constant 0 : i32
    %dma_start3A_23 = tpu.memref_slice %arg2[%dma_start3A_21, %dma_start3A_22] : memref<10000x128xf32, #tpu.memory_space<hbm>> -> memref<10000x128xf32, #tpu.memory_space<hbm>>
    tpu.enqueue_indirect_dma source(%dma_start3A_23 : memref<10000x128xf32, #tpu.memory_space<hbm>>) target(%dma_start3A_18 : memref<64x128xf32, #tpu.memory_space<vmem>>) offsets(%dma_start3A_20 : memref<64xi32, #tpu.memory_space<vmem>>) semaphore(%arg19 : memref<!tpu.dma_semaphore, #tpu.memory_space<semaphore_mem>>)
    %dma_start3A_24 = arith.constant 192 : i32
    %dma_start3A_25 = arith.constant 0 : i32
    %dma_start3A_26 = tpu.memref_slice %arg11[%dma_start3A_24, %dma_start3A_25] : memref<256x128xf32, #tpu.memory_space<vmem>> -> memref<64x128xf32, #tpu.memory_space<vmem>>
    %dma_start3A_27 = arith.constant 192 : i32
    %dma_start3A_28 = tpu.memref_slice %arg7[%dma_start3A_27] : memref<256xi32, #tpu.memory_space<vmem>> -> memref<64xi32, #tpu.memory_space<vmem>>
    %dma_start3A_29 = arith.constant 0 : i32
    %dma_start3A_30 = arith.constant 0 : i32
    %dma_start3A_31 = tpu.memref_slice %arg2[%dma_start3A_29, %dma_start3A_30] : memref<10000x128xf32, #tpu.memory_space<hbm>> -> memref<10000x128xf32, #tpu.memory_space<hbm>>
    tpu.enqueue_indirect_dma source(%dma_start3A_31 : memref<10000x128xf32, #tpu.memory_space<hbm>>) target(%dma_start3A_26 : memref<64x128xf32, #tpu.memory_space<vmem>>) offsets(%dma_start3A_28 : memref<64xi32, #tpu.memory_space<vmem>>) semaphore(%arg20 : memref<!tpu.dma_semaphore, #tpu.memory_space<semaphore_mem>>)
    %dma_start3A_32 = arith.constant 1 : i32
    %dma_start3A_33 = arith.constant 0 : i32
    %dma_start3A_34 = arith.constant 0 : i32
    %dma_start3A_35 = tpu.memref_slice %arg3[%add3A, %dma_start3A_33, %dma_start3A_34] : memref<32x40x256xi32, #tpu.memory_space<hbm>> -> memref<1x40x256xi32, #tpu.memory_space<hbm>>
    %dma_start3A_36 = tpu.memref_squeeze %dma_start3A_35 : memref<1x40x256xi32, #tpu.memory_space<hbm>> -> memref<40x256xi32, #tpu.memory_space<hbm>>
    %dma_start3A_37 = arith.constant 0 : i32
    %dma_start3A_38 = tpu.memref_slice %dma_start3A_36[%dma_start3A_32, %dma_start3A_37] : memref<40x256xi32, #tpu.memory_space<hbm>> -> memref<1x256xi32, #tpu.memory_space<hbm>>
    %dma_start3A_39 = tpu.memref_squeeze %dma_start3A_38 : memref<1x256xi32, #tpu.memory_space<hbm>> -> memref<256xi32, #tpu.memory_space<hbm>>
    %dma_start3A_40 = arith.constant 0 : i32
    %dma_start3A_41 = arith.constant 0 : i32
    %dma_start3A_42 = tpu.memref_slice %arg3[%add3A, %dma_start3A_40, %dma_start3A_41] : memref<32x40x256xi32, #tpu.memory_space<hbm>> -> memref<1x40x256xi32, #tpu.memory_space<hbm>>
    %dma_start3A_43 = tpu.memref_squeeze %dma_start3A_42 : memref<1x40x256xi32, #tpu.memory_space<hbm>> -> memref<40x256xi32, #tpu.memory_space<hbm>>
    %dma_start3A_44 = arith.constant 0 : i32
    %dma_start3A_45 = tpu.memref_slice %dma_start3A_43[%dma_start3A_32, %dma_start3A_44] : memref<40x256xi32, #tpu.memory_space<hbm>> -> memref<1x256xi32, #tpu.memory_space<hbm>>
    %dma_start3A_46 = tpu.memref_squeeze %dma_start3A_45 : memref<1x256xi32, #tpu.memory_space<hbm>> -> memref<256xi32, #tpu.memory_space<hbm>>
    tpu.enqueue_dma source(%dma_start3A_46 : memref<256xi32, #tpu.memory_space<hbm>>) target(%arg8 : memref<256xi32, #tpu.memory_space<vmem>>) target_semaphore(%arg14 : memref<!tpu.dma_semaphore, #tpu.memory_space<semaphore_mem>>)
    %dma_start3A_47 = arith.constant 0 : i32
    %dma_start3A_48 = arith.constant 0 : i32
    %dma_start3A_49 = tpu.memref_slice %arg4[%add3A, %dma_start3A_47, %dma_start3A_48] : memref<32x80x128xi32, #tpu.memory_space<hbm>> -> memref<1x80x128xi32, #tpu.memory_space<hbm>>
    %dma_start3A_50 = tpu.memref_squeeze %dma_start3A_49 : memref<1x80x128xi32, #tpu.memory_space<hbm>> -> memref<80x128xi32, #tpu.memory_space<hbm>>
    %dma_start3A_51 = arith.constant 2 : i32
    %dma_start3A_52 = arith.constant 0 : i32
    %dma_start3A_53 = tpu.memref_slice %dma_start3A_50[%dma_start3A_51, %dma_start3A_52] : memref<80x128xi32, #tpu.memory_space<hbm>> -> memref<2x128xi32, #tpu.memory_space<hbm>>
    %dma_start3A_54 = arith.constant 0 : i32
    %dma_start3A_55 = arith.constant 0 : i32
    %dma_start3A_56 = tpu.memref_slice %arg4[%add3A, %dma_start3A_54, %dma_start3A_55] : memref<32x80x128xi32, #tpu.memory_space<hbm>> -> memref<1x80x128xi32, #tpu.memory_space<hbm>>
    %dma_start3A_57 = tpu.memref_squeeze %dma_start3A_56 : memref<1x80x128xi32, #tpu.memory_space<hbm>> -> memref<80x128xi32, #tpu.memory_space<hbm>>
    %dma_start3A_58 = arith.constant 2 : i32
    %dma_start3A_59 = arith.constant 0 : i32
    %dma_start3A_60 = tpu.memref_slice %dma_start3A_57[%dma_start3A_58, %dma_start3A_59] : memref<80x128xi32, #tpu.memory_space<hbm>> -> memref<2x128xi32, #tpu.memory_space<hbm>>
    tpu.enqueue_dma source(%dma_start3A_60 : memref<2x128xi32, #tpu.memory_space<hbm>>) target(%arg10 : memref<2x128xi32, #tpu.memory_space<vmem>>) target_semaphore(%arg16 : memref<!tpu.dma_semaphore, #tpu.memory_space<semaphore_mem>>)
    %mul3A_61 = arith.constant 640 : i32
    %mul3A_62 = arith.muli %arg1, %mul3A_61 : i32
    %mul3A_63 = arith.constant 640 : i32
    %mul3A_64 = arith.muli %arg1, %mul3A_63 : i32
    "tpu.region"() ({
      %run_scoped3A_202 = tpu.sem_alloc : memref<!tpu.dma_semaphore, #tpu.memory_space<semaphore_mem>>
      %dma_start3A_203 = arith.constant 0 : i32
      %dma_start3A_204 = tpu.memref_slice %arg12[%mul3A_64, %dma_start3A_203] : memref<10240x128xf32, #tpu.memory_space<vmem_shared>> -> memref<640x128xf32, #tpu.memory_space<vmem_shared>>
      %dma_start3A_205 = arith.constant 0 : i32
      %dma_start3A_206 = tpu.memref_slice %arg5[%mul3A_62, %dma_start3A_205] : memref<10240x128xf32, #tpu.memory_space<hbm>> -> memref<640x128xf32, #tpu.memory_space<hbm>>
      tpu.enqueue_dma source(%dma_start3A_206 : memref<640x128xf32, #tpu.memory_space<hbm>>) target(%dma_start3A_204 : memref<640x128xf32, #tpu.memory_space<vmem_shared>>) target_semaphore(%run_scoped3A_202 : memref<!tpu.dma_semaphore, #tpu.memory_space<semaphore_mem>>)
      %dma_wait3A_207 = arith.constant 0 : i32
      %dma_wait3A_208 = tpu.memref_slice %arg12[%mul3A_64, %dma_wait3A_207] : memref<10240x128xf32, #tpu.memory_space<vmem_shared>> -> memref<640x128xf32, #tpu.memory_space<vmem_shared>>
      %dma_wait3A_209 = arith.constant 0 : i32
      %dma_wait3A_210 = tpu.memref_slice %arg5[%mul3A_62, %dma_wait3A_209] : memref<10240x128xf32, #tpu.memory_space<hbm>> -> memref<640x128xf32, #tpu.memory_space<hbm>>
      tpu.wait_dma2 semaphore(%run_scoped3A_202 : memref<!tpu.dma_semaphore, #tpu.memory_space<semaphore_mem>>) src(%dma_wait3A_210 : memref<640x128xf32, #tpu.memory_space<hbm>>) dst(%dma_wait3A_208 : memref<640x128xf32, #tpu.memory_space<vmem_shared>>)
      tpu.yield
    }) : () -> ()
    %barrier3A = arith.constant 0 : index
    tpu.barrier barrier_id(%barrier3A)
    %scan3A = arith.constant 0 : i32
    %scan3A_65 = arith.constant 19 : i32
    %scan3A_66 = arith.addi %scan3A, %scan3A_65 : i32
    %scan3A_67 = arith.constant 1 : i32
    scf.for %scan3A_202 = %scan3A to %scan3A_66 step %scan3A_67  : i32 {
      %mul3A_203 = arith.constant 1 : i32
      %mul3A_204 = arith.muli %scan3A_202, %mul3A_203 : i32
      %add3A_205 = arith.constant 0 : i32
      %add3A_206 = arith.addi %add3A_205, %mul3A_204 : i32
      %mul3A_207 = arith.constant 2 : i32
      %mul3A_208 = arith.muli %mul3A_207, %add3A_206 : i32
      %add3A_209 = arith.constant 1 : i32
      %add3A_210 = arith.addi %mul3A_208, %add3A_209 : i32
      %dma_wait3A_211 = arith.constant 0 : i32
      %dma_wait3A_212 = arith.constant 0 : i32
      %dma_wait3A_213 = tpu.memref_slice %arg3[%add3A, %dma_wait3A_211, %dma_wait3A_212] : memref<32x40x256xi32, #tpu.memory_space<hbm>> -> memref<1x40x256xi32, #tpu.memory_space<hbm>>
      %dma_wait3A_214 = tpu.memref_squeeze %dma_wait3A_213 : memref<1x40x256xi32, #tpu.memory_space<hbm>> -> memref<40x256xi32, #tpu.memory_space<hbm>>
      %dma_wait3A_215 = arith.constant 0 : i32
      %dma_wait3A_216 = tpu.memref_slice %dma_wait3A_214[%add3A_210, %dma_wait3A_215] : memref<40x256xi32, #tpu.memory_space<hbm>> -> memref<1x256xi32, #tpu.memory_space<hbm>>
      %dma_wait3A_217 = tpu.memref_squeeze %dma_wait3A_216 : memref<1x256xi32, #tpu.memory_space<hbm>> -> memref<256xi32, #tpu.memory_space<hbm>>
      %dma_wait3A_218 = arith.constant 0 : i32
      %dma_wait3A_219 = arith.constant 0 : i32
      %dma_wait3A_220 = tpu.memref_slice %arg3[%add3A, %dma_wait3A_218, %dma_wait3A_219] : memref<32x40x256xi32, #tpu.memory_space<hbm>> -> memref<1x40x256xi32, #tpu.memory_space<hbm>>
      %dma_wait3A_221 = tpu.memref_squeeze %dma_wait3A_220 : memref<1x40x256xi32, #tpu.memory_space<hbm>> -> memref<40x256xi32, #tpu.memory_space<hbm>>
      %dma_wait3A_222 = arith.constant 0 : i32
      %dma_wait3A_223 = tpu.memref_slice %dma_wait3A_221[%add3A_210, %dma_wait3A_222] : memref<40x256xi32, #tpu.memory_space<hbm>> -> memref<1x256xi32, #tpu.memory_space<hbm>>
      %dma_wait3A_224 = tpu.memref_squeeze %dma_wait3A_223 : memref<1x256xi32, #tpu.memory_space<hbm>> -> memref<256xi32, #tpu.memory_space<hbm>>
      tpu.wait_dma2 semaphore(%arg14 : memref<!tpu.dma_semaphore, #tpu.memory_space<semaphore_mem>>) src(%dma_wait3A_224 : memref<256xi32, #tpu.memory_space<hbm>>) dst(%arg8 : memref<256xi32, #tpu.memory_space<vmem>>)
      %mul3A_225 = arith.constant 2 : i32
      %mul3A_226 = arith.muli %mul3A_225, %mul3A_208 : i32
      %add3A_227 = arith.constant 2 : i32
      %add3A_228 = arith.addi %mul3A_226, %add3A_227 : i32
      %dma_wait3A_229 = arith.constant 0 : i32
      %dma_wait3A_230 = arith.constant 0 : i32
      %dma_wait3A_231 = tpu.memref_slice %arg4[%add3A, %dma_wait3A_229, %dma_wait3A_230] : memref<32x80x128xi32, #tpu.memory_space<hbm>> -> memref<1x80x128xi32, #tpu.memory_space<hbm>>
      %dma_wait3A_232 = tpu.memref_squeeze %dma_wait3A_231 : memref<1x80x128xi32, #tpu.memory_space<hbm>> -> memref<80x128xi32, #tpu.memory_space<hbm>>
      %dma_wait3A_233 = arith.constant 0 : i32
      %dma_wait3A_234 = tpu.memref_slice %dma_wait3A_232[%add3A_228, %dma_wait3A_233] : memref<80x128xi32, #tpu.memory_space<hbm>> -> memref<2x128xi32, #tpu.memory_space<hbm>>
      %dma_wait3A_235 = arith.constant 0 : i32
      %dma_wait3A_236 = arith.constant 0 : i32
      %dma_wait3A_237 = tpu.memref_slice %arg4[%add3A, %dma_wait3A_235, %dma_wait3A_236] : memref<32x80x128xi32, #tpu.memory_space<hbm>> -> memref<1x80x128xi32, #tpu.memory_space<hbm>>
      %dma_wait3A_238 = tpu.memref_squeeze %dma_wait3A_237 : memref<1x80x128xi32, #tpu.memory_space<hbm>> -> memref<80x128xi32, #tpu.memory_space<hbm>>
      %dma_wait3A_239 = arith.constant 0 : i32
      %dma_wait3A_240 = tpu.memref_slice %dma_wait3A_238[%add3A_228, %dma_wait3A_239] : memref<80x128xi32, #tpu.memory_space<hbm>> -> memref<2x128xi32, #tpu.memory_space<hbm>>
      tpu.wait_dma2 semaphore(%arg16 : memref<!tpu.dma_semaphore, #tpu.memory_space<semaphore_mem>>) src(%dma_wait3A_240 : memref<2x128xi32, #tpu.memory_space<hbm>>) dst(%arg10 : memref<2x128xi32, #tpu.memory_space<vmem>>)
      %dma_wait3A_241 = arith.constant 0 : i32
      %dma_wait3A_242 = arith.constant 0 : i32
      %dma_wait3A_243 = tpu.memref_slice %arg11[%dma_wait3A_241, %dma_wait3A_242] : memref<256x128xf32, #tpu.memory_space<vmem>> -> memref<64x128xf32, #tpu.memory_space<vmem>>
      %dma_wait3A_244 = arith.constant 0 : i32
      %dma_wait3A_245 = tpu.memref_slice %arg7[%dma_wait3A_244] : memref<256xi32, #tpu.memory_space<vmem>> -> memref<64xi32, #tpu.memory_space<vmem>>
      %dma_wait3A_246 = arith.constant 0 : i32
      %dma_wait3A_247 = arith.constant 0 : i32
      %dma_wait3A_248 = tpu.memref_slice %arg2[%dma_wait3A_246, %dma_wait3A_247] : memref<10000x128xf32, #tpu.memory_space<hbm>> -> memref<10000x128xf32, #tpu.memory_space<hbm>>
      tpu.wait_indirect_dma semaphore(%arg17 : memref<!tpu.dma_semaphore, #tpu.memory_space<semaphore_mem>>) src(%dma_wait3A_248 : memref<10000x128xf32, #tpu.memory_space<hbm>>) dst(%dma_wait3A_243 : memref<64x128xf32, #tpu.memory_space<vmem>>)
      %dma_wait3A_249 = arith.constant 64 : i32
      %dma_wait3A_250 = arith.constant 0 : i32
      %dma_wait3A_251 = tpu.memref_slice %arg11[%dma_wait3A_249, %dma_wait3A_250] : memref<256x128xf32, #tpu.memory_space<vmem>> -> memref<64x128xf32, #tpu.memory_space<vmem>>
      %dma_wait3A_252 = arith.constant 64 : i32
      %dma_wait3A_253 = tpu.memref_slice %arg7[%dma_wait3A_252] : memref<256xi32, #tpu.memory_space<vmem>> -> memref<64xi32, #tpu.memory_space<vmem>>
      %dma_wait3A_254 = arith.constant 0 : i32
      %dma_wait3A_255 = arith.constant 0 : i32
      %dma_wait3A_256 = tpu.memref_slice %arg2[%dma_wait3A_254, %dma_wait3A_255] : memref<10000x128xf32, #tpu.memory_space<hbm>> -> memref<10000x128xf32, #tpu.memory_space<hbm>>
      tpu.wait_indirect_dma semaphore(%arg18 : memref<!tpu.dma_semaphore, #tpu.memory_space<semaphore_mem>>) src(%dma_wait3A_256 : memref<10000x128xf32, #tpu.memory_space<hbm>>) dst(%dma_wait3A_251 : memref<64x128xf32, #tpu.memory_space<vmem>>)
      %run_scoped3A_257 = arith.constant 0 : i32
      "tpu.region"() ({
        %run_scoped3A_469 = tpu.sem_alloc : memref<!tpu.dma_semaphore, #tpu.memory_space<semaphore_mem>>
        %dma_start3A_470 = arith.constant 0 : i32
        %dma_start3A_471 = arith.constant 0 : i32
        %dma_start3A_472 = tpu.memref_slice %arg11[%dma_start3A_470, %dma_start3A_471] : memref<256x128xf32, #tpu.memory_space<vmem>> -> memref<128x128xf32, #tpu.memory_space<vmem>>
        %dma_start3A_473 = arith.constant 0 : i32
        %dma_start3A_474 = tpu.memref_slice %arg9[%run_scoped3A_257, %dma_start3A_473] : memref<2x128xi32, #tpu.memory_space<vmem>> -> memref<1x128xi32, #tpu.memory_space<vmem>>
        %dma_start3A_475 = tpu.memref_squeeze %dma_start3A_474 : memref<1x128xi32, #tpu.memory_space<vmem>> -> memref<128xi32, #tpu.memory_space<vmem>>
        %dma_start3A_476 = arith.constant 0 : i32
        %dma_start3A_477 = arith.constant 0 : i32
        %dma_start3A_478 = tpu.memref_slice %arg12[%dma_start3A_476, %dma_start3A_477] : memref<10240x128xf32, #tpu.memory_space<vmem_shared>> -> memref<10240x128xf32, #tpu.memory_space<vmem_shared>>
        tpu.enqueue_indirect_dma source(%dma_start3A_472 : memref<128x128xf32, #tpu.memory_space<vmem>>) target(%dma_start3A_478 : memref<10240x128xf32, #tpu.memory_space<vmem_shared>>) offsets(%dma_start3A_475 : memref<128xi32, #tpu.memory_space<vmem>>) semaphore(%run_scoped3A_469 : memref<!tpu.dma_semaphore, #tpu.memory_space<semaphore_mem>>) {add = true}
        %dma_wait3A_479 = arith.constant 0 : i32
        %dma_wait3A_480 = arith.constant 0 : i32
        %dma_wait3A_481 = tpu.memref_slice %arg11[%dma_wait3A_479, %dma_wait3A_480] : memref<256x128xf32, #tpu.memory_space<vmem>> -> memref<128x128xf32, #tpu.memory_space<vmem>>
        %dma_wait3A_482 = arith.constant 0 : i32
        %dma_wait3A_483 = tpu.memref_slice %arg9[%run_scoped3A_257, %dma_wait3A_482] : memref<2x128xi32, #tpu.memory_space<vmem>> -> memref<1x128xi32, #tpu.memory_space<vmem>>
        %dma_wait3A_484 = tpu.memref_squeeze %dma_wait3A_483 : memref<1x128xi32, #tpu.memory_space<vmem>> -> memref<128xi32, #tpu.memory_space<vmem>>
        %dma_wait3A_485 = arith.constant 0 : i32
        %dma_wait3A_486 = arith.constant 0 : i32
        %dma_wait3A_487 = tpu.memref_slice %arg12[%dma_wait3A_485, %dma_wait3A_486] : memref<10240x128xf32, #tpu.memory_space<vmem_shared>> -> memref<10240x128xf32, #tpu.memory_space<vmem_shared>>
        tpu.wait_indirect_dma semaphore(%run_scoped3A_469 : memref<!tpu.dma_semaphore, #tpu.memory_space<semaphore_mem>>) src(%dma_wait3A_481 : memref<128x128xf32, #tpu.memory_space<vmem>>) dst(%dma_wait3A_487 : memref<10240x128xf32, #tpu.memory_space<vmem_shared>>)
        tpu.yield
      }) : () -> ()
      %dma_start3A_258 = arith.constant 0 : i32
      %dma_start3A_259 = arith.constant 0 : i32
      %dma_start3A_260 = tpu.memref_slice %arg11[%dma_start3A_258, %dma_start3A_259] : memref<256x128xf32, #tpu.memory_space<vmem>> -> memref<64x128xf32, #tpu.memory_space<vmem>>
      %dma_start3A_261 = arith.constant 0 : i32
      %dma_start3A_262 = tpu.memref_slice %arg8[%dma_start3A_261] : memref<256xi32, #tpu.memory_space<vmem>> -> memref<64xi32, #tpu.memory_space<vmem>>
      %dma_start3A_263 = arith.constant 0 : i32
      %dma_start3A_264 = arith.constant 0 : i32
      %dma_start3A_265 = tpu.memref_slice %arg2[%dma_start3A_263, %dma_start3A_264] : memref<10000x128xf32, #tpu.memory_space<hbm>> -> memref<10000x128xf32, #tpu.memory_space<hbm>>
      tpu.enqueue_indirect_dma source(%dma_start3A_265 : memref<10000x128xf32, #tpu.memory_space<hbm>>) target(%dma_start3A_260 : memref<64x128xf32, #tpu.memory_space<vmem>>) offsets(%dma_start3A_262 : memref<64xi32, #tpu.memory_space<vmem>>) semaphore(%arg17 : memref<!tpu.dma_semaphore, #tpu.memory_space<semaphore_mem>>)
      %dma_start3A_266 = arith.constant 64 : i32
      %dma_start3A_267 = arith.constant 0 : i32
      %dma_start3A_268 = tpu.memref_slice %arg11[%dma_start3A_266, %dma_start3A_267] : memref<256x128xf32, #tpu.memory_space<vmem>> -> memref<64x128xf32, #tpu.memory_space<vmem>>
      %dma_start3A_269 = arith.constant 64 : i32
      %dma_start3A_270 = tpu.memref_slice %arg8[%dma_start3A_269] : memref<256xi32, #tpu.memory_space<vmem>> -> memref<64xi32, #tpu.memory_space<vmem>>
      %dma_start3A_271 = arith.constant 0 : i32
      %dma_start3A_272 = arith.constant 0 : i32
      %dma_start3A_273 = tpu.memref_slice %arg2[%dma_start3A_271, %dma_start3A_272] : memref<10000x128xf32, #tpu.memory_space<hbm>> -> memref<10000x128xf32, #tpu.memory_space<hbm>>
      tpu.enqueue_indirect_dma source(%dma_start3A_273 : memref<10000x128xf32, #tpu.memory_space<hbm>>) target(%dma_start3A_268 : memref<64x128xf32, #tpu.memory_space<vmem>>) offsets(%dma_start3A_270 : memref<64xi32, #tpu.memory_space<vmem>>) semaphore(%arg18 : memref<!tpu.dma_semaphore, #tpu.memory_space<semaphore_mem>>)
      %dma_wait3A_274 = arith.constant 128 : i32
      %dma_wait3A_275 = arith.constant 0 : i32
      %dma_wait3A_276 = tpu.memref_slice %arg11[%dma_wait3A_274, %dma_wait3A_275] : memref<256x128xf32, #tpu.memory_space<vmem>> -> memref<64x128xf32, #tpu.memory_space<vmem>>
      %dma_wait3A_277 = arith.constant 128 : i32
      %dma_wait3A_278 = tpu.memref_slice %arg7[%dma_wait3A_277] : memref<256xi32, #tpu.memory_space<vmem>> -> memref<64xi32, #tpu.memory_space<vmem>>
      %dma_wait3A_279 = arith.constant 0 : i32
      %dma_wait3A_280 = arith.constant 0 : i32
      %dma_wait3A_281 = tpu.memref_slice %arg2[%dma_wait3A_279, %dma_wait3A_280] : memref<10000x128xf32, #tpu.memory_space<hbm>> -> memref<10000x128xf32, #tpu.memory_space<hbm>>
      tpu.wait_indirect_dma semaphore(%arg19 : memref<!tpu.dma_semaphore, #tpu.memory_space<semaphore_mem>>) src(%dma_wait3A_281 : memref<10000x128xf32, #tpu.memory_space<hbm>>) dst(%dma_wait3A_276 : memref<64x128xf32, #tpu.memory_space<vmem>>)
      %dma_wait3A_282 = arith.constant 192 : i32
      %dma_wait3A_283 = arith.constant 0 : i32
      %dma_wait3A_284 = tpu.memref_slice %arg11[%dma_wait3A_282, %dma_wait3A_283] : memref<256x128xf32, #tpu.memory_space<vmem>> -> memref<64x128xf32, #tpu.memory_space<vmem>>
      %dma_wait3A_285 = arith.constant 192 : i32
      %dma_wait3A_286 = tpu.memref_slice %arg7[%dma_wait3A_285] : memref<256xi32, #tpu.memory_space<vmem>> -> memref<64xi32, #tpu.memory_space<vmem>>
      %dma_wait3A_287 = arith.constant 0 : i32
      %dma_wait3A_288 = arith.constant 0 : i32
      %dma_wait3A_289 = tpu.memref_slice %arg2[%dma_wait3A_287, %dma_wait3A_288] : memref<10000x128xf32, #tpu.memory_space<hbm>> -> memref<10000x128xf32, #tpu.memory_space<hbm>>
      tpu.wait_indirect_dma semaphore(%arg20 : memref<!tpu.dma_semaphore, #tpu.memory_space<semaphore_mem>>) src(%dma_wait3A_289 : memref<10000x128xf32, #tpu.memory_space<hbm>>) dst(%dma_wait3A_284 : memref<64x128xf32, #tpu.memory_space<vmem>>)
      %run_scoped3A_290 = arith.constant 1 : i32
      "tpu.region"() ({
        %run_scoped3A_469 = tpu.sem_alloc : memref<!tpu.dma_semaphore, #tpu.memory_space<semaphore_mem>>
        %dma_start3A_470 = arith.constant 128 : i32
        %dma_start3A_471 = arith.constant 0 : i32
        %dma_start3A_472 = tpu.memref_slice %arg11[%dma_start3A_470, %dma_start3A_471] : memref<256x128xf32, #tpu.memory_space<vmem>> -> memref<128x128xf32, #tpu.memory_space<vmem>>
        %dma_start3A_473 = arith.constant 0 : i32
        %dma_start3A_474 = tpu.memref_slice %arg9[%run_scoped3A_290, %dma_start3A_473] : memref<2x128xi32, #tpu.memory_space<vmem>> -> memref<1x128xi32, #tpu.memory_space<vmem>>
        %dma_start3A_475 = tpu.memref_squeeze %dma_start3A_474 : memref<1x128xi32, #tpu.memory_space<vmem>> -> memref<128xi32, #tpu.memory_space<vmem>>
        %dma_start3A_476 = arith.constant 0 : i32
        %dma_start3A_477 = arith.constant 0 : i32
        %dma_start3A_478 = tpu.memref_slice %arg12[%dma_start3A_476, %dma_start3A_477] : memref<10240x128xf32, #tpu.memory_space<vmem_shared>> -> memref<10240x128xf32, #tpu.memory_space<vmem_shared>>
        tpu.enqueue_indirect_dma source(%dma_start3A_472 : memref<128x128xf32, #tpu.memory_space<vmem>>) target(%dma_start3A_478 : memref<10240x128xf32, #tpu.memory_space<vmem_shared>>) offsets(%dma_start3A_475 : memref<128xi32, #tpu.memory_space<vmem>>) semaphore(%run_scoped3A_469 : memref<!tpu.dma_semaphore, #tpu.memory_space<semaphore_mem>>) {add = true}
        %dma_wait3A_479 = arith.constant 128 : i32
        %dma_wait3A_480 = arith.constant 0 : i32
        %dma_wait3A_481 = tpu.memref_slice %arg11[%dma_wait3A_479, %dma_wait3A_480] : memref<256x128xf32, #tpu.memory_space<vmem>> -> memref<128x128xf32, #tpu.memory_space<vmem>>
        %dma_wait3A_482 = arith.constant 0 : i32
        %dma_wait3A_483 = tpu.memref_slice %arg9[%run_scoped3A_290, %dma_wait3A_482] : memref<2x128xi32, #tpu.memory_space<vmem>> -> memref<1x128xi32, #tpu.memory_space<vmem>>
        %dma_wait3A_484 = tpu.memref_squeeze %dma_wait3A_483 : memref<1x128xi32, #tpu.memory_space<vmem>> -> memref<128xi32, #tpu.memory_space<vmem>>
        %dma_wait3A_485 = arith.constant 0 : i32
        %dma_wait3A_486 = arith.constant 0 : i32
        %dma_wait3A_487 = tpu.memref_slice %arg12[%dma_wait3A_485, %dma_wait3A_486] : memref<10240x128xf32, #tpu.memory_space<vmem_shared>> -> memref<10240x128xf32, #tpu.memory_space<vmem_shared>>
        tpu.wait_indirect_dma semaphore(%run_scoped3A_469 : memref<!tpu.dma_semaphore, #tpu.memory_space<semaphore_mem>>) src(%dma_wait3A_481 : memref<128x128xf32, #tpu.memory_space<vmem>>) dst(%dma_wait3A_487 : memref<10240x128xf32, #tpu.memory_space<vmem_shared>>)
        tpu.yield
      }) : () -> ()
      %dma_start3A_291 = arith.constant 128 : i32
      %dma_start3A_292 = arith.constant 0 : i32
      %dma_start3A_293 = tpu.memref_slice %arg11[%dma_start3A_291, %dma_start3A_292] : memref<256x128xf32, #tpu.memory_space<vmem>> -> memref<64x128xf32, #tpu.memory_space<vmem>>
      %dma_start3A_294 = arith.constant 128 : i32
      %dma_start3A_295 = tpu.memref_slice %arg8[%dma_start3A_294] : memref<256xi32, #tpu.memory_space<vmem>> -> memref<64xi32, #tpu.memory_space<vmem>>
      %dma_start3A_296 = arith.constant 0 : i32
      %dma_start3A_297 = arith.constant 0 : i32
      %dma_start3A_298 = tpu.memref_slice %arg2[%dma_start3A_296, %dma_start3A_297] : memref<10000x128xf32, #tpu.memory_space<hbm>> -> memref<10000x128xf32, #tpu.memory_space<hbm>>
      tpu.enqueue_indirect_dma source(%dma_start3A_298 : memref<10000x128xf32, #tpu.memory_space<hbm>>) target(%dma_start3A_293 : memref<64x128xf32, #tpu.memory_space<vmem>>) offsets(%dma_start3A_295 : memref<64xi32, #tpu.memory_space<vmem>>) semaphore(%arg19 : memref<!tpu.dma_semaphore, #tpu.memory_space<semaphore_mem>>)
      %dma_start3A_299 = arith.constant 192 : i32
      %dma_start3A_300 = arith.constant 0 : i32
      %dma_start3A_301 = tpu.memref_slice %arg11[%dma_start3A_299, %dma_start3A_300] : memref<256x128xf32, #tpu.memory_space<vmem>> -> memref<64x128xf32, #tpu.memory_space<vmem>>
      %dma_start3A_302 = arith.constant 192 : i32
      %dma_start3A_303 = tpu.memref_slice %arg8[%dma_start3A_302] : memref<256xi32, #tpu.memory_space<vmem>> -> memref<64xi32, #tpu.memory_space<vmem>>
      %dma_start3A_304 = arith.constant 0 : i32
      %dma_start3A_305 = arith.constant 0 : i32
      %dma_start3A_306 = tpu.memref_slice %arg2[%dma_start3A_304, %dma_start3A_305] : memref<10000x128xf32, #tpu.memory_space<hbm>> -> memref<10000x128xf32, #tpu.memory_space<hbm>>
      tpu.enqueue_indirect_dma source(%dma_start3A_306 : memref<10000x128xf32, #tpu.memory_space<hbm>>) target(%dma_start3A_301 : memref<64x128xf32, #tpu.memory_space<vmem>>) offsets(%dma_start3A_303 : memref<64xi32, #tpu.memory_space<vmem>>) semaphore(%arg20 : memref<!tpu.dma_semaphore, #tpu.memory_space<semaphore_mem>>)
      %add3A_307 = arith.constant 2 : i32
      %add3A_308 = arith.addi %mul3A_208, %add3A_307 : i32
      %dma_start3A_309 = arith.constant 0 : i32
      %dma_start3A_310 = arith.constant 0 : i32
      %dma_start3A_311 = tpu.memref_slice %arg3[%add3A, %dma_start3A_309, %dma_start3A_310] : memref<32x40x256xi32, #tpu.memory_space<hbm>> -> memref<1x40x256xi32, #tpu.memory_space<hbm>>
      %dma_start3A_312 = tpu.memref_squeeze %dma_start3A_311 : memref<1x40x256xi32, #tpu.memory_space<hbm>> -> memref<40x256xi32, #tpu.memory_space<hbm>>
      %dma_start3A_313 = arith.constant 0 : i32
      %dma_start3A_314 = tpu.memref_slice %dma_start3A_312[%add3A_308, %dma_start3A_313] : memref<40x256xi32, #tpu.memory_space<hbm>> -> memref<1x256xi32, #tpu.memory_space<hbm>>
      %dma_start3A_315 = tpu.memref_squeeze %dma_start3A_314 : memref<1x256xi32, #tpu.memory_space<hbm>> -> memref<256xi32, #tpu.memory_space<hbm>>
      %dma_start3A_316 = arith.constant 0 : i32
      %dma_start3A_317 = arith.constant 0 : i32
      %dma_start3A_318 = tpu.memref_slice %arg3[%add3A, %dma_start3A_316, %dma_start3A_317] : memref<32x40x256xi32, #tpu.memory_space<hbm>> -> memref<1x40x256xi32, #tpu.memory_space<hbm>>
      %dma_start3A_319 = tpu.memref_squeeze %dma_start3A_318 : memref<1x40x256xi32, #tpu.memory_space<hbm>> -> memref<40x256xi32, #tpu.memory_space<hbm>>
      %dma_start3A_320 = arith.constant 0 : i32
      %dma_start3A_321 = tpu.memref_slice %dma_start3A_319[%add3A_308, %dma_start3A_320] : memref<40x256xi32, #tpu.memory_space<hbm>> -> memref<1x256xi32, #tpu.memory_space<hbm>>
      %dma_start3A_322 = tpu.memref_squeeze %dma_start3A_321 : memref<1x256xi32, #tpu.memory_space<hbm>> -> memref<256xi32, #tpu.memory_space<hbm>>
      tpu.enqueue_dma source(%dma_start3A_322 : memref<256xi32, #tpu.memory_space<hbm>>) target(%arg7 : memref<256xi32, #tpu.memory_space<vmem>>) target_semaphore(%arg13 : memref<!tpu.dma_semaphore, #tpu.memory_space<semaphore_mem>>)
      %mul3A_323 = arith.constant 2 : i32
      %mul3A_324 = arith.muli %mul3A_323, %mul3A_208 : i32
      %add3A_325 = arith.constant 4 : i32
      %add3A_326 = arith.addi %mul3A_324, %add3A_325 : i32
      %dma_start3A_327 = arith.constant 0 : i32
      %dma_start3A_328 = arith.constant 0 : i32
      %dma_start3A_329 = tpu.memref_slice %arg4[%add3A, %dma_start3A_327, %dma_start3A_328] : memref<32x80x128xi32, #tpu.memory_space<hbm>> -> memref<1x80x128xi32, #tpu.memory_space<hbm>>
      %dma_start3A_330 = tpu.memref_squeeze %dma_start3A_329 : memref<1x80x128xi32, #tpu.memory_space<hbm>> -> memref<80x128xi32, #tpu.memory_space<hbm>>
      %dma_start3A_331 = arith.constant 0 : i32
      %dma_start3A_332 = tpu.memref_slice %dma_start3A_330[%add3A_326, %dma_start3A_331] : memref<80x128xi32, #tpu.memory_space<hbm>> -> memref<2x128xi32, #tpu.memory_space<hbm>>
      %dma_start3A_333 = arith.constant 0 : i32
      %dma_start3A_334 = arith.constant 0 : i32
      %dma_start3A_335 = tpu.memref_slice %arg4[%add3A, %dma_start3A_333, %dma_start3A_334] : memref<32x80x128xi32, #tpu.memory_space<hbm>> -> memref<1x80x128xi32, #tpu.memory_space<hbm>>
      %dma_start3A_336 = tpu.memref_squeeze %dma_start3A_335 : memref<1x80x128xi32, #tpu.memory_space<hbm>> -> memref<80x128xi32, #tpu.memory_space<hbm>>
      %dma_start3A_337 = arith.constant 0 : i32
      %dma_start3A_338 = tpu.memref_slice %dma_start3A_336[%add3A_326, %dma_start3A_337] : memref<80x128xi32, #tpu.memory_space<hbm>> -> memref<2x128xi32, #tpu.memory_space<hbm>>
      tpu.enqueue_dma source(%dma_start3A_338 : memref<2x128xi32, #tpu.memory_space<hbm>>) target(%arg9 : memref<2x128xi32, #tpu.memory_space<vmem>>) target_semaphore(%arg15 : memref<!tpu.dma_semaphore, #tpu.memory_space<semaphore_mem>>)
      %add3A_339 = arith.constant 2 : i32
      %add3A_340 = arith.addi %mul3A_208, %add3A_339 : i32
      %dma_wait3A_341 = arith.constant 0 : i32
      %dma_wait3A_342 = arith.constant 0 : i32
      %dma_wait3A_343 = tpu.memref_slice %arg3[%add3A, %dma_wait3A_341, %dma_wait3A_342] : memref<32x40x256xi32, #tpu.memory_space<hbm>> -> memref<1x40x256xi32, #tpu.memory_space<hbm>>
      %dma_wait3A_344 = tpu.memref_squeeze %dma_wait3A_343 : memref<1x40x256xi32, #tpu.memory_space<hbm>> -> memref<40x256xi32, #tpu.memory_space<hbm>>
      %dma_wait3A_345 = arith.constant 0 : i32
      %dma_wait3A_346 = tpu.memref_slice %dma_wait3A_344[%add3A_340, %dma_wait3A_345] : memref<40x256xi32, #tpu.memory_space<hbm>> -> memref<1x256xi32, #tpu.memory_space<hbm>>
      %dma_wait3A_347 = tpu.memref_squeeze %dma_wait3A_346 : memref<1x256xi32, #tpu.memory_space<hbm>> -> memref<256xi32, #tpu.memory_space<hbm>>
      %dma_wait3A_348 = arith.constant 0 : i32
      %dma_wait3A_349 = arith.constant 0 : i32
      %dma_wait3A_350 = tpu.memref_slice %arg3[%add3A, %dma_wait3A_348, %dma_wait3A_349] : memref<32x40x256xi32, #tpu.memory_space<hbm>> -> memref<1x40x256xi32, #tpu.memory_space<hbm>>
      %dma_wait3A_351 = tpu.memref_squeeze %dma_wait3A_350 : memref<1x40x256xi32, #tpu.memory_space<hbm>> -> memref<40x256xi32, #tpu.memory_space<hbm>>
      %dma_wait3A_352 = arith.constant 0 : i32
      %dma_wait3A_353 = tpu.memref_slice %dma_wait3A_351[%add3A_340, %dma_wait3A_352] : memref<40x256xi32, #tpu.memory_space<hbm>> -> memref<1x256xi32, #tpu.memory_space<hbm>>
      %dma_wait3A_354 = tpu.memref_squeeze %dma_wait3A_353 : memref<1x256xi32, #tpu.memory_space<hbm>> -> memref<256xi32, #tpu.memory_space<hbm>>
      tpu.wait_dma2 semaphore(%arg13 : memref<!tpu.dma_semaphore, #tpu.memory_space<semaphore_mem>>) src(%dma_wait3A_354 : memref<256xi32, #tpu.memory_space<hbm>>) dst(%arg7 : memref<256xi32, #tpu.memory_space<vmem>>)
      %mul3A_355 = arith.constant 2 : i32
      %mul3A_356 = arith.muli %mul3A_355, %mul3A_208 : i32
      %add3A_357 = arith.constant 4 : i32
      %add3A_358 = arith.addi %mul3A_356, %add3A_357 : i32
      %dma_wait3A_359 = arith.constant 0 : i32
      %dma_wait3A_360 = arith.constant 0 : i32
      %dma_wait3A_361 = tpu.memref_slice %arg4[%add3A, %dma_wait3A_359, %dma_wait3A_360] : memref<32x80x128xi32, #tpu.memory_space<hbm>> -> memref<1x80x128xi32, #tpu.memory_space<hbm>>
      %dma_wait3A_362 = tpu.memref_squeeze %dma_wait3A_361 : memref<1x80x128xi32, #tpu.memory_space<hbm>> -> memref<80x128xi32, #tpu.memory_space<hbm>>
      %dma_wait3A_363 = arith.constant 0 : i32
      %dma_wait3A_364 = tpu.memref_slice %dma_wait3A_362[%add3A_358, %dma_wait3A_363] : memref<80x128xi32, #tpu.memory_space<hbm>> -> memref<2x128xi32, #tpu.memory_space<hbm>>
      %dma_wait3A_365 = arith.constant 0 : i32
      %dma_wait3A_366 = arith.constant 0 : i32
      %dma_wait3A_367 = tpu.memref_slice %arg4[%add3A, %dma_wait3A_365, %dma_wait3A_366] : memref<32x80x128xi32, #tpu.memory_space<hbm>> -> memref<1x80x128xi32, #tpu.memory_space<hbm>>
      %dma_wait3A_368 = tpu.memref_squeeze %dma_wait3A_367 : memref<1x80x128xi32, #tpu.memory_space<hbm>> -> memref<80x128xi32, #tpu.memory_space<hbm>>
      %dma_wait3A_369 = arith.constant 0 : i32
      %dma_wait3A_370 = tpu.memref_slice %dma_wait3A_368[%add3A_358, %dma_wait3A_369] : memref<80x128xi32, #tpu.memory_space<hbm>> -> memref<2x128xi32, #tpu.memory_space<hbm>>
      tpu.wait_dma2 semaphore(%arg15 : memref<!tpu.dma_semaphore, #tpu.memory_space<semaphore_mem>>) src(%dma_wait3A_370 : memref<2x128xi32, #tpu.memory_space<hbm>>) dst(%arg9 : memref<2x128xi32, #tpu.memory_space<vmem>>)
      %dma_wait3A_371 = arith.constant 0 : i32
      %dma_wait3A_372 = arith.constant 0 : i32
      %dma_wait3A_373 = tpu.memref_slice %arg11[%dma_wait3A_371, %dma_wait3A_372] : memref<256x128xf32, #tpu.memory_space<vmem>> -> memref<64x128xf32, #tpu.memory_space<vmem>>
      %dma_wait3A_374 = arith.constant 0 : i32
      %dma_wait3A_375 = tpu.memref_slice %arg8[%dma_wait3A_374] : memref<256xi32, #tpu.memory_space<vmem>> -> memref<64xi32, #tpu.memory_space<vmem>>
      %dma_wait3A_376 = arith.constant 0 : i32
      %dma_wait3A_377 = arith.constant 0 : i32
      %dma_wait3A_378 = tpu.memref_slice %arg2[%dma_wait3A_376, %dma_wait3A_377] : memref<10000x128xf32, #tpu.memory_space<hbm>> -> memref<10000x128xf32, #tpu.memory_space<hbm>>
      tpu.wait_indirect_dma semaphore(%arg17 : memref<!tpu.dma_semaphore, #tpu.memory_space<semaphore_mem>>) src(%dma_wait3A_378 : memref<10000x128xf32, #tpu.memory_space<hbm>>) dst(%dma_wait3A_373 : memref<64x128xf32, #tpu.memory_space<vmem>>)
      %dma_wait3A_379 = arith.constant 64 : i32
      %dma_wait3A_380 = arith.constant 0 : i32
      %dma_wait3A_381 = tpu.memref_slice %arg11[%dma_wait3A_379, %dma_wait3A_380] : memref<256x128xf32, #tpu.memory_space<vmem>> -> memref<64x128xf32, #tpu.memory_space<vmem>>
      %dma_wait3A_382 = arith.constant 64 : i32
      %dma_wait3A_383 = tpu.memref_slice %arg8[%dma_wait3A_382] : memref<256xi32, #tpu.memory_space<vmem>> -> memref<64xi32, #tpu.memory_space<vmem>>
      %dma_wait3A_384 = arith.constant 0 : i32
      %dma_wait3A_385 = arith.constant 0 : i32
      %dma_wait3A_386 = tpu.memref_slice %arg2[%dma_wait3A_384, %dma_wait3A_385] : memref<10000x128xf32, #tpu.memory_space<hbm>> -> memref<10000x128xf32, #tpu.memory_space<hbm>>
      tpu.wait_indirect_dma semaphore(%arg18 : memref<!tpu.dma_semaphore, #tpu.memory_space<semaphore_mem>>) src(%dma_wait3A_386 : memref<10000x128xf32, #tpu.memory_space<hbm>>) dst(%dma_wait3A_381 : memref<64x128xf32, #tpu.memory_space<vmem>>)
      %run_scoped3A_387 = arith.constant 0 : i32
      "tpu.region"() ({
        %run_scoped3A_469 = tpu.sem_alloc : memref<!tpu.dma_semaphore, #tpu.memory_space<semaphore_mem>>
        %dma_start3A_470 = arith.constant 0 : i32
        %dma_start3A_471 = arith.constant 0 : i32
        %dma_start3A_472 = tpu.memref_slice %arg11[%dma_start3A_470, %dma_start3A_471] : memref<256x128xf32, #tpu.memory_space<vmem>> -> memref<128x128xf32, #tpu.memory_space<vmem>>
        %dma_start3A_473 = arith.constant 0 : i32
        %dma_start3A_474 = tpu.memref_slice %arg10[%run_scoped3A_387, %dma_start3A_473] : memref<2x128xi32, #tpu.memory_space<vmem>> -> memref<1x128xi32, #tpu.memory_space<vmem>>
        %dma_start3A_475 = tpu.memref_squeeze %dma_start3A_474 : memref<1x128xi32, #tpu.memory_space<vmem>> -> memref<128xi32, #tpu.memory_space<vmem>>
        %dma_start3A_476 = arith.constant 0 : i32
        %dma_start3A_477 = arith.constant 0 : i32
        %dma_start3A_478 = tpu.memref_slice %arg12[%dma_start3A_476, %dma_start3A_477] : memref<10240x128xf32, #tpu.memory_space<vmem_shared>> -> memref<10240x128xf32, #tpu.memory_space<vmem_shared>>
        tpu.enqueue_indirect_dma source(%dma_start3A_472 : memref<128x128xf32, #tpu.memory_space<vmem>>) target(%dma_start3A_478 : memref<10240x128xf32, #tpu.memory_space<vmem_shared>>) offsets(%dma_start3A_475 : memref<128xi32, #tpu.memory_space<vmem>>) semaphore(%run_scoped3A_469 : memref<!tpu.dma_semaphore, #tpu.memory_space<semaphore_mem>>) {add = true}
        %dma_wait3A_479 = arith.constant 0 : i32
        %dma_wait3A_480 = arith.constant 0 : i32
        %dma_wait3A_481 = tpu.memref_slice %arg11[%dma_wait3A_479, %dma_wait3A_480] : memref<256x128xf32, #tpu.memory_space<vmem>> -> memref<128x128xf32, #tpu.memory_space<vmem>>
        %dma_wait3A_482 = arith.constant 0 : i32
        %dma_wait3A_483 = tpu.memref_slice %arg10[%run_scoped3A_387, %dma_wait3A_482] : memref<2x128xi32, #tpu.memory_space<vmem>> -> memref<1x128xi32, #tpu.memory_space<vmem>>
        %dma_wait3A_484 = tpu.memref_squeeze %dma_wait3A_483 : memref<1x128xi32, #tpu.memory_space<vmem>> -> memref<128xi32, #tpu.memory_space<vmem>>
        %dma_wait3A_485 = arith.constant 0 : i32
        %dma_wait3A_486 = arith.constant 0 : i32
        %dma_wait3A_487 = tpu.memref_slice %arg12[%dma_wait3A_485, %dma_wait3A_486] : memref<10240x128xf32, #tpu.memory_space<vmem_shared>> -> memref<10240x128xf32, #tpu.memory_space<vmem_shared>>
        tpu.wait_indirect_dma semaphore(%run_scoped3A_469 : memref<!tpu.dma_semaphore, #tpu.memory_space<semaphore_mem>>) src(%dma_wait3A_481 : memref<128x128xf32, #tpu.memory_space<vmem>>) dst(%dma_wait3A_487 : memref<10240x128xf32, #tpu.memory_space<vmem_shared>>)
        tpu.yield
      }) : () -> ()
      %dma_start3A_388 = arith.constant 0 : i32
      %dma_start3A_389 = arith.constant 0 : i32
      %dma_start3A_390 = tpu.memref_slice %arg11[%dma_start3A_388, %dma_start3A_389] : memref<256x128xf32, #tpu.memory_space<vmem>> -> memref<64x128xf32, #tpu.memory_space<vmem>>
      %dma_start3A_391 = arith.constant 0 : i32
      %dma_start3A_392 = tpu.memref_slice %arg7[%dma_start3A_391] : memref<256xi32, #tpu.memory_space<vmem>> -> memref<64xi32, #tpu.memory_space<vmem>>
      %dma_start3A_393 = arith.constant 0 : i32
      %dma_start3A_394 = arith.constant 0 : i32
      %dma_start3A_395 = tpu.memref_slice %arg2[%dma_start3A_393, %dma_start3A_394] : memref<10000x128xf32, #tpu.memory_space<hbm>> -> memref<10000x128xf32, #tpu.memory_space<hbm>>
      tpu.enqueue_indirect_dma source(%dma_start3A_395 : memref<10000x128xf32, #tpu.memory_space<hbm>>) target(%dma_start3A_390 : memref<64x128xf32, #tpu.memory_space<vmem>>) offsets(%dma_start3A_392 : memref<64xi32, #tpu.memory_space<vmem>>) semaphore(%arg17 : memref<!tpu.dma_semaphore, #tpu.memory_space<semaphore_mem>>)
      %dma_start3A_396 = arith.constant 64 : i32
      %dma_start3A_397 = arith.constant 0 : i32
      %dma_start3A_398 = tpu.memref_slice %arg11[%dma_start3A_396, %dma_start3A_397] : memref<256x128xf32, #tpu.memory_space<vmem>> -> memref<64x128xf32, #tpu.memory_space<vmem>>
      %dma_start3A_399 = arith.constant 64 : i32
      %dma_start3A_400 = tpu.memref_slice %arg7[%dma_start3A_399] : memref<256xi32, #tpu.memory_space<vmem>> -> memref<64xi32, #tpu.memory_space<vmem>>
      %dma_start3A_401 = arith.constant 0 : i32
      %dma_start3A_402 = arith.constant 0 : i32
      %dma_start3A_403 = tpu.memref_slice %arg2[%dma_start3A_401, %dma_start3A_402] : memref<10000x128xf32, #tpu.memory_space<hbm>> -> memref<10000x128xf32, #tpu.memory_space<hbm>>
      tpu.enqueue_indirect_dma source(%dma_start3A_403 : memref<10000x128xf32, #tpu.memory_space<hbm>>) target(%dma_start3A_398 : memref<64x128xf32, #tpu.memory_space<vmem>>) offsets(%dma_start3A_400 : memref<64xi32, #tpu.memory_space<vmem>>) semaphore(%arg18 : memref<!tpu.dma_semaphore, #tpu.memory_space<semaphore_mem>>)
      %dma_wait3A_404 = arith.constant 128 : i32
      %dma_wait3A_405 = arith.constant 0 : i32
      %dma_wait3A_406 = tpu.memref_slice %arg11[%dma_wait3A_404, %dma_wait3A_405] : memref<256x128xf32, #tpu.memory_space<vmem>> -> memref<64x128xf32, #tpu.memory_space<vmem>>
      %dma_wait3A_407 = arith.constant 128 : i32
      %dma_wait3A_408 = tpu.memref_slice %arg8[%dma_wait3A_407] : memref<256xi32, #tpu.memory_space<vmem>> -> memref<64xi32, #tpu.memory_space<vmem>>
      %dma_wait3A_409 = arith.constant 0 : i32
      %dma_wait3A_410 = arith.constant 0 : i32
      %dma_wait3A_411 = tpu.memref_slice %arg2[%dma_wait3A_409, %dma_wait3A_410] : memref<10000x128xf32, #tpu.memory_space<hbm>> -> memref<10000x128xf32, #tpu.memory_space<hbm>>
      tpu.wait_indirect_dma semaphore(%arg19 : memref<!tpu.dma_semaphore, #tpu.memory_space<semaphore_mem>>) src(%dma_wait3A_411 : memref<10000x128xf32, #tpu.memory_space<hbm>>) dst(%dma_wait3A_406 : memref<64x128xf32, #tpu.memory_space<vmem>>)
      %dma_wait3A_412 = arith.constant 192 : i32
      %dma_wait3A_413 = arith.constant 0 : i32
      %dma_wait3A_414 = tpu.memref_slice %arg11[%dma_wait3A_412, %dma_wait3A_413] : memref<256x128xf32, #tpu.memory_space<vmem>> -> memref<64x128xf32, #tpu.memory_space<vmem>>
      %dma_wait3A_415 = arith.constant 192 : i32
      %dma_wait3A_416 = tpu.memref_slice %arg8[%dma_wait3A_415] : memref<256xi32, #tpu.memory_space<vmem>> -> memref<64xi32, #tpu.memory_space<vmem>>
      %dma_wait3A_417 = arith.constant 0 : i32
      %dma_wait3A_418 = arith.constant 0 : i32
      %dma_wait3A_419 = tpu.memref_slice %arg2[%dma_wait3A_417, %dma_wait3A_418] : memref<10000x128xf32, #tpu.memory_space<hbm>> -> memref<10000x128xf32, #tpu.memory_space<hbm>>
      tpu.wait_indirect_dma semaphore(%arg20 : memref<!tpu.dma_semaphore, #tpu.memory_space<semaphore_mem>>) src(%dma_wait3A_419 : memref<10000x128xf32, #tpu.memory_space<hbm>>) dst(%dma_wait3A_414 : memref<64x128xf32, #tpu.memory_space<vmem>>)
      %run_scoped3A_420 = arith.constant 1 : i32
      "tpu.region"() ({
        %run_scoped3A_469 = tpu.sem_alloc : memref<!tpu.dma_semaphore, #tpu.memory_space<semaphore_mem>>
        %dma_start3A_470 = arith.constant 128 : i32
        %dma_start3A_471 = arith.constant 0 : i32
        %dma_start3A_472 = tpu.memref_slice %arg11[%dma_start3A_470, %dma_start3A_471] : memref<256x128xf32, #tpu.memory_space<vmem>> -> memref<128x128xf32, #tpu.memory_space<vmem>>
        %dma_start3A_473 = arith.constant 0 : i32
        %dma_start3A_474 = tpu.memref_slice %arg10[%run_scoped3A_420, %dma_start3A_473] : memref<2x128xi32, #tpu.memory_space<vmem>> -> memref<1x128xi32, #tpu.memory_space<vmem>>
        %dma_start3A_475 = tpu.memref_squeeze %dma_start3A_474 : memref<1x128xi32, #tpu.memory_space<vmem>> -> memref<128xi32, #tpu.memory_space<vmem>>
        %dma_start3A_476 = arith.constant 0 : i32
        %dma_start3A_477 = arith.constant 0 : i32
        %dma_start3A_478 = tpu.memref_slice %arg12[%dma_start3A_476, %dma_start3A_477] : memref<10240x128xf32, #tpu.memory_space<vmem_shared>> -> memref<10240x128xf32, #tpu.memory_space<vmem_shared>>
        tpu.enqueue_indirect_dma source(%dma_start3A_472 : memref<128x128xf32, #tpu.memory_space<vmem>>) target(%dma_start3A_478 : memref<10240x128xf32, #tpu.memory_space<vmem_shared>>) offsets(%dma_start3A_475 : memref<128xi32, #tpu.memory_space<vmem>>) semaphore(%run_scoped3A_469 : memref<!tpu.dma_semaphore, #tpu.memory_space<semaphore_mem>>) {add = true}
        %dma_wait3A_479 = arith.constant 128 : i32
        %dma_wait3A_480 = arith.constant 0 : i32
        %dma_wait3A_481 = tpu.memref_slice %arg11[%dma_wait3A_479, %dma_wait3A_480] : memref<256x128xf32, #tpu.memory_space<vmem>> -> memref<128x128xf32, #tpu.memory_space<vmem>>
        %dma_wait3A_482 = arith.constant 0 : i32
        %dma_wait3A_483 = tpu.memref_slice %arg10[%run_scoped3A_420, %dma_wait3A_482] : memref<2x128xi32, #tpu.memory_space<vmem>> -> memref<1x128xi32, #tpu.memory_space<vmem>>
        %dma_wait3A_484 = tpu.memref_squeeze %dma_wait3A_483 : memref<1x128xi32, #tpu.memory_space<vmem>> -> memref<128xi32, #tpu.memory_space<vmem>>
        %dma_wait3A_485 = arith.constant 0 : i32
        %dma_wait3A_486 = arith.constant 0 : i32
        %dma_wait3A_487 = tpu.memref_slice %arg12[%dma_wait3A_485, %dma_wait3A_486] : memref<10240x128xf32, #tpu.memory_space<vmem_shared>> -> memref<10240x128xf32, #tpu.memory_space<vmem_shared>>
        tpu.wait_indirect_dma semaphore(%run_scoped3A_469 : memref<!tpu.dma_semaphore, #tpu.memory_space<semaphore_mem>>) src(%dma_wait3A_481 : memref<128x128xf32, #tpu.memory_space<vmem>>) dst(%dma_wait3A_487 : memref<10240x128xf32, #tpu.memory_space<vmem_shared>>)
        tpu.yield
      }) : () -> ()
      %dma_start3A_421 = arith.constant 128 : i32
      %dma_start3A_422 = arith.constant 0 : i32
      %dma_start3A_423 = tpu.memref_slice %arg11[%dma_start3A_421, %dma_start3A_422] : memref<256x128xf32, #tpu.memory_space<vmem>> -> memref<64x128xf32, #tpu.memory_space<vmem>>
      %dma_start3A_424 = arith.constant 128 : i32
      %dma_start3A_425 = tpu.memref_slice %arg7[%dma_start3A_424] : memref<256xi32, #tpu.memory_space<vmem>> -> memref<64xi32, #tpu.memory_space<vmem>>
      %dma_start3A_426 = arith.constant 0 : i32
      %dma_start3A_427 = arith.constant 0 : i32
      %dma_start3A_428 = tpu.memref_slice %arg2[%dma_start3A_426, %dma_start3A_427] : memref<10000x128xf32, #tpu.memory_space<hbm>> -> memref<10000x128xf32, #tpu.memory_space<hbm>>
      tpu.enqueue_indirect_dma source(%dma_start3A_428 : memref<10000x128xf32, #tpu.memory_space<hbm>>) target(%dma_start3A_423 : memref<64x128xf32, #tpu.memory_space<vmem>>) offsets(%dma_start3A_425 : memref<64xi32, #tpu.memory_space<vmem>>) semaphore(%arg19 : memref<!tpu.dma_semaphore, #tpu.memory_space<semaphore_mem>>)
      %dma_start3A_429 = arith.constant 192 : i32
      %dma_start3A_430 = arith.constant 0 : i32
      %dma_start3A_431 = tpu.memref_slice %arg11[%dma_start3A_429, %dma_start3A_430] : memref<256x128xf32, #tpu.memory_space<vmem>> -> memref<64x128xf32, #tpu.memory_space<vmem>>
      %dma_start3A_432 = arith.constant 192 : i32
      %dma_start3A_433 = tpu.memref_slice %arg7[%dma_start3A_432] : memref<256xi32, #tpu.memory_space<vmem>> -> memref<64xi32, #tpu.memory_space<vmem>>
      %dma_start3A_434 = arith.constant 0 : i32
      %dma_start3A_435 = arith.constant 0 : i32
      %dma_start3A_436 = tpu.memref_slice %arg2[%dma_start3A_434, %dma_start3A_435] : memref<10000x128xf32, #tpu.memory_space<hbm>> -> memref<10000x128xf32, #tpu.memory_space<hbm>>
      tpu.enqueue_indirect_dma source(%dma_start3A_436 : memref<10000x128xf32, #tpu.memory_space<hbm>>) target(%dma_start3A_431 : memref<64x128xf32, #tpu.memory_space<vmem>>) offsets(%dma_start3A_433 : memref<64xi32, #tpu.memory_space<vmem>>) semaphore(%arg20 : memref<!tpu.dma_semaphore, #tpu.memory_space<semaphore_mem>>)
      %add3A_437 = arith.constant 3 : i32
      %add3A_438 = arith.addi %mul3A_208, %add3A_437 : i32
      %dma_start3A_439 = arith.constant 0 : i32
      %dma_start3A_440 = arith.constant 0 : i32
      %dma_start3A_441 = tpu.memref_slice %arg3[%add3A, %dma_start3A_439, %dma_start3A_440] : memref<32x40x256xi32, #tpu.memory_space<hbm>> -> memref<1x40x256xi32, #tpu.memory_space<hbm>>
      %dma_start3A_442 = tpu.memref_squeeze %dma_start3A_441 : memref<1x40x256xi32, #tpu.memory_space<hbm>> -> memref<40x256xi32, #tpu.memory_space<hbm>>
      %dma_start3A_443 = arith.constant 0 : i32
      %dma_start3A_444 = tpu.memref_slice %dma_start3A_442[%add3A_438, %dma_start3A_443] : memref<40x256xi32, #tpu.memory_space<hbm>> -> memref<1x256xi32, #tpu.memory_space<hbm>>
      %dma_start3A_445 = tpu.memref_squeeze %dma_start3A_444 : memref<1x256xi32, #tpu.memory_space<hbm>> -> memref<256xi32, #tpu.memory_space<hbm>>
      %dma_start3A_446 = arith.constant 0 : i32
      %dma_start3A_447 = arith.constant 0 : i32
      %dma_start3A_448 = tpu.memref_slice %arg3[%add3A, %dma_start3A_446, %dma_start3A_447] : memref<32x40x256xi32, #tpu.memory_space<hbm>> -> memref<1x40x256xi32, #tpu.memory_space<hbm>>
      %dma_start3A_449 = tpu.memref_squeeze %dma_start3A_448 : memref<1x40x256xi32, #tpu.memory_space<hbm>> -> memref<40x256xi32, #tpu.memory_space<hbm>>
      %dma_start3A_450 = arith.constant 0 : i32
      %dma_start3A_451 = tpu.memref_slice %dma_start3A_449[%add3A_438, %dma_start3A_450] : memref<40x256xi32, #tpu.memory_space<hbm>> -> memref<1x256xi32, #tpu.memory_space<hbm>>
      %dma_start3A_452 = tpu.memref_squeeze %dma_start3A_451 : memref<1x256xi32, #tpu.memory_space<hbm>> -> memref<256xi32, #tpu.memory_space<hbm>>
      tpu.enqueue_dma source(%dma_start3A_452 : memref<256xi32, #tpu.memory_space<hbm>>) target(%arg8 : memref<256xi32, #tpu.memory_space<vmem>>) target_semaphore(%arg14 : memref<!tpu.dma_semaphore, #tpu.memory_space<semaphore_mem>>)
      %mul3A_453 = arith.constant 2 : i32
      %mul3A_454 = arith.muli %mul3A_453, %mul3A_208 : i32
      %add3A_455 = arith.constant 6 : i32
      %add3A_456 = arith.addi %mul3A_454, %add3A_455 : i32
      %dma_start3A_457 = arith.constant 0 : i32
      %dma_start3A_458 = arith.constant 0 : i32
      %dma_start3A_459 = tpu.memref_slice %arg4[%add3A, %dma_start3A_457, %dma_start3A_458] : memref<32x80x128xi32, #tpu.memory_space<hbm>> -> memref<1x80x128xi32, #tpu.memory_space<hbm>>
      %dma_start3A_460 = tpu.memref_squeeze %dma_start3A_459 : memref<1x80x128xi32, #tpu.memory_space<hbm>> -> memref<80x128xi32, #tpu.memory_space<hbm>>
      %dma_start3A_461 = arith.constant 0 : i32
      %dma_start3A_462 = tpu.memref_slice %dma_start3A_460[%add3A_456, %dma_start3A_461] : memref<80x128xi32, #tpu.memory_space<hbm>> -> memref<2x128xi32, #tpu.memory_space<hbm>>
      %dma_start3A_463 = arith.constant 0 : i32
      %dma_start3A_464 = arith.constant 0 : i32
      %dma_start3A_465 = tpu.memref_slice %arg4[%add3A, %dma_start3A_463, %dma_start3A_464] : memref<32x80x128xi32, #tpu.memory_space<hbm>> -> memref<1x80x128xi32, #tpu.memory_space<hbm>>
      %dma_start3A_466 = tpu.memref_squeeze %dma_start3A_465 : memref<1x80x128xi32, #tpu.memory_space<hbm>> -> memref<80x128xi32, #tpu.memory_space<hbm>>
      %dma_start3A_467 = arith.constant 0 : i32
      %dma_start3A_468 = tpu.memref_slice %dma_start3A_466[%add3A_456, %dma_start3A_467] : memref<80x128xi32, #tpu.memory_space<hbm>> -> memref<2x128xi32, #tpu.memory_space<hbm>>
      tpu.enqueue_dma source(%dma_start3A_468 : memref<2x128xi32, #tpu.memory_space<hbm>>) target(%arg10 : memref<2x128xi32, #tpu.memory_space<vmem>>) target_semaphore(%arg16 : memref<!tpu.dma_semaphore, #tpu.memory_space<semaphore_mem>>)
    }
    %scan3A_68 = arith.constant 19 : i32
    %dma_wait3A = arith.constant 39 : i32
    %dma_wait3A_69 = arith.constant 0 : i32
    %dma_wait3A_70 = arith.constant 0 : i32
    %dma_wait3A_71 = tpu.memref_slice %arg3[%add3A, %dma_wait3A_69, %dma_wait3A_70] : memref<32x40x256xi32, #tpu.memory_space<hbm>> -> memref<1x40x256xi32, #tpu.memory_space<hbm>>
    %dma_wait3A_72 = tpu.memref_squeeze %dma_wait3A_71 : memref<1x40x256xi32, #tpu.memory_space<hbm>> -> memref<40x256xi32, #tpu.memory_space<hbm>>
    %dma_wait3A_73 = arith.constant 0 : i32
    %dma_wait3A_74 = tpu.memref_slice %dma_wait3A_72[%dma_wait3A, %dma_wait3A_73] : memref<40x256xi32, #tpu.memory_space<hbm>> -> memref<1x256xi32, #tpu.memory_space<hbm>>
    %dma_wait3A_75 = tpu.memref_squeeze %dma_wait3A_74 : memref<1x256xi32, #tpu.memory_space<hbm>> -> memref<256xi32, #tpu.memory_space<hbm>>
    %dma_wait3A_76 = arith.constant 0 : i32
    %dma_wait3A_77 = arith.constant 0 : i32
    %dma_wait3A_78 = tpu.memref_slice %arg3[%add3A, %dma_wait3A_76, %dma_wait3A_77] : memref<32x40x256xi32, #tpu.memory_space<hbm>> -> memref<1x40x256xi32, #tpu.memory_space<hbm>>
    %dma_wait3A_79 = tpu.memref_squeeze %dma_wait3A_78 : memref<1x40x256xi32, #tpu.memory_space<hbm>> -> memref<40x256xi32, #tpu.memory_space<hbm>>
    %dma_wait3A_80 = arith.constant 0 : i32
    %dma_wait3A_81 = tpu.memref_slice %dma_wait3A_79[%dma_wait3A, %dma_wait3A_80] : memref<40x256xi32, #tpu.memory_space<hbm>> -> memref<1x256xi32, #tpu.memory_space<hbm>>
    %dma_wait3A_82 = tpu.memref_squeeze %dma_wait3A_81 : memref<1x256xi32, #tpu.memory_space<hbm>> -> memref<256xi32, #tpu.memory_space<hbm>>
    tpu.wait_dma2 semaphore(%arg14 : memref<!tpu.dma_semaphore, #tpu.memory_space<semaphore_mem>>) src(%dma_wait3A_82 : memref<256xi32, #tpu.memory_space<hbm>>) dst(%arg8 : memref<256xi32, #tpu.memory_space<vmem>>)
    %dma_wait3A_83 = arith.constant 0 : i32
    %dma_wait3A_84 = arith.constant 0 : i32
    %dma_wait3A_85 = tpu.memref_slice %arg4[%add3A, %dma_wait3A_83, %dma_wait3A_84] : memref<32x80x128xi32, #tpu.memory_space<hbm>> -> memref<1x80x128xi32, #tpu.memory_space<hbm>>
    %dma_wait3A_86 = tpu.memref_squeeze %dma_wait3A_85 : memref<1x80x128xi32, #tpu.memory_space<hbm>> -> memref<80x128xi32, #tpu.memory_space<hbm>>
    %dma_wait3A_87 = arith.constant 78 : i32
    %dma_wait3A_88 = arith.constant 0 : i32
    %dma_wait3A_89 = tpu.memref_slice %dma_wait3A_86[%dma_wait3A_87, %dma_wait3A_88] : memref<80x128xi32, #tpu.memory_space<hbm>> -> memref<2x128xi32, #tpu.memory_space<hbm>>
    %dma_wait3A_90 = arith.constant 0 : i32
    %dma_wait3A_91 = arith.constant 0 : i32
    %dma_wait3A_92 = tpu.memref_slice %arg4[%add3A, %dma_wait3A_90, %dma_wait3A_91] : memref<32x80x128xi32, #tpu.memory_space<hbm>> -> memref<1x80x128xi32, #tpu.memory_space<hbm>>
    %dma_wait3A_93 = tpu.memref_squeeze %dma_wait3A_92 : memref<1x80x128xi32, #tpu.memory_space<hbm>> -> memref<80x128xi32, #tpu.memory_space<hbm>>
    %dma_wait3A_94 = arith.constant 78 : i32
    %dma_wait3A_95 = arith.constant 0 : i32
    %dma_wait3A_96 = tpu.memref_slice %dma_wait3A_93[%dma_wait3A_94, %dma_wait3A_95] : memref<80x128xi32, #tpu.memory_space<hbm>> -> memref<2x128xi32, #tpu.memory_space<hbm>>
    tpu.wait_dma2 semaphore(%arg16 : memref<!tpu.dma_semaphore, #tpu.memory_space<semaphore_mem>>) src(%dma_wait3A_96 : memref<2x128xi32, #tpu.memory_space<hbm>>) dst(%arg10 : memref<2x128xi32, #tpu.memory_space<vmem>>)
    %dma_wait3A_97 = arith.constant 0 : i32
    %dma_wait3A_98 = arith.constant 0 : i32
    %dma_wait3A_99 = tpu.memref_slice %arg11[%dma_wait3A_97, %dma_wait3A_98] : memref<256x128xf32, #tpu.memory_space<vmem>> -> memref<64x128xf32, #tpu.memory_space<vmem>>
    %dma_wait3A_100 = arith.constant 0 : i32
    %dma_wait3A_101 = tpu.memref_slice %arg7[%dma_wait3A_100] : memref<256xi32, #tpu.memory_space<vmem>> -> memref<64xi32, #tpu.memory_space<vmem>>
    %dma_wait3A_102 = arith.constant 0 : i32
    %dma_wait3A_103 = arith.constant 0 : i32
    %dma_wait3A_104 = tpu.memref_slice %arg2[%dma_wait3A_102, %dma_wait3A_103] : memref<10000x128xf32, #tpu.memory_space<hbm>> -> memref<10000x128xf32, #tpu.memory_space<hbm>>
    tpu.wait_indirect_dma semaphore(%arg17 : memref<!tpu.dma_semaphore, #tpu.memory_space<semaphore_mem>>) src(%dma_wait3A_104 : memref<10000x128xf32, #tpu.memory_space<hbm>>) dst(%dma_wait3A_99 : memref<64x128xf32, #tpu.memory_space<vmem>>)
    %dma_wait3A_105 = arith.constant 64 : i32
    %dma_wait3A_106 = arith.constant 0 : i32
    %dma_wait3A_107 = tpu.memref_slice %arg11[%dma_wait3A_105, %dma_wait3A_106] : memref<256x128xf32, #tpu.memory_space<vmem>> -> memref<64x128xf32, #tpu.memory_space<vmem>>
    %dma_wait3A_108 = arith.constant 64 : i32
    %dma_wait3A_109 = tpu.memref_slice %arg7[%dma_wait3A_108] : memref<256xi32, #tpu.memory_space<vmem>> -> memref<64xi32, #tpu.memory_space<vmem>>
    %dma_wait3A_110 = arith.constant 0 : i32
    %dma_wait3A_111 = arith.constant 0 : i32
    %dma_wait3A_112 = tpu.memref_slice %arg2[%dma_wait3A_110, %dma_wait3A_111] : memref<10000x128xf32, #tpu.memory_space<hbm>> -> memref<10000x128xf32, #tpu.memory_space<hbm>>
    tpu.wait_indirect_dma semaphore(%arg18 : memref<!tpu.dma_semaphore, #tpu.memory_space<semaphore_mem>>) src(%dma_wait3A_112 : memref<10000x128xf32, #tpu.memory_space<hbm>>) dst(%dma_wait3A_107 : memref<64x128xf32, #tpu.memory_space<vmem>>)
    %run_scoped3A_113 = arith.constant 0 : i32
    "tpu.region"() ({
      %run_scoped3A_202 = tpu.sem_alloc : memref<!tpu.dma_semaphore, #tpu.memory_space<semaphore_mem>>
      %dma_start3A_203 = arith.constant 0 : i32
      %dma_start3A_204 = arith.constant 0 : i32
      %dma_start3A_205 = tpu.memref_slice %arg11[%dma_start3A_203, %dma_start3A_204] : memref<256x128xf32, #tpu.memory_space<vmem>> -> memref<128x128xf32, #tpu.memory_space<vmem>>
      %dma_start3A_206 = arith.constant 0 : i32
      %dma_start3A_207 = tpu.memref_slice %arg9[%run_scoped3A_113, %dma_start3A_206] : memref<2x128xi32, #tpu.memory_space<vmem>> -> memref<1x128xi32, #tpu.memory_space<vmem>>
      %dma_start3A_208 = tpu.memref_squeeze %dma_start3A_207 : memref<1x128xi32, #tpu.memory_space<vmem>> -> memref<128xi32, #tpu.memory_space<vmem>>
      %dma_start3A_209 = arith.constant 0 : i32
      %dma_start3A_210 = arith.constant 0 : i32
      %dma_start3A_211 = tpu.memref_slice %arg12[%dma_start3A_209, %dma_start3A_210] : memref<10240x128xf32, #tpu.memory_space<vmem_shared>> -> memref<10240x128xf32, #tpu.memory_space<vmem_shared>>
      tpu.enqueue_indirect_dma source(%dma_start3A_205 : memref<128x128xf32, #tpu.memory_space<vmem>>) target(%dma_start3A_211 : memref<10240x128xf32, #tpu.memory_space<vmem_shared>>) offsets(%dma_start3A_208 : memref<128xi32, #tpu.memory_space<vmem>>) semaphore(%run_scoped3A_202 : memref<!tpu.dma_semaphore, #tpu.memory_space<semaphore_mem>>) {add = true}
      %dma_wait3A_212 = arith.constant 0 : i32
      %dma_wait3A_213 = arith.constant 0 : i32
      %dma_wait3A_214 = tpu.memref_slice %arg11[%dma_wait3A_212, %dma_wait3A_213] : memref<256x128xf32, #tpu.memory_space<vmem>> -> memref<128x128xf32, #tpu.memory_space<vmem>>
      %dma_wait3A_215 = arith.constant 0 : i32
      %dma_wait3A_216 = tpu.memref_slice %arg9[%run_scoped3A_113, %dma_wait3A_215] : memref<2x128xi32, #tpu.memory_space<vmem>> -> memref<1x128xi32, #tpu.memory_space<vmem>>
      %dma_wait3A_217 = tpu.memref_squeeze %dma_wait3A_216 : memref<1x128xi32, #tpu.memory_space<vmem>> -> memref<128xi32, #tpu.memory_space<vmem>>
      %dma_wait3A_218 = arith.constant 0 : i32
      %dma_wait3A_219 = arith.constant 0 : i32
      %dma_wait3A_220 = tpu.memref_slice %arg12[%dma_wait3A_218, %dma_wait3A_219] : memref<10240x128xf32, #tpu.memory_space<vmem_shared>> -> memref<10240x128xf32, #tpu.memory_space<vmem_shared>>
      tpu.wait_indirect_dma semaphore(%run_scoped3A_202 : memref<!tpu.dma_semaphore, #tpu.memory_space<semaphore_mem>>) src(%dma_wait3A_214 : memref<128x128xf32, #tpu.memory_space<vmem>>) dst(%dma_wait3A_220 : memref<10240x128xf32, #tpu.memory_space<vmem_shared>>)
      tpu.yield
    }) : () -> ()
    %dma_start3A_114 = arith.constant 0 : i32
    %dma_start3A_115 = arith.constant 0 : i32
    %dma_start3A_116 = tpu.memref_slice %arg11[%dma_start3A_114, %dma_start3A_115] : memref<256x128xf32, #tpu.memory_space<vmem>> -> memref<64x128xf32, #tpu.memory_space<vmem>>
    %dma_start3A_117 = arith.constant 0 : i32
    %dma_start3A_118 = tpu.memref_slice %arg8[%dma_start3A_117] : memref<256xi32, #tpu.memory_space<vmem>> -> memref<64xi32, #tpu.memory_space<vmem>>
    %dma_start3A_119 = arith.constant 0 : i32
    %dma_start3A_120 = arith.constant 0 : i32
    %dma_start3A_121 = tpu.memref_slice %arg2[%dma_start3A_119, %dma_start3A_120] : memref<10000x128xf32, #tpu.memory_space<hbm>> -> memref<10000x128xf32, #tpu.memory_space<hbm>>
    tpu.enqueue_indirect_dma source(%dma_start3A_121 : memref<10000x128xf32, #tpu.memory_space<hbm>>) target(%dma_start3A_116 : memref<64x128xf32, #tpu.memory_space<vmem>>) offsets(%dma_start3A_118 : memref<64xi32, #tpu.memory_space<vmem>>) semaphore(%arg17 : memref<!tpu.dma_semaphore, #tpu.memory_space<semaphore_mem>>)
    %dma_start3A_122 = arith.constant 64 : i32
    %dma_start3A_123 = arith.constant 0 : i32
    %dma_start3A_124 = tpu.memref_slice %arg11[%dma_start3A_122, %dma_start3A_123] : memref<256x128xf32, #tpu.memory_space<vmem>> -> memref<64x128xf32, #tpu.memory_space<vmem>>
    %dma_start3A_125 = arith.constant 64 : i32
    %dma_start3A_126 = tpu.memref_slice %arg8[%dma_start3A_125] : memref<256xi32, #tpu.memory_space<vmem>> -> memref<64xi32, #tpu.memory_space<vmem>>
    %dma_start3A_127 = arith.constant 0 : i32
    %dma_start3A_128 = arith.constant 0 : i32
    %dma_start3A_129 = tpu.memref_slice %arg2[%dma_start3A_127, %dma_start3A_128] : memref<10000x128xf32, #tpu.memory_space<hbm>> -> memref<10000x128xf32, #tpu.memory_space<hbm>>
    tpu.enqueue_indirect_dma source(%dma_start3A_129 : memref<10000x128xf32, #tpu.memory_space<hbm>>) target(%dma_start3A_124 : memref<64x128xf32, #tpu.memory_space<vmem>>) offsets(%dma_start3A_126 : memref<64xi32, #tpu.memory_space<vmem>>) semaphore(%arg18 : memref<!tpu.dma_semaphore, #tpu.memory_space<semaphore_mem>>)
    %dma_wait3A_130 = arith.constant 128 : i32
    %dma_wait3A_131 = arith.constant 0 : i32
    %dma_wait3A_132 = tpu.memref_slice %arg11[%dma_wait3A_130, %dma_wait3A_131] : memref<256x128xf32, #tpu.memory_space<vmem>> -> memref<64x128xf32, #tpu.memory_space<vmem>>
    %dma_wait3A_133 = arith.constant 128 : i32
    %dma_wait3A_134 = tpu.memref_slice %arg7[%dma_wait3A_133] : memref<256xi32, #tpu.memory_space<vmem>> -> memref<64xi32, #tpu.memory_space<vmem>>
    %dma_wait3A_135 = arith.constant 0 : i32
    %dma_wait3A_136 = arith.constant 0 : i32
    %dma_wait3A_137 = tpu.memref_slice %arg2[%dma_wait3A_135, %dma_wait3A_136] : memref<10000x128xf32, #tpu.memory_space<hbm>> -> memref<10000x128xf32, #tpu.memory_space<hbm>>
    tpu.wait_indirect_dma semaphore(%arg19 : memref<!tpu.dma_semaphore, #tpu.memory_space<semaphore_mem>>) src(%dma_wait3A_137 : memref<10000x128xf32, #tpu.memory_space<hbm>>) dst(%dma_wait3A_132 : memref<64x128xf32, #tpu.memory_space<vmem>>)
    %dma_wait3A_138 = arith.constant 192 : i32
    %dma_wait3A_139 = arith.constant 0 : i32
    %dma_wait3A_140 = tpu.memref_slice %arg11[%dma_wait3A_138, %dma_wait3A_139] : memref<256x128xf32, #tpu.memory_space<vmem>> -> memref<64x128xf32, #tpu.memory_space<vmem>>
    %dma_wait3A_141 = arith.constant 192 : i32
    %dma_wait3A_142 = tpu.memref_slice %arg7[%dma_wait3A_141] : memref<256xi32, #tpu.memory_space<vmem>> -> memref<64xi32, #tpu.memory_space<vmem>>
    %dma_wait3A_143 = arith.constant 0 : i32
    %dma_wait3A_144 = arith.constant 0 : i32
    %dma_wait3A_145 = tpu.memref_slice %arg2[%dma_wait3A_143, %dma_wait3A_144] : memref<10000x128xf32, #tpu.memory_space<hbm>> -> memref<10000x128xf32, #tpu.memory_space<hbm>>
    tpu.wait_indirect_dma semaphore(%arg20 : memref<!tpu.dma_semaphore, #tpu.memory_space<semaphore_mem>>) src(%dma_wait3A_145 : memref<10000x128xf32, #tpu.memory_space<hbm>>) dst(%dma_wait3A_140 : memref<64x128xf32, #tpu.memory_space<vmem>>)
    %run_scoped3A_146 = arith.constant 1 : i32
    "tpu.region"() ({
      %run_scoped3A_202 = tpu.sem_alloc : memref<!tpu.dma_semaphore, #tpu.memory_space<semaphore_mem>>
      %dma_start3A_203 = arith.constant 128 : i32
      %dma_start3A_204 = arith.constant 0 : i32
      %dma_start3A_205 = tpu.memref_slice %arg11[%dma_start3A_203, %dma_start3A_204] : memref<256x128xf32, #tpu.memory_space<vmem>> -> memref<128x128xf32, #tpu.memory_space<vmem>>
      %dma_start3A_206 = arith.constant 0 : i32
      %dma_start3A_207 = tpu.memref_slice %arg9[%run_scoped3A_146, %dma_start3A_206] : memref<2x128xi32, #tpu.memory_space<vmem>> -> memref<1x128xi32, #tpu.memory_space<vmem>>
      %dma_start3A_208 = tpu.memref_squeeze %dma_start3A_207 : memref<1x128xi32, #tpu.memory_space<vmem>> -> memref<128xi32, #tpu.memory_space<vmem>>
      %dma_start3A_209 = arith.constant 0 : i32
      %dma_start3A_210 = arith.constant 0 : i32
      %dma_start3A_211 = tpu.memref_slice %arg12[%dma_start3A_209, %dma_start3A_210] : memref<10240x128xf32, #tpu.memory_space<vmem_shared>> -> memref<10240x128xf32, #tpu.memory_space<vmem_shared>>
      tpu.enqueue_indirect_dma source(%dma_start3A_205 : memref<128x128xf32, #tpu.memory_space<vmem>>) target(%dma_start3A_211 : memref<10240x128xf32, #tpu.memory_space<vmem_shared>>) offsets(%dma_start3A_208 : memref<128xi32, #tpu.memory_space<vmem>>) semaphore(%run_scoped3A_202 : memref<!tpu.dma_semaphore, #tpu.memory_space<semaphore_mem>>) {add = true}
      %dma_wait3A_212 = arith.constant 128 : i32
      %dma_wait3A_213 = arith.constant 0 : i32
      %dma_wait3A_214 = tpu.memref_slice %arg11[%dma_wait3A_212, %dma_wait3A_213] : memref<256x128xf32, #tpu.memory_space<vmem>> -> memref<128x128xf32, #tpu.memory_space<vmem>>
      %dma_wait3A_215 = arith.constant 0 : i32
      %dma_wait3A_216 = tpu.memref_slice %arg9[%run_scoped3A_146, %dma_wait3A_215] : memref<2x128xi32, #tpu.memory_space<vmem>> -> memref<1x128xi32, #tpu.memory_space<vmem>>
      %dma_wait3A_217 = tpu.memref_squeeze %dma_wait3A_216 : memref<1x128xi32, #tpu.memory_space<vmem>> -> memref<128xi32, #tpu.memory_space<vmem>>
      %dma_wait3A_218 = arith.constant 0 : i32
      %dma_wait3A_219 = arith.constant 0 : i32
      %dma_wait3A_220 = tpu.memref_slice %arg12[%dma_wait3A_218, %dma_wait3A_219] : memref<10240x128xf32, #tpu.memory_space<vmem_shared>> -> memref<10240x128xf32, #tpu.memory_space<vmem_shared>>
      tpu.wait_indirect_dma semaphore(%run_scoped3A_202 : memref<!tpu.dma_semaphore, #tpu.memory_space<semaphore_mem>>) src(%dma_wait3A_214 : memref<128x128xf32, #tpu.memory_space<vmem>>) dst(%dma_wait3A_220 : memref<10240x128xf32, #tpu.memory_space<vmem_shared>>)
      tpu.yield
    }) : () -> ()
    %dma_start3A_147 = arith.constant 128 : i32
    %dma_start3A_148 = arith.constant 0 : i32
    %dma_start3A_149 = tpu.memref_slice %arg11[%dma_start3A_147, %dma_start3A_148] : memref<256x128xf32, #tpu.memory_space<vmem>> -> memref<64x128xf32, #tpu.memory_space<vmem>>
    %dma_start3A_150 = arith.constant 128 : i32
    %dma_start3A_151 = tpu.memref_slice %arg8[%dma_start3A_150] : memref<256xi32, #tpu.memory_space<vmem>> -> memref<64xi32, #tpu.memory_space<vmem>>
    %dma_start3A_152 = arith.constant 0 : i32
    %dma_start3A_153 = arith.constant 0 : i32
    %dma_start3A_154 = tpu.memref_slice %arg2[%dma_start3A_152, %dma_start3A_153] : memref<10000x128xf32, #tpu.memory_space<hbm>> -> memref<10000x128xf32, #tpu.memory_space<hbm>>
    tpu.enqueue_indirect_dma source(%dma_start3A_154 : memref<10000x128xf32, #tpu.memory_space<hbm>>) target(%dma_start3A_149 : memref<64x128xf32, #tpu.memory_space<vmem>>) offsets(%dma_start3A_151 : memref<64xi32, #tpu.memory_space<vmem>>) semaphore(%arg19 : memref<!tpu.dma_semaphore, #tpu.memory_space<semaphore_mem>>)
    %dma_start3A_155 = arith.constant 192 : i32
    %dma_start3A_156 = arith.constant 0 : i32
    %dma_start3A_157 = tpu.memref_slice %arg11[%dma_start3A_155, %dma_start3A_156] : memref<256x128xf32, #tpu.memory_space<vmem>> -> memref<64x128xf32, #tpu.memory_space<vmem>>
    %dma_start3A_158 = arith.constant 192 : i32
    %dma_start3A_159 = tpu.memref_slice %arg8[%dma_start3A_158] : memref<256xi32, #tpu.memory_space<vmem>> -> memref<64xi32, #tpu.memory_space<vmem>>
    %dma_start3A_160 = arith.constant 0 : i32
    %dma_start3A_161 = arith.constant 0 : i32
    %dma_start3A_162 = tpu.memref_slice %arg2[%dma_start3A_160, %dma_start3A_161] : memref<10000x128xf32, #tpu.memory_space<hbm>> -> memref<10000x128xf32, #tpu.memory_space<hbm>>
    tpu.enqueue_indirect_dma source(%dma_start3A_162 : memref<10000x128xf32, #tpu.memory_space<hbm>>) target(%dma_start3A_157 : memref<64x128xf32, #tpu.memory_space<vmem>>) offsets(%dma_start3A_159 : memref<64xi32, #tpu.memory_space<vmem>>) semaphore(%arg20 : memref<!tpu.dma_semaphore, #tpu.memory_space<semaphore_mem>>)
    %dma_wait3A_163 = arith.constant 0 : i32
    %dma_wait3A_164 = arith.constant 0 : i32
    %dma_wait3A_165 = tpu.memref_slice %arg11[%dma_wait3A_163, %dma_wait3A_164] : memref<256x128xf32, #tpu.memory_space<vmem>> -> memref<64x128xf32, #tpu.memory_space<vmem>>
    %dma_wait3A_166 = arith.constant 0 : i32
    %dma_wait3A_167 = tpu.memref_slice %arg8[%dma_wait3A_166] : memref<256xi32, #tpu.memory_space<vmem>> -> memref<64xi32, #tpu.memory_space<vmem>>
    %dma_wait3A_168 = arith.constant 0 : i32
    %dma_wait3A_169 = arith.constant 0 : i32
    %dma_wait3A_170 = tpu.memref_slice %arg2[%dma_wait3A_168, %dma_wait3A_169] : memref<10000x128xf32, #tpu.memory_space<hbm>> -> memref<10000x128xf32, #tpu.memory_space<hbm>>
    tpu.wait_indirect_dma semaphore(%arg17 : memref<!tpu.dma_semaphore, #tpu.memory_space<semaphore_mem>>) src(%dma_wait3A_170 : memref<10000x128xf32, #tpu.memory_space<hbm>>) dst(%dma_wait3A_165 : memref<64x128xf32, #tpu.memory_space<vmem>>)
    %dma_wait3A_171 = arith.constant 64 : i32
    %dma_wait3A_172 = arith.constant 0 : i32
    %dma_wait3A_173 = tpu.memref_slice %arg11[%dma_wait3A_171, %dma_wait3A_172] : memref<256x128xf32, #tpu.memory_space<vmem>> -> memref<64x128xf32, #tpu.memory_space<vmem>>
    %dma_wait3A_174 = arith.constant 64 : i32
    %dma_wait3A_175 = tpu.memref_slice %arg8[%dma_wait3A_174] : memref<256xi32, #tpu.memory_space<vmem>> -> memref<64xi32, #tpu.memory_space<vmem>>
    %dma_wait3A_176 = arith.constant 0 : i32
    %dma_wait3A_177 = arith.constant 0 : i32
    %dma_wait3A_178 = tpu.memref_slice %arg2[%dma_wait3A_176, %dma_wait3A_177] : memref<10000x128xf32, #tpu.memory_space<hbm>> -> memref<10000x128xf32, #tpu.memory_space<hbm>>
    tpu.wait_indirect_dma semaphore(%arg18 : memref<!tpu.dma_semaphore, #tpu.memory_space<semaphore_mem>>) src(%dma_wait3A_178 : memref<10000x128xf32, #tpu.memory_space<hbm>>) dst(%dma_wait3A_173 : memref<64x128xf32, #tpu.memory_space<vmem>>)
    %run_scoped3A_179 = arith.constant 0 : i32
    "tpu.region"() ({
      %run_scoped3A_202 = tpu.sem_alloc : memref<!tpu.dma_semaphore, #tpu.memory_space<semaphore_mem>>
      %dma_start3A_203 = arith.constant 0 : i32
      %dma_start3A_204 = arith.constant 0 : i32
      %dma_start3A_205 = tpu.memref_slice %arg11[%dma_start3A_203, %dma_start3A_204] : memref<256x128xf32, #tpu.memory_space<vmem>> -> memref<128x128xf32, #tpu.memory_space<vmem>>
      %dma_start3A_206 = arith.constant 0 : i32
      %dma_start3A_207 = tpu.memref_slice %arg10[%run_scoped3A_179, %dma_start3A_206] : memref<2x128xi32, #tpu.memory_space<vmem>> -> memref<1x128xi32, #tpu.memory_space<vmem>>
      %dma_start3A_208 = tpu.memref_squeeze %dma_start3A_207 : memref<1x128xi32, #tpu.memory_space<vmem>> -> memref<128xi32, #tpu.memory_space<vmem>>
      %dma_start3A_209 = arith.constant 0 : i32
      %dma_start3A_210 = arith.constant 0 : i32
      %dma_start3A_211 = tpu.memref_slice %arg12[%dma_start3A_209, %dma_start3A_210] : memref<10240x128xf32, #tpu.memory_space<vmem_shared>> -> memref<10240x128xf32, #tpu.memory_space<vmem_shared>>
      tpu.enqueue_indirect_dma source(%dma_start3A_205 : memref<128x128xf32, #tpu.memory_space<vmem>>) target(%dma_start3A_211 : memref<10240x128xf32, #tpu.memory_space<vmem_shared>>) offsets(%dma_start3A_208 : memref<128xi32, #tpu.memory_space<vmem>>) semaphore(%run_scoped3A_202 : memref<!tpu.dma_semaphore, #tpu.memory_space<semaphore_mem>>) {add = true}
      %dma_wait3A_212 = arith.constant 0 : i32
      %dma_wait3A_213 = arith.constant 0 : i32
      %dma_wait3A_214 = tpu.memref_slice %arg11[%dma_wait3A_212, %dma_wait3A_213] : memref<256x128xf32, #tpu.memory_space<vmem>> -> memref<128x128xf32, #tpu.memory_space<vmem>>
      %dma_wait3A_215 = arith.constant 0 : i32
      %dma_wait3A_216 = tpu.memref_slice %arg10[%run_scoped3A_179, %dma_wait3A_215] : memref<2x128xi32, #tpu.memory_space<vmem>> -> memref<1x128xi32, #tpu.memory_space<vmem>>
      %dma_wait3A_217 = tpu.memref_squeeze %dma_wait3A_216 : memref<1x128xi32, #tpu.memory_space<vmem>> -> memref<128xi32, #tpu.memory_space<vmem>>
      %dma_wait3A_218 = arith.constant 0 : i32
      %dma_wait3A_219 = arith.constant 0 : i32
      %dma_wait3A_220 = tpu.memref_slice %arg12[%dma_wait3A_218, %dma_wait3A_219] : memref<10240x128xf32, #tpu.memory_space<vmem_shared>> -> memref<10240x128xf32, #tpu.memory_space<vmem_shared>>
      tpu.wait_indirect_dma semaphore(%run_scoped3A_202 : memref<!tpu.dma_semaphore, #tpu.memory_space<semaphore_mem>>) src(%dma_wait3A_214 : memref<128x128xf32, #tpu.memory_space<vmem>>) dst(%dma_wait3A_220 : memref<10240x128xf32, #tpu.memory_space<vmem_shared>>)
      tpu.yield
    }) : () -> ()
    %dma_wait3A_180 = arith.constant 128 : i32
    %dma_wait3A_181 = arith.constant 0 : i32
    %dma_wait3A_182 = tpu.memref_slice %arg11[%dma_wait3A_180, %dma_wait3A_181] : memref<256x128xf32, #tpu.memory_space<vmem>> -> memref<64x128xf32, #tpu.memory_space<vmem>>
    %dma_wait3A_183 = arith.constant 128 : i32
    %dma_wait3A_184 = tpu.memref_slice %arg8[%dma_wait3A_183] : memref<256xi32, #tpu.memory_space<vmem>> -> memref<64xi32, #tpu.memory_space<vmem>>
    %dma_wait3A_185 = arith.constant 0 : i32
    %dma_wait3A_186 = arith.constant 0 : i32
    %dma_wait3A_187 = tpu.memref_slice %arg2[%dma_wait3A_185, %dma_wait3A_186] : memref<10000x128xf32, #tpu.memory_space<hbm>> -> memref<10000x128xf32, #tpu.memory_space<hbm>>
    tpu.wait_indirect_dma semaphore(%arg19 : memref<!tpu.dma_semaphore, #tpu.memory_space<semaphore_mem>>) src(%dma_wait3A_187 : memref<10000x128xf32, #tpu.memory_space<hbm>>) dst(%dma_wait3A_182 : memref<64x128xf32, #tpu.memory_space<vmem>>)
    %dma_wait3A_188 = arith.constant 192 : i32
    %dma_wait3A_189 = arith.constant 0 : i32
    %dma_wait3A_190 = tpu.memref_slice %arg11[%dma_wait3A_188, %dma_wait3A_189] : memref<256x128xf32, #tpu.memory_space<vmem>> -> memref<64x128xf32, #tpu.memory_space<vmem>>
    %dma_wait3A_191 = arith.constant 192 : i32
    %dma_wait3A_192 = tpu.memref_slice %arg8[%dma_wait3A_191] : memref<256xi32, #tpu.memory_space<vmem>> -> memref<64xi32, #tpu.memory_space<vmem>>
    %dma_wait3A_193 = arith.constant 0 : i32
    %dma_wait3A_194 = arith.constant 0 : i32
    %dma_wait3A_195 = tpu.memref_slice %arg2[%dma_wait3A_193, %dma_wait3A_194] : memref<10000x128xf32, #tpu.memory_space<hbm>> -> memref<10000x128xf32, #tpu.memory_space<hbm>>
    tpu.wait_indirect_dma semaphore(%arg20 : memref<!tpu.dma_semaphore, #tpu.memory_space<semaphore_mem>>) src(%dma_wait3A_195 : memref<10000x128xf32, #tpu.memory_space<hbm>>) dst(%dma_wait3A_190 : memref<64x128xf32, #tpu.memory_space<vmem>>)
    %run_scoped3A_196 = arith.constant 1 : i32
    "tpu.region"() ({
      %run_scoped3A_202 = tpu.sem_alloc : memref<!tpu.dma_semaphore, #tpu.memory_space<semaphore_mem>>
      %dma_start3A_203 = arith.constant 128 : i32
      %dma_start3A_204 = arith.constant 0 : i32
      %dma_start3A_205 = tpu.memref_slice %arg11[%dma_start3A_203, %dma_start3A_204] : memref<256x128xf32, #tpu.memory_space<vmem>> -> memref<128x128xf32, #tpu.memory_space<vmem>>
      %dma_start3A_206 = arith.constant 0 : i32
      %dma_start3A_207 = tpu.memref_slice %arg10[%run_scoped3A_196, %dma_start3A_206] : memref<2x128xi32, #tpu.memory_space<vmem>> -> memref<1x128xi32, #tpu.memory_space<vmem>>
      %dma_start3A_208 = tpu.memref_squeeze %dma_start3A_207 : memref<1x128xi32, #tpu.memory_space<vmem>> -> memref<128xi32, #tpu.memory_space<vmem>>
      %dma_start3A_209 = arith.constant 0 : i32
      %dma_start3A_210 = arith.constant 0 : i32
      %dma_start3A_211 = tpu.memref_slice %arg12[%dma_start3A_209, %dma_start3A_210] : memref<10240x128xf32, #tpu.memory_space<vmem_shared>> -> memref<10240x128xf32, #tpu.memory_space<vmem_shared>>
      tpu.enqueue_indirect_dma source(%dma_start3A_205 : memref<128x128xf32, #tpu.memory_space<vmem>>) target(%dma_start3A_211 : memref<10240x128xf32, #tpu.memory_space<vmem_shared>>) offsets(%dma_start3A_208 : memref<128xi32, #tpu.memory_space<vmem>>) semaphore(%run_scoped3A_202 : memref<!tpu.dma_semaphore, #tpu.memory_space<semaphore_mem>>) {add = true}
      %dma_wait3A_212 = arith.constant 128 : i32
      %dma_wait3A_213 = arith.constant 0 : i32
      %dma_wait3A_214 = tpu.memref_slice %arg11[%dma_wait3A_212, %dma_wait3A_213] : memref<256x128xf32, #tpu.memory_space<vmem>> -> memref<128x128xf32, #tpu.memory_space<vmem>>
      %dma_wait3A_215 = arith.constant 0 : i32
      %dma_wait3A_216 = tpu.memref_slice %arg10[%run_scoped3A_196, %dma_wait3A_215] : memref<2x128xi32, #tpu.memory_space<vmem>> -> memref<1x128xi32, #tpu.memory_space<vmem>>
      %dma_wait3A_217 = tpu.memref_squeeze %dma_wait3A_216 : memref<1x128xi32, #tpu.memory_space<vmem>> -> memref<128xi32, #tpu.memory_space<vmem>>
      %dma_wait3A_218 = arith.constant 0 : i32
      %dma_wait3A_219 = arith.constant 0 : i32
      %dma_wait3A_220 = tpu.memref_slice %arg12[%dma_wait3A_218, %dma_wait3A_219] : memref<10240x128xf32, #tpu.memory_space<vmem_shared>> -> memref<10240x128xf32, #tpu.memory_space<vmem_shared>>
      tpu.wait_indirect_dma semaphore(%run_scoped3A_202 : memref<!tpu.dma_semaphore, #tpu.memory_space<semaphore_mem>>) src(%dma_wait3A_214 : memref<128x128xf32, #tpu.memory_space<vmem>>) dst(%dma_wait3A_220 : memref<10240x128xf32, #tpu.memory_space<vmem_shared>>)
      tpu.yield
    }) : () -> ()
    %barrier3A_197 = arith.constant 0 : index
    tpu.barrier barrier_id(%barrier3A_197)
    %mul3A_198 = arith.constant 640 : i32
    %mul3A_199 = arith.muli %arg1, %mul3A_198 : i32
    %mul3A_200 = arith.constant 640 : i32
    %mul3A_201 = arith.muli %arg1, %mul3A_200 : i32
    "tpu.region"() ({
      %run_scoped3A_202 = tpu.sem_alloc : memref<!tpu.dma_semaphore, #tpu.memory_space<semaphore_mem>>
      %dma_start3A_203 = arith.constant 0 : i32
      %dma_start3A_204 = arith.constant 0 : i32
      %dma_start3A_205 = tpu.memref_slice %arg6[%arg0, %dma_start3A_203, %dma_start3A_204] : memref<2x10240x128xf32, #tpu.memory_space<hbm>> -> memref<1x10240x128xf32, #tpu.memory_space<hbm>>
      %dma_start3A_206 = tpu.memref_squeeze %dma_start3A_205 : memref<1x10240x128xf32, #tpu.memory_space<hbm>> -> memref<10240x128xf32, #tpu.memory_space<hbm>>
      %dma_start3A_207 = arith.constant 0 : i32
      %dma_start3A_208 = tpu.memref_slice %dma_start3A_206[%mul3A_201, %dma_start3A_207] : memref<10240x128xf32, #tpu.memory_space<hbm>> -> memref<640x128xf32, #tpu.memory_space<hbm>>
      %dma_start3A_209 = arith.constant 0 : i32
      %dma_start3A_210 = tpu.memref_slice %arg12[%mul3A_199, %dma_start3A_209] : memref<10240x128xf32, #tpu.memory_space<vmem_shared>> -> memref<640x128xf32, #tpu.memory_space<vmem_shared>>
      tpu.enqueue_dma source(%dma_start3A_210 : memref<640x128xf32, #tpu.memory_space<vmem_shared>>) target(%dma_start3A_208 : memref<640x128xf32, #tpu.memory_space<hbm>>) target_semaphore(%run_scoped3A_202 : memref<!tpu.dma_semaphore, #tpu.memory_space<semaphore_mem>>)
      %dma_wait3A_211 = arith.constant 0 : i32
      %dma_wait3A_212 = arith.constant 0 : i32
      %dma_wait3A_213 = tpu.memref_slice %arg6[%arg0, %dma_wait3A_211, %dma_wait3A_212] : memref<2x10240x128xf32, #tpu.memory_space<hbm>> -> memref<1x10240x128xf32, #tpu.memory_space<hbm>>
      %dma_wait3A_214 = tpu.memref_squeeze %dma_wait3A_213 : memref<1x10240x128xf32, #tpu.memory_space<hbm>> -> memref<10240x128xf32, #tpu.memory_space<hbm>>
      %dma_wait3A_215 = arith.constant 0 : i32
      %dma_wait3A_216 = tpu.memref_slice %dma_wait3A_214[%mul3A_201, %dma_wait3A_215] : memref<10240x128xf32, #tpu.memory_space<hbm>> -> memref<640x128xf32, #tpu.memory_space<hbm>>
      %dma_wait3A_217 = arith.constant 0 : i32
      %dma_wait3A_218 = tpu.memref_slice %arg12[%mul3A_199, %dma_wait3A_217] : memref<10240x128xf32, #tpu.memory_space<vmem_shared>> -> memref<640x128xf32, #tpu.memory_space<vmem_shared>>
      tpu.wait_dma2 semaphore(%run_scoped3A_202 : memref<!tpu.dma_semaphore, #tpu.memory_space<semaphore_mem>>) src(%dma_wait3A_218 : memref<640x128xf32, #tpu.memory_space<vmem_shared>>) dst(%dma_wait3A_216 : memref<640x128xf32, #tpu.memory_space<hbm>>)
      tpu.yield
    }) : () -> ()
    return
  }
}

module attributes {stable_mosaic.version = 14 : i64} {
  func.func @body(%arg0: i32, %arg1: memref<2000x2xf32, #tpu.memory_space<vmem>>, %arg2: memref<2000x128xf32, #tpu.memory_space<vmem>>, %arg3: memref<128xf32, #tpu.memory_space<vmem>>, %arg4: memref<128xf32, #tpu.memory_space<vmem>>, %arg5: memref<128x128xf32, #tpu.memory_space<vmem>>, %arg6: memref<128xf32, #tpu.memory_space<vmem>>, %arg7: memref<2000x128xf32, #tpu.memory_space<vmem>>, %arg8: memref<2000x128xf32, #tpu.memory_space<vmem>>, %arg9: memref<2000x1xf32, #tpu.memory_space<vmem>>) attributes {dimension_semantics = [#tpu.dimension_semantics<arbitrary>], iteration_bounds = array<i64: 5>, scalar_prefetch = 0 : i64, scratch_operands = 0 : i64, tpu.core_type = #tpu.core_type<tc>, window_params = [{transform_indices = @transform_0, window_bounds = array<i64: 2000, 2>}, {transform_indices = @transform_1, window_bounds = array<i64: 2000, 128>}, {pipeline_mode = #tpu.pipeline_mode<synchronous>, transform_indices = @transform_2, window_bounds = array<i64: 128>}, {pipeline_mode = #tpu.pipeline_mode<synchronous>, transform_indices = @transform_3, window_bounds = array<i64: 128>}, {pipeline_mode = #tpu.pipeline_mode<synchronous>, transform_indices = @transform_4, window_bounds = array<i64: 128, 128>}, {pipeline_mode = #tpu.pipeline_mode<synchronous>, transform_indices = @transform_5, window_bounds = array<i64: 128>}, {transform_indices = @transform_6, window_bounds = array<i64: 2000, 128>}, {transform_indices = @transform_7, window_bounds = array<i64: 2000, 128>}, {transform_indices = @transform_8, window_bounds = array<i64: 2000, 1>}]} {
    %get3A = arith.constant 0 : index
    %get3A_0 = arith.constant 0 : index
    %get3A_1 = vector.load %arg1[%get3A, %get3A_0] : memref<2000x2xf32, #tpu.memory_space<vmem>>, vector<2000x2xf32>
    %slice3A = vector.extract_strided_slice %get3A_1 {offsets = [0, 0], sizes = [2000, 1], strides = [1, 1]} : vector<2000x2xf32> to vector<2000x1xf32>
    %slice3A_2 = vector.extract_strided_slice %get3A_1 {offsets = [0, 1], sizes = [2000, 1], strides = [1, 1]} : vector<2000x2xf32> to vector<2000x1xf32>
    %add3A = arith.addf %slice3A, %slice3A_2 : vector<2000x1xf32>
    %add3A_3 = arith.constant 1.000000e+00 : f32
    %add3A_4 = vector.broadcast %add3A_3 : f32 to vector<2000x1xf32>
    %add3A_5 = arith.addf %add3A, %add3A_4 : vector<2000x1xf32>
    %rsqrt3A = math.rsqrt %add3A_5 : vector<2000x1xf32>
    %get3A_6 = arith.constant 0 : index
    %get3A_7 = arith.constant 0 : index
    %get3A_8 = vector.load %arg2[%get3A_6, %get3A_7] : memref<2000x128xf32, #tpu.memory_space<vmem>>, vector<2000x128xf32>
    %get3A_9 = arith.constant 0 : index
    %get3A_10 = vector.load %arg3[%get3A_9] : memref<128xf32, #tpu.memory_space<vmem>>, vector<128xf32>
    %get3A_11 = arith.constant 0 : index
    %get3A_12 = vector.load %arg4[%get3A_11] : memref<128xf32, #tpu.memory_space<vmem>>, vector<128xf32>
    %reduce_sum3A = arith.constant dense<0.000000e+00> : vector<2000xf32>
    %reduce_sum3A_13 = vector.multi_reduction <add>, %get3A_8, %reduce_sum3A [1] : vector<2000x128xf32> to vector<2000xf32>
    %broadcast_in_dim3A = vector.shape_cast %reduce_sum3A_13 : vector<2000xf32> to vector<2000x1xf32>
    %div3A = arith.constant 1.280000e+02 : f32
    %div3A_14 = vector.broadcast %div3A : f32 to vector<2000x1xf32>
    %div3A_15 = arith.divf %broadcast_in_dim3A, %div3A_14 : vector<2000x1xf32>
    %sub3A = vector.broadcast %div3A_15 : vector<2000x1xf32> to vector<2000x128xf32>
    %sub3A_16 = arith.subf %get3A_8, %sub3A : vector<2000x128xf32>
    %mul3A = arith.mulf %sub3A_16, %sub3A_16 : vector<2000x128xf32>
    %reduce_sum3A_17 = arith.constant dense<0.000000e+00> : vector<2000xf32>
    %reduce_sum3A_18 = vector.multi_reduction <add>, %mul3A, %reduce_sum3A_17 [1] : vector<2000x128xf32> to vector<2000xf32>
    %broadcast_in_dim3A_19 = vector.shape_cast %reduce_sum3A_18 : vector<2000xf32> to vector<2000x1xf32>
    %div3A_20 = arith.constant 1.280000e+02 : f32
    %div3A_21 = vector.broadcast %div3A_20 : f32 to vector<2000x1xf32>
    %div3A_22 = arith.divf %broadcast_in_dim3A_19, %div3A_21 : vector<2000x1xf32>
    %add3A_23 = arith.constant 9.99999974E-6 : f32
    %add3A_24 = vector.broadcast %add3A_23 : f32 to vector<2000x1xf32>
    %add3A_25 = arith.addf %div3A_22, %add3A_24 : vector<2000x1xf32>
    %rsqrt3A_26 = math.rsqrt %add3A_25 : vector<2000x1xf32>
    %mul3A_27 = vector.broadcast %rsqrt3A_26 : vector<2000x1xf32> to vector<2000x128xf32>
    %mul3A_28 = arith.mulf %sub3A_16, %mul3A_27 : vector<2000x128xf32>
    %broadcast_in_dim3A_29 = vector.shape_cast %get3A_10 : vector<128xf32> to vector<1x128xf32>
    %mul3A_30 = vector.broadcast %broadcast_in_dim3A_29 : vector<1x128xf32> to vector<2000x128xf32>
    %mul3A_31 = arith.mulf %mul3A_28, %mul3A_30 : vector<2000x128xf32>
    %broadcast_in_dim3A_32 = vector.shape_cast %get3A_12 : vector<128xf32> to vector<1x128xf32>
    %add3A_33 = vector.broadcast %broadcast_in_dim3A_32 : vector<1x128xf32> to vector<2000x128xf32>
    %add3A_34 = arith.addf %mul3A_31, %add3A_33 : vector<2000x128xf32>
    %get3A_35 = arith.constant 0 : index
    %get3A_36 = arith.constant 0 : index
    %get3A_37 = vector.load %arg5[%get3A_35, %get3A_36] : memref<128x128xf32, #tpu.memory_space<vmem>>, vector<128x128xf32>
    %dot_general3A = arith.constant dense<0.000000e+00> : vector<2000x128xf32>
    %dot_general3A_38 = tpu.matmul %add3A_34, %get3A_37, %dot_general3A {dimension_numbers = #tpu.dot_dimension_numbers<[1], [0], [0], [1], [0, 0, 1, 1], [], []>, transpose_lhs_hint = false} : vector<2000x128xf32>, vector<128x128xf32>, vector<2000x128xf32> -> vector<2000x128xf32>
    %mul3A_39 = vector.broadcast %rsqrt3A : vector<2000x1xf32> to vector<2000x128xf32>
    %mul3A_40 = arith.mulf %dot_general3A_38, %mul3A_39 : vector<2000x128xf32>
    %swap3A = arith.constant 0 : index
    %swap3A_41 = arith.constant 0 : index
    %swap3A_42 = vector.load %arg7[%swap3A, %swap3A_41] : memref<2000x128xf32, #tpu.memory_space<vmem>>, vector<2000x128xf32>
    tpu.vector_store %arg7[%swap3A, %swap3A_41], %mul3A_40 {strides = array<i32>} : memref<2000x128xf32, #tpu.memory_space<vmem>>, vector<2000x128xf32>,
    %mul3A_43 = arith.mulf %rsqrt3A, %rsqrt3A : vector<2000x1xf32>
    %mul3A_44 = vector.broadcast %mul3A_43 : vector<2000x1xf32> to vector<2000x128xf32>
    %mul3A_45 = arith.mulf %dot_general3A_38, %mul3A_44 : vector<2000x128xf32>
    %get3A_46 = arith.constant 0 : index
    %get3A_47 = vector.load %arg6[%get3A_46] : memref<128xf32, #tpu.memory_space<vmem>>, vector<128xf32>
    %broadcast_in_dim3A_48 = vector.shape_cast %get3A_47 : vector<128xf32> to vector<1x128xf32>
    %add3A_49 = vector.broadcast %broadcast_in_dim3A_48 : vector<1x128xf32> to vector<2000x128xf32>
    %add3A_50 = arith.addf %mul3A_45, %add3A_49 : vector<2000x128xf32>
    %swap3A_51 = arith.constant 0 : index
    %swap3A_52 = arith.constant 0 : index
    %swap3A_53 = vector.load %arg8[%swap3A_51, %swap3A_52] : memref<2000x128xf32, #tpu.memory_space<vmem>>, vector<2000x128xf32>
    tpu.vector_store %arg8[%swap3A_51, %swap3A_52], %add3A_50 {strides = array<i32>} : memref<2000x128xf32, #tpu.memory_space<vmem>>, vector<2000x128xf32>,
    %swap3A_54 = arith.constant 0 : index
    %swap3A_55 = arith.constant 0 : index
    %swap3A_56 = vector.load %arg9[%swap3A_54, %swap3A_55] : memref<2000x1xf32, #tpu.memory_space<vmem>>, vector<2000x1xf32>
    tpu.vector_store %arg9[%swap3A_54, %swap3A_55], %rsqrt3A {strides = array<i32>} : memref<2000x1xf32, #tpu.memory_space<vmem>>, vector<2000x1xf32>,
    return
  }
  func.func @transform_0(%arg0: i32) -> (i32, i32) {
    %c0_i32 = arith.constant 0 : i32
    %c0_i32_0 = arith.constant 0 : i32
    return %arg0, %c0_i32 : i32, i32
  }
  func.func @transform_1(%arg0: i32) -> (i32, i32) {
    %c0_i32 = arith.constant 0 : i32
    %c0_i32_0 = arith.constant 0 : i32
    return %arg0, %c0_i32 : i32, i32
  }
  func.func @transform_2(%arg0: i32) -> i32 {
    %c0_i32 = arith.constant 0 : i32
    %c0_i32_0 = arith.constant 0 : i32
    return %c0_i32 : i32
  }
  func.func @transform_3(%arg0: i32) -> i32 {
    %c0_i32 = arith.constant 0 : i32
    %c0_i32_0 = arith.constant 0 : i32
    return %c0_i32 : i32
  }
  func.func @transform_4(%arg0: i32) -> (i32, i32) {
    %c0_i32 = arith.constant 0 : i32
    %c0_i32_0 = arith.constant 0 : i32
    %c0_i32_1 = arith.constant 0 : i32
    return %c0_i32, %c0_i32_0 : i32, i32
  }
  func.func @transform_5(%arg0: i32) -> i32 {
    %c0_i32 = arith.constant 0 : i32
    %c0_i32_0 = arith.constant 0 : i32
    return %c0_i32 : i32
  }
  func.func @transform_6(%arg0: i32) -> (i32, i32) {
    %c0_i32 = arith.constant 0 : i32
    %c0_i32_0 = arith.constant 0 : i32
    return %arg0, %c0_i32 : i32, i32
  }
  func.func @transform_7(%arg0: i32) -> (i32, i32) {
    %c0_i32 = arith.constant 0 : i32
    %c0_i32_0 = arith.constant 0 : i32
    return %arg0, %c0_i32 : i32, i32
  }
  func.func @transform_8(%arg0: i32) -> (i32, i32) {
    %c0_i32 = arith.constant 0 : i32
    %c0_i32_0 = arith.constant 0 : i32
    return %arg0, %c0_i32 : i32, i32
  }
}

module attributes {stable_mosaic.version = 14 : i64} {
  func.func @body(%arg0: memref<2x320000xi32, #tpu.memory_space<vmem>>, %arg1: memref<1280x256xi32, #tpu.memory_space<vmem>>, %arg2: memref<2560x128xi32, #tpu.memory_space<vmem>>) attributes {dimension_semantics = [], scalar_prefetch = 0 : i64, scratch_operands = 0 : i64, tpu.core_type = #tpu.core_type<tc>} {
    %get3A = arith.constant 0 : index
    %get3A_0 = arith.constant 0 : index
    %get3A_1 = vector.load %arg0[%get3A, %get3A_0] : memref<2x320000xi32, #tpu.memory_space<vmem>>, vector<2x320000xi32>
    %slice3A = vector.extract_strided_slice %get3A_1 {offsets = [0, 0], sizes = [1, 320000], strides = [1, 1]} : vector<2x320000xi32> to vector<1x320000xi32>
    %reshape3A = vector.shape_cast %slice3A : vector<1x320000xi32> to vector<1250x256xi32>
    %iota3A = tpu.iota {dimensions = array<i32: 0>} : vector<30x256xi32>
    %iota3A_2 = tpu.iota {dimensions = array<i32: 1>} : vector<30x256xi32>
    %mul3A = arith.constant 256 : i32
    %mul3A_3 = vector.broadcast %mul3A : i32 to vector<30x256xi32>
    %mul3A_4 = arith.muli %iota3A, %mul3A_3 : vector<30x256xi32>
    %add3A = arith.addi %mul3A_4, %iota3A_2 : vector<30x256xi32>
    %jit3A = arith.constant 10000 : i32
    %eq3A = arith.constant 0 : i32
    %eq3A_5 = arith.cmpi eq, %jit3A, %eq3A : i32
    %jit3A_6 = arith.constant 1 : i32
    %select_n3A = arith.select %eq3A_5, %jit3A_6, %jit3A : i32
    %rem3A = vector.broadcast %select_n3A : i32 to vector<30x256xi32>
    %rem3A_7 = arith.remsi %add3A, %rem3A : vector<30x256xi32>
    %ne3A = arith.constant 0 : i32
    %ne3A_8 = vector.broadcast %ne3A : i32 to vector<30x256xi32>
    %ne3A_9 = arith.cmpi ne, %rem3A_7, %ne3A_8 : vector<30x256xi32>
    %lt3A = arith.constant 0 : i32
    %lt3A_10 = vector.broadcast %lt3A : i32 to vector<30x256xi32>
    %lt3A_11 = arith.cmpi slt, %rem3A_7, %lt3A_10 : vector<30x256xi32>
    %lt3A_12 = arith.constant 0 : i32
    %lt3A_13 = arith.cmpi slt, %select_n3A, %lt3A_12 : i32
    %ne3A_14 = vector.broadcast %lt3A_13 : i1 to vector<30x256xi1>
    %ne3A_15 = vector.broadcast %ne3A_14 : vector<30x256xi1> to vector<30x256xi1>
    %ne3A_16 = arith.xori %lt3A_11, %ne3A_15 : vector<30x256xi1>
    %and3A = arith.andi %ne3A_16, %ne3A_9 : vector<30x256xi1>
    %add3A_17 = vector.broadcast %select_n3A : i32 to vector<30x256xi32>
    %add3A_18 = arith.addi %rem3A_7, %add3A_17 : vector<30x256xi32>
    %select_n3A_19 = arith.select %and3A, %add3A_18, %rem3A_7 : vector<30x256xi1>, vector<30x256xi32>
    %concatenate3A = tpu.concatenate %reshape3A, %select_n3A_19 in 0 : vector<1250x256xi32>, vector<30x256xi32> -> vector<1280x256xi32>
    %swap3A = arith.constant 0 : index
    %swap3A_20 = arith.constant 0 : index
    %swap3A_21 = vector.load %arg1[%swap3A, %swap3A_20] : memref<1280x256xi32, #tpu.memory_space<vmem>>, vector<1280x256xi32>
    tpu.vector_store %arg1[%swap3A, %swap3A_20], %concatenate3A {strides = array<i32>} : memref<1280x256xi32, #tpu.memory_space<vmem>>, vector<1280x256xi32>,
    %slice3A_22 = vector.extract_strided_slice %get3A_1 {offsets = [1, 0], sizes = [1, 320000], strides = [1, 1]} : vector<2x320000xi32> to vector<1x320000xi32>
    %reshape3A_23 = vector.shape_cast %slice3A_22 : vector<1x320000xi32> to vector<2500x128xi32>
    %iota3A_24 = tpu.iota {dimensions = array<i32: 0>} : vector<60x128xi32>
    %iota3A_25 = tpu.iota {dimensions = array<i32: 1>} : vector<60x128xi32>
    %mul3A_26 = arith.constant 128 : i32
    %mul3A_27 = vector.broadcast %mul3A_26 : i32 to vector<60x128xi32>
    %mul3A_28 = arith.muli %iota3A_24, %mul3A_27 : vector<60x128xi32>
    %add3A_29 = arith.addi %mul3A_28, %iota3A_25 : vector<60x128xi32>
    %jit3A_30 = arith.constant 240 : i32
    %eq3A_31 = arith.constant 0 : i32
    %eq3A_32 = arith.cmpi eq, %jit3A_30, %eq3A_31 : i32
    %jit3A_33 = arith.constant 1 : i32
    %select_n3A_34 = arith.select %eq3A_32, %jit3A_33, %jit3A_30 : i32
    %rem3A_35 = vector.broadcast %select_n3A_34 : i32 to vector<60x128xi32>
    %rem3A_36 = arith.remsi %add3A_29, %rem3A_35 : vector<60x128xi32>
    %ne3A_37 = arith.constant 0 : i32
    %ne3A_38 = vector.broadcast %ne3A_37 : i32 to vector<60x128xi32>
    %ne3A_39 = arith.cmpi ne, %rem3A_36, %ne3A_38 : vector<60x128xi32>
    %lt3A_40 = arith.constant 0 : i32
    %lt3A_41 = vector.broadcast %lt3A_40 : i32 to vector<60x128xi32>
    %lt3A_42 = arith.cmpi slt, %rem3A_36, %lt3A_41 : vector<60x128xi32>
    %lt3A_43 = arith.constant 0 : i32
    %lt3A_44 = arith.cmpi slt, %select_n3A_34, %lt3A_43 : i32
    %ne3A_45 = vector.broadcast %lt3A_44 : i1 to vector<60x128xi1>
    %ne3A_46 = vector.broadcast %ne3A_45 : vector<60x128xi1> to vector<60x128xi1>
    %ne3A_47 = arith.xori %lt3A_42, %ne3A_46 : vector<60x128xi1>
    %and3A_48 = arith.andi %ne3A_47, %ne3A_39 : vector<60x128xi1>
    %add3A_49 = vector.broadcast %select_n3A_34 : i32 to vector<60x128xi32>
    %add3A_50 = arith.addi %rem3A_36, %add3A_49 : vector<60x128xi32>
    %select_n3A_51 = arith.select %and3A_48, %add3A_50, %rem3A_36 : vector<60x128xi1>, vector<60x128xi32>
    %add3A_52 = arith.constant 10000 : i32
    %add3A_53 = vector.broadcast %add3A_52 : i32 to vector<60x128xi32>
    %add3A_54 = arith.addi %add3A_53, %select_n3A_51 : vector<60x128xi32>
    %concatenate3A_55 = tpu.concatenate %reshape3A_23, %add3A_54 in 0 : vector<2500x128xi32>, vector<60x128xi32> -> vector<2560x128xi32>
    %swap3A_56 = arith.constant 0 : index
    %swap3A_57 = arith.constant 0 : index
    %swap3A_58 = vector.load %arg2[%swap3A_56, %swap3A_57] : memref<2560x128xi32, #tpu.memory_space<vmem>>, vector<2560x128xi32>
    tpu.vector_store %arg2[%swap3A_56, %swap3A_57], %concatenate3A_55 {strides = array<i32>} : memref<2560x128xi32, #tpu.memory_space<vmem>>, vector<2560x128xi32>,
    return
  }
}

module attributes {stable_mosaic.version = 14 : i64} {
  func.func @body(%arg0: i32, %arg1: memref<2x2000x128xf32, #tpu.memory_space<vmem>>, %arg2: memref<2000x128xf32, #tpu.memory_space<vmem>>, %arg3: memref<2000x1xf32, #tpu.memory_space<vmem>>, %arg4: memref<128xf32, #tpu.memory_space<vmem>>, %arg5: memref<128xf32, #tpu.memory_space<vmem>>, %arg6: memref<128x128xf32, #tpu.memory_space<vmem>>, %arg7: memref<128xf32, #tpu.memory_space<vmem>>, %arg8: memref<2000x128xf32, #tpu.memory_space<vmem>>, %arg9: memref<2000x128xf32, #tpu.memory_space<vmem>>) attributes {dimension_semantics = [#tpu.dimension_semantics<arbitrary>], iteration_bounds = array<i64: 5>, scalar_prefetch = 0 : i64, scratch_operands = 0 : i64, tpu.core_type = #tpu.core_type<tc>, window_params = [{transform_indices = @transform_0, window_bounds = array<i64: 2, 2000, 128>}, {transform_indices = @transform_1, window_bounds = array<i64: 2000, 128>}, {transform_indices = @transform_2, window_bounds = array<i64: 2000, 1>}, {pipeline_mode = #tpu.pipeline_mode<synchronous>, transform_indices = @transform_3, window_bounds = array<i64: 128>}, {pipeline_mode = #tpu.pipeline_mode<synchronous>, transform_indices = @transform_4, window_bounds = array<i64: 128>}, {pipeline_mode = #tpu.pipeline_mode<synchronous>, transform_indices = @transform_5, window_bounds = array<i64: 128, 128>}, {pipeline_mode = #tpu.pipeline_mode<synchronous>, transform_indices = @transform_6, window_bounds = array<i64: 128>}, {transform_indices = @transform_7, window_bounds = array<i64: 2000, 128>}, {transform_indices = @transform_8, window_bounds = array<i64: 2000, 128>}]} {
    %get3A = arith.constant 0 : index
    %get3A_0 = arith.constant 0 : index
    %get3A_1 = vector.load %arg3[%get3A, %get3A_0] : memref<2000x1xf32, #tpu.memory_space<vmem>>, vector<2000x1xf32>
    %get3A_2 = arith.constant 0 : index
    %get3A_3 = arith.constant 0 : index
    %get3A_4 = arith.constant 0 : index
    %get3A_5 = vector.load %arg1[%get3A_2, %get3A_3, %get3A_4] : memref<2x2000x128xf32, #tpu.memory_space<vmem>>, vector<2x2000x128xf32>
    %slice3A = vector.extract_strided_slice %get3A_5 {offsets = [0, 0, 0], sizes = [1, 2000, 128], strides = [1, 1, 1]} : vector<2x2000x128xf32> to vector<1x2000x128xf32>
    %squeeze3A = vector.shape_cast %slice3A : vector<1x2000x128xf32> to vector<2000x128xf32>
    %slice3A_6 = vector.extract_strided_slice %get3A_5 {offsets = [1, 0, 0], sizes = [1, 2000, 128], strides = [1, 1, 1]} : vector<2x2000x128xf32> to vector<1x2000x128xf32>
    %squeeze3A_7 = vector.shape_cast %slice3A_6 : vector<1x2000x128xf32> to vector<2000x128xf32>
    %add3A = arith.addf %squeeze3A, %squeeze3A_7 : vector<2000x128xf32>
    %mul3A = vector.broadcast %get3A_1 : vector<2000x1xf32> to vector<2000x128xf32>
    %mul3A_8 = arith.mulf %add3A, %mul3A : vector<2000x128xf32>
    %get3A_9 = arith.constant 0 : index
    %get3A_10 = arith.constant 0 : index
    %get3A_11 = vector.load %arg2[%get3A_9, %get3A_10] : memref<2000x128xf32, #tpu.memory_space<vmem>>, vector<2000x128xf32>
    %add3A_12 = arith.addf %mul3A_8, %get3A_11 : vector<2000x128xf32>
    %mul3A_13 = arith.constant 5.000000e-01 : f32
    %mul3A_14 = vector.broadcast %mul3A_13 : f32 to vector<2000x128xf32>
    %mul3A_15 = arith.mulf %mul3A_14, %add3A_12 : vector<2000x128xf32>
    %mul3A_16 = arith.constant 0.707106769 : f32
    %mul3A_17 = vector.broadcast %mul3A_16 : f32 to vector<2000x128xf32>
    %mul3A_18 = arith.mulf %add3A_12, %mul3A_17 : vector<2000x128xf32>
    %erf3A = math.erf %mul3A_18 : vector<2000x128xf32>
    %add3A_19 = arith.constant 1.000000e+00 : f32
    %add3A_20 = vector.broadcast %add3A_19 : f32 to vector<2000x128xf32>
    %add3A_21 = arith.addf %add3A_20, %erf3A : vector<2000x128xf32>
    %mul3A_22 = arith.mulf %mul3A_15, %add3A_21 : vector<2000x128xf32>
    %get3A_23 = arith.constant 0 : index
    %get3A_24 = vector.load %arg4[%get3A_23] : memref<128xf32, #tpu.memory_space<vmem>>, vector<128xf32>
    %get3A_25 = arith.constant 0 : index
    %get3A_26 = vector.load %arg5[%get3A_25] : memref<128xf32, #tpu.memory_space<vmem>>, vector<128xf32>
    %reduce_sum3A = arith.constant dense<0.000000e+00> : vector<2000xf32>
    %reduce_sum3A_27 = vector.multi_reduction <add>, %mul3A_22, %reduce_sum3A [1] : vector<2000x128xf32> to vector<2000xf32>
    %broadcast_in_dim3A = vector.shape_cast %reduce_sum3A_27 : vector<2000xf32> to vector<2000x1xf32>
    %div3A = arith.constant 1.280000e+02 : f32
    %div3A_28 = vector.broadcast %div3A : f32 to vector<2000x1xf32>
    %div3A_29 = arith.divf %broadcast_in_dim3A, %div3A_28 : vector<2000x1xf32>
    %sub3A = vector.broadcast %div3A_29 : vector<2000x1xf32> to vector<2000x128xf32>
    %sub3A_30 = arith.subf %mul3A_22, %sub3A : vector<2000x128xf32>
    %mul3A_31 = arith.mulf %sub3A_30, %sub3A_30 : vector<2000x128xf32>
    %reduce_sum3A_32 = arith.constant dense<0.000000e+00> : vector<2000xf32>
    %reduce_sum3A_33 = vector.multi_reduction <add>, %mul3A_31, %reduce_sum3A_32 [1] : vector<2000x128xf32> to vector<2000xf32>
    %broadcast_in_dim3A_34 = vector.shape_cast %reduce_sum3A_33 : vector<2000xf32> to vector<2000x1xf32>
    %div3A_35 = arith.constant 1.280000e+02 : f32
    %div3A_36 = vector.broadcast %div3A_35 : f32 to vector<2000x1xf32>
    %div3A_37 = arith.divf %broadcast_in_dim3A_34, %div3A_36 : vector<2000x1xf32>
    %add3A_38 = arith.constant 9.99999974E-6 : f32
    %add3A_39 = vector.broadcast %add3A_38 : f32 to vector<2000x1xf32>
    %add3A_40 = arith.addf %div3A_37, %add3A_39 : vector<2000x1xf32>
    %rsqrt3A = math.rsqrt %add3A_40 : vector<2000x1xf32>
    %mul3A_41 = vector.broadcast %rsqrt3A : vector<2000x1xf32> to vector<2000x128xf32>
    %mul3A_42 = arith.mulf %sub3A_30, %mul3A_41 : vector<2000x128xf32>
    %broadcast_in_dim3A_43 = vector.shape_cast %get3A_24 : vector<128xf32> to vector<1x128xf32>
    %mul3A_44 = vector.broadcast %broadcast_in_dim3A_43 : vector<1x128xf32> to vector<2000x128xf32>
    %mul3A_45 = arith.mulf %mul3A_42, %mul3A_44 : vector<2000x128xf32>
    %broadcast_in_dim3A_46 = vector.shape_cast %get3A_26 : vector<128xf32> to vector<1x128xf32>
    %add3A_47 = vector.broadcast %broadcast_in_dim3A_46 : vector<1x128xf32> to vector<2000x128xf32>
    %add3A_48 = arith.addf %mul3A_45, %add3A_47 : vector<2000x128xf32>
    %get3A_49 = arith.constant 0 : index
    %get3A_50 = arith.constant 0 : index
    %get3A_51 = vector.load %arg6[%get3A_49, %get3A_50] : memref<128x128xf32, #tpu.memory_space<vmem>>, vector<128x128xf32>
    %dot_general3A = arith.constant dense<0.000000e+00> : vector<2000x128xf32>
    %dot_general3A_52 = tpu.matmul %add3A_48, %get3A_51, %dot_general3A {dimension_numbers = #tpu.dot_dimension_numbers<[1], [0], [0], [1], [0, 0, 1, 1], [], []>, transpose_lhs_hint = false} : vector<2000x128xf32>, vector<128x128xf32>, vector<2000x128xf32> -> vector<2000x128xf32>
    %mul3A_53 = vector.broadcast %get3A_1 : vector<2000x1xf32> to vector<2000x128xf32>
    %mul3A_54 = arith.mulf %dot_general3A_52, %mul3A_53 : vector<2000x128xf32>
    %swap3A = arith.constant 0 : index
    %swap3A_55 = arith.constant 0 : index
    %swap3A_56 = vector.load %arg8[%swap3A, %swap3A_55] : memref<2000x128xf32, #tpu.memory_space<vmem>>, vector<2000x128xf32>
    tpu.vector_store %arg8[%swap3A, %swap3A_55], %mul3A_54 {strides = array<i32>} : memref<2000x128xf32, #tpu.memory_space<vmem>>, vector<2000x128xf32>,
    %mul3A_57 = arith.mulf %get3A_1, %get3A_1 : vector<2000x1xf32>
    %mul3A_58 = vector.broadcast %mul3A_57 : vector<2000x1xf32> to vector<2000x128xf32>
    %mul3A_59 = arith.mulf %dot_general3A_52, %mul3A_58 : vector<2000x128xf32>
    %get3A_60 = arith.constant 0 : index
    %get3A_61 = vector.load %arg7[%get3A_60] : memref<128xf32, #tpu.memory_space<vmem>>, vector<128xf32>
    %broadcast_in_dim3A_62 = vector.shape_cast %get3A_61 : vector<128xf32> to vector<1x128xf32>
    %add3A_63 = vector.broadcast %broadcast_in_dim3A_62 : vector<1x128xf32> to vector<2000x128xf32>
    %add3A_64 = arith.addf %mul3A_59, %add3A_63 : vector<2000x128xf32>
    %swap3A_65 = arith.constant 0 : index
    %swap3A_66 = arith.constant 0 : index
    %swap3A_67 = vector.load %arg9[%swap3A_65, %swap3A_66] : memref<2000x128xf32, #tpu.memory_space<vmem>>, vector<2000x128xf32>
    tpu.vector_store %arg9[%swap3A_65, %swap3A_66], %add3A_64 {strides = array<i32>} : memref<2000x128xf32, #tpu.memory_space<vmem>>, vector<2000x128xf32>,
    return
  }
  func.func @transform_0(%arg0: i32) -> (i32, i32, i32) {
    %c0_i32 = arith.constant 0 : i32
    %c0_i32_0 = arith.constant 0 : i32
    %c0_i32_1 = arith.constant 0 : i32
    return %c0_i32, %arg0, %c0_i32_0 : i32, i32, i32
  }
  func.func @transform_1(%arg0: i32) -> (i32, i32) {
    %c0_i32 = arith.constant 0 : i32
    %c0_i32_0 = arith.constant 0 : i32
    return %arg0, %c0_i32 : i32, i32
  }
  func.func @transform_2(%arg0: i32) -> (i32, i32) {
    %c0_i32 = arith.constant 0 : i32
    %c0_i32_0 = arith.constant 0 : i32
    return %arg0, %c0_i32 : i32, i32
  }
  func.func @transform_3(%arg0: i32) -> i32 {
    %c0_i32 = arith.constant 0 : i32
    %c0_i32_0 = arith.constant 0 : i32
    return %c0_i32 : i32
  }
  func.func @transform_4(%arg0: i32) -> i32 {
    %c0_i32 = arith.constant 0 : i32
    %c0_i32_0 = arith.constant 0 : i32
    return %c0_i32 : i32
  }
  func.func @transform_5(%arg0: i32) -> (i32, i32) {
    %c0_i32 = arith.constant 0 : i32
    %c0_i32_0 = arith.constant 0 : i32
    %c0_i32_1 = arith.constant 0 : i32
    return %c0_i32, %c0_i32_0 : i32, i32
  }
  func.func @transform_6(%arg0: i32) -> i32 {
    %c0_i32 = arith.constant 0 : i32
    %c0_i32_0 = arith.constant 0 : i32
    return %c0_i32 : i32
  }
  func.func @transform_7(%arg0: i32) -> (i32, i32) {
    %c0_i32 = arith.constant 0 : i32
    %c0_i32_0 = arith.constant 0 : i32
    return %arg0, %c0_i32 : i32, i32
  }
  func.func @transform_8(%arg0: i32) -> (i32, i32) {
    %c0_i32 = arith.constant 0 : i32
    %c0_i32_0 = arith.constant 0 : i32
    return %arg0, %c0_i32 : i32, i32
  }
}

module attributes {stable_mosaic.version = 14 : i64} {
  func.func @body(%arg0: i32, %arg1: memref<2x2000x128xf32, #tpu.memory_space<vmem>>, %arg2: memref<2000x128xf32, #tpu.memory_space<vmem>>, %arg3: memref<2000x1xf32, #tpu.memory_space<vmem>>, %arg4: memref<2000x128xf32, #tpu.memory_space<vmem>>) attributes {dimension_semantics = [#tpu.dimension_semantics<arbitrary>], iteration_bounds = array<i64: 5>, scalar_prefetch = 0 : i64, scratch_operands = 0 : i64, tpu.core_type = #tpu.core_type<tc>, window_params = [{transform_indices = @transform_0, window_bounds = array<i64: 2, 2000, 128>}, {transform_indices = @transform_1, window_bounds = array<i64: 2000, 128>}, {transform_indices = @transform_2, window_bounds = array<i64: 2000, 1>}, {transform_indices = @transform_3, window_bounds = array<i64: 2000, 128>}]} {
    %get3A = arith.constant 0 : index
    %get3A_0 = arith.constant 0 : index
    %get3A_1 = arith.constant 0 : index
    %get3A_2 = vector.load %arg1[%get3A, %get3A_0, %get3A_1] : memref<2x2000x128xf32, #tpu.memory_space<vmem>>, vector<2x2000x128xf32>
    %slice3A = vector.extract_strided_slice %get3A_2 {offsets = [0, 0, 0], sizes = [1, 2000, 128], strides = [1, 1, 1]} : vector<2x2000x128xf32> to vector<1x2000x128xf32>
    %squeeze3A = vector.shape_cast %slice3A : vector<1x2000x128xf32> to vector<2000x128xf32>
    %slice3A_3 = vector.extract_strided_slice %get3A_2 {offsets = [1, 0, 0], sizes = [1, 2000, 128], strides = [1, 1, 1]} : vector<2x2000x128xf32> to vector<1x2000x128xf32>
    %squeeze3A_4 = vector.shape_cast %slice3A_3 : vector<1x2000x128xf32> to vector<2000x128xf32>
    %add3A = arith.addf %squeeze3A, %squeeze3A_4 : vector<2000x128xf32>
    %get3A_5 = arith.constant 0 : index
    %get3A_6 = arith.constant 0 : index
    %get3A_7 = vector.load %arg3[%get3A_5, %get3A_6] : memref<2000x1xf32, #tpu.memory_space<vmem>>, vector<2000x1xf32>
    %mul3A = vector.broadcast %get3A_7 : vector<2000x1xf32> to vector<2000x128xf32>
    %mul3A_8 = arith.mulf %add3A, %mul3A : vector<2000x128xf32>
    %get3A_9 = arith.constant 0 : index
    %get3A_10 = arith.constant 0 : index
    %get3A_11 = vector.load %arg2[%get3A_9, %get3A_10] : memref<2000x128xf32, #tpu.memory_space<vmem>>, vector<2000x128xf32>
    %add3A_12 = arith.addf %mul3A_8, %get3A_11 : vector<2000x128xf32>
    %swap3A = arith.constant 0 : index
    %swap3A_13 = arith.constant 0 : index
    %swap3A_14 = vector.load %arg4[%swap3A, %swap3A_13] : memref<2000x128xf32, #tpu.memory_space<vmem>>, vector<2000x128xf32>
    tpu.vector_store %arg4[%swap3A, %swap3A_13], %add3A_12 {strides = array<i32>} : memref<2000x128xf32, #tpu.memory_space<vmem>>, vector<2000x128xf32>,
    return
  }
  func.func @transform_0(%arg0: i32) -> (i32, i32, i32) {
    %c0_i32 = arith.constant 0 : i32
    %c0_i32_0 = arith.constant 0 : i32
    %c0_i32_1 = arith.constant 0 : i32
    return %c0_i32, %arg0, %c0_i32_0 : i32, i32, i32
  }
  func.func @transform_1(%arg0: i32) -> (i32, i32) {
    %c0_i32 = arith.constant 0 : i32
    %c0_i32_0 = arith.constant 0 : i32
    return %arg0, %c0_i32 : i32, i32
  }
  func.func @transform_2(%arg0: i32) -> (i32, i32) {
    %c0_i32 = arith.constant 0 : i32
    %c0_i32_0 = arith.constant 0 : i32
    return %arg0, %c0_i32 : i32, i32
  }
  func.func @transform_3(%arg0: i32) -> (i32, i32) {
    %c0_i32 = arith.constant 0 : i32
    %c0_i32_0 = arith.constant 0 : i32
    return %arg0, %c0_i32 : i32, i32
  }
}

</mosaic_0001>

<sc_bundles>
// kernel: kernel.12.cloned.1.call-start
scs
__scs_entry_jumppad:
0x0: {  	(pc) =	sbr.rel $0x88, $3  }
0x1: {  	(tag) =	ssettag $0x0;
	lr =	simm.s32 $0x1  }
0x2: {  	[smem:$0x3F97] =	sst lr;
	_ =	strace $0xD0000000  }
0x3: {  	_ = 	snop  }
0x4: {  	_ = 	snop  }
0x5: {  	_ = 	snop  }
0x6: {  	_ = 	snop  }
0x7: {  	_ = 	snop  }
__scs_overlays_trampoline_lowered:
0x8: {  	[smem:$0x3FA6] =	sst s0  }
0x9: {  	[smem:$0x3FA7] =	sst s1  }
0xa: {  	[smem:$0x3FA8] =	sst s2  }
0xb: {  	[smem:$0x3FA9] =	sst s3  }
0xc: {  	[smem:$0x3FAA] =	sst s4  }
0xd: {  	[smem:$0x3FAB] =	sst s5  }
0xe: {  	[smem:$0x3FAC] =	sst s6  }
0xf: {  	[smem:$0x3FAD] =	sst s7  }
0x10: {  	[smem:$0x3FAE] =	sst s8  }
0x11: {  	[smem:$0x3FAF] =	sst s9;
	s0 =	simm.s32 @!p0 $0x0  }
0x12: {  	s1 =	sld [smem:$0x3F95];
	s0 =	simm.s32 @p0 $0x1  }
0x13: {  	[smem:$0x3FB0] =	sst s0;
	s0 =	simm.s32 @!p1 $0x0  }
0x14: {  	s2 =	sld [smem:$0x3F94];
	s0 =	simm.s32 @p1 $0x1  }
0x15: {  	[smem:$0x3FB1] =	sst s0;
	s0 =	simm.s32 @!p2 $0x0  }
0x16: {  	s3 =	sld [smem:$0x3FDB];
	s0 =	simm.s32 @p2 $0x1  }
0x17: {  	s4 =	simm.s32 $0x1BF5;
	[smem:$0x3FB3] =	sst s0  }
0x18: {  	s0 =	sld [smem:$0x3F96];
	_ =	swait.ge [sflag:s4], $0x0  }
0x19: {  	s7 =	sld [smem:$0x3F97]  }
0x1a: {  	s8 =	sadd.s32 $0xFFFFE003, lr  }
0x1b: {  	s9 =	sadd.s32 $0xFFFFFEF7, lr;
	s5 =	simm.s32 $0xFFFFFFFF;
	p2 =	slt.u32 s8, $0xFFFFF086  }
0x1c: {  	p1 =	slt.u32 s9, $0xF7A;
	s5 =	simm.s32 @!p2 $0x0  }
0x1d: {  	s5 =	simm.s32 @p1 $0x1;
	p0 =	seq.s32 s7, s2  }
0x1e: {  	s7 =	smul.u32 @!p0 $0xF7A, s2;
	p2 =	seq.s32 @!p0 s5, $0x0  }
0x1f: {  	s9 =	smul.u32 $0xF7A, s1;
	s8 =	simm.s32 @!p0 $0x1BF5;
	p2 =	por !p2, p0  }
0x20: {  	[sflag:s8] =	ssyncset.s32 @!p0 $0xFFFFF086;
	s6 =	sadd.s32 @!p0 s3, s7;
	s7 =	simm.s32 @!p0 $0x108  }
0x21: {  	s3 =	sadd.s32 s3, s9;
	s6 =	sadd.s32 @!p0 $0x88, s6;
	s7 =	simm.s32 @p2 $0x1082  }
0x22: {  	[simem:s7], [sflag:s8] =	dma.local @!p0 [hbm:s6], $0xF7A  }
0x23: {  	s9 =	sor.u32 $0xD0000000, s2;
	s6 =	simm.s32 $0x108;
	_ =	swait.ge @!p0 [sflag:s8], $0x0  }
0x24: {  	s3 =	sadd.s32 $0x88, s3;
	s6 =	simm.s32 @!p1 $0x1082;
	[sflag:s4] =	ssyncset.s32 $0xFFFFF086  }
0x25: {  	[simem:s6], [sflag:s4] =	dma.local [hbm:s3], $0xF7A  }
0x26: {  	[smem:$0x3F97] =	sst s1;
	(tag) =	ssettag s2;
	_ =	strace s9  }
0x27: {  	s1 =	sld [smem:$0x3FA7]  }
0x28: {  	s2 =	sld [smem:$0x3FA8]  }
0x29: {  	s4 =	sld [smem:$0x3FAA]  }
0x2a: {  	p0 =	seq.s32 s5, $0x0;
	s5 =	sld [smem:$0x3FAB]  }
0x2b: {  	s6 =	sld [smem:$0x3FAC]  }
0x2c: {  	s7 =	sld [smem:$0x3FAD]  }
0x2d: {  	s3 =	simm.s32 $0x108;
	s8 =	sld [smem:$0x3FAE]  }
0x2e: {  	s3 =	simm.s32 @!p0 $0x1082;
	s9 =	sld [smem:$0x3FAF]  }
0x2f: {  	lr =	sadd.s32 s0, s3;
	s0 =	sld [smem:$0x3FA6]  }
0x30: {  	s3 =	sld [smem:$0x3FA9]  }
0x31: {  	[smem:$0x3FB2] =	sst s10  }
0x32: {  	s10 =	sld [smem:$0x3FB0];
	_ =	sdelay $0x3  }
0x33: {  	p0 =	seq.s32 s10, $0x1;
	s10 =	sld [smem:$0x3FB2];
	_ =	sdelay $0x3  }
0x34: {  	[smem:$0x3FB2] =	sst s10  }
0x35: {  	s10 =	sld [smem:$0x3FB1];
	_ =	sdelay $0x3  }
0x36: {  	p1 =	seq.s32 s10, $0x1;
	s10 =	sld [smem:$0x3FB2];
	_ =	sdelay $0x3  }
0x37: {  	[smem:$0x3FB2] =	sst s10  }
0x38: {  	s10 =	sld [smem:$0x3FB3]  }
0x39: {  	_ = 	snop;
	(pc) =	sbr.ind lr, $3  }
0x3a: {  	_ = 	snop  }
0x3b: {  	_ = 	snop  }
0x3c: {  	p2 =	seq.s32 s10, $0x1;
	s10 =	sld [smem:$0x3FB2]  }
0x3d: {  	_ =	shalt  }
0x3e: {  	_ =	shalt  }
0x3f: {  	_ =	shalt  }
0x40: {  	_ =	shalt  }
0x41: {  	_ =	shalt  }
0x42: {  	_ =	shalt  }
0x43: {  	_ =	shalt  }
0x44: {  	_ =	shalt  }
0x45: {  	_ =	shalt  }
0x46: {  	_ =	shalt  }
0x47: {  	_ =	shalt  }
0x48: {  	_ =	shalt  }
0x49: {  	_ =	shalt  }
0x4a: {  	_ =	shalt  }
0x4b: {  	_ =	shalt  }
0x4c: {  	_ =	shalt  }
0x4d: {  	_ =	shalt  }
0x4e: {  	_ =	shalt  }
0x4f: {  	_ =	shalt  }
0x50: {  	_ =	shalt  }
0x51: {  	_ =	shalt  }
0x52: {  	_ =	shalt  }
0x53: {  	_ =	shalt  }
0x54: {  	_ =	shalt  }
0x55: {  	_ =	shalt  }
0x56: {  	_ =	shalt  }
0x57: {  	_ =	shalt  }
0x58: {  	_ =	shalt  }
0x59: {  	_ =	shalt  }
0x5a: {  	_ =	shalt  }
0x5b: {  	_ =	shalt  }
0x5c: {  	_ =	shalt  }
0x5d: {  	_ =	shalt  }
0x5e: {  	_ =	shalt  }
0x5f: {  	_ =	shalt  }
0x60: {  	_ =	shalt  }
0x61: {  	_ =	shalt  }
0x62: {  	_ =	shalt  }
0x63: {  	_ =	shalt  }
0x64: {  	_ =	shalt  }
0x65: {  	_ =	shalt  }
0x66: {  	_ =	shalt  }
0x67: {  	_ =	shalt  }
0x68: {  	_ =	shalt  }
0x69: {  	_ =	shalt  }
0x6a: {  	_ =	shalt  }
0x6b: {  	_ =	shalt  }
0x6c: {  	_ =	shalt  }
0x6d: {  	_ =	shalt  }
0x6e: {  	_ =	shalt  }
0x6f: {  	_ =	shalt  }
0x70: {  	_ =	shalt  }
0x71: {  	_ =	shalt  }
0x72: {  	_ =	shalt  }
0x73: {  	_ =	shalt  }
0x74: {  	_ =	shalt  }
0x75: {  	_ =	shalt  }
0x76: {  	_ =	shalt  }
0x77: {  	_ =	shalt  }
0x78: {  	_ =	shalt  }
0x79: {  	_ =	shalt  }
0x7a: {  	_ =	shalt  }
0x7b: {  	_ =	shalt  }
0x7c: {  	_ =	shalt  }
0x7d: {  	_ =	shalt  }
0x7e: {  	_ =	shalt  }
0x7f: {  	_ =	shalt  }
0x80: {  	_ =	shalt  }
0x81: {  	_ =	shalt  }
0x82: {  	_ =	shalt  }
0x83: {  	_ =	shalt  }
0x84: {  	_ =	shalt  }
0x85: {  	_ =	shalt  }
0x86: {  	_ =	shalt  }
0x87: {  	_ =	shalt  }
.Lfunc_end0:
.L_simem_size_0:
called_computation.1_lowered:
.L_overlay_start_0:
0x88: {  	s2 =	sld [smem:$0x3FD9]  }
0x89: {  	s3 =	sld [smem:$0x3FFE];
	_ =	sdelay $0x1  }
0x8a: {  	s1 =	srdreg.scid  }
0x8b: {  	s0 =	sand.u32 $0x1, s1  }
0x8c: {  	s17 =	sshll.u32 s0, $0xA;
	s2 =	sadd.s32 s3, s2  }
0x8d: {  	s2 =	sadd.s32 s2, s17  }
0x8e: {  	[smem:$0x3FBE] =	sst s2  }
0x8f: {  	_ = 	snop  }
0x90: {  	s2 =	sld [smem:$0x3FD0];
	(tm) =	ssettm $0x1  }
0x91: {  	s18 =	sld [smem:$0x3FFB];
	_ =	sdelay $0x3  }
0x92: {  	_ =	strace s18  }
0x93: {  	s3 =	sld [smem:$0x3FFC];
	_ =	sdelay $0x3  }
0x94: {  	_ =	strace s3  }
0x95: {  	s3 =	sld [smem:$0x3FFD];
	_ =	sdelay $0x3  }
0x96: {  	_ =	strace s3  }
0x97: {  	_ =	strace $0x8FFFFFFF  }
0x98: {  	s19 =	sld [smem:$0x3FDB];
	_ =	sdelay $0x1  }
0x99: {  	s4 =	simm.s32 $_scs_section_size  }
0x9a: {  	s5 =	simm.s32 $_size__tile_overlayer_lowered;
	s6 =	simm.s32 $_tile_overlayer_lowered  }
0x9b: {  	s22 =	simm.s32 $0x1BFF;
	s21 =	sshll.u32 s6, $0x1;
	s3 =	sadd.s32 s4, s19  }
0x9c: {  	s7 =	simm.s32 $0x0;
	s20 =	sshll.u32 s5, $0x1;
	s5 =	sadd.s32 s21, s3  }
0x9d: {  	[timem:s7], [sflag:s22] =	dma.local [hbm:s5], s20  }
0x9e: {  	_ =	swait.ge [sflag:s22], s20  }
0x9f: {  	s4 =	ssub.s32 $0x0, s20;
	[sflag:s22] =	ssyncset.done $0x0  }
0xa0: {  	[sflag:s22] =	ssyncadd.s32 s4;
	_ =	sdelay $0x1  }
0xa1: {  	s23 =	simm.s32 $0x1B8B  }
0xa2: {  	_ =	swait.ge [sflag:s23], $0x1  }
0xa3: {  	[sflag:s23] =	ssyncset.done $0x0  }
0xa4: {  	s25 =	simm.s32 $0x1B8E;
	s24 =	sld [smem:$0x3FFE];
	[sflag:s23] =	ssyncadd.s32 $0xFFFFFFFF  }
0xa5: {  	s26 =	simm.s32 $execute0_lowered;
	[smem:$0x3FD2] =	sst s25  }
0xa6: {  	s5 =	sshll.u32 s26, $0x1;
	_ =	strace $0x80000049;
	[dreg:$0x1] =	wrdreg $0xFFFFFFFF  }
0xa7: {  	s28 =	simm.s32 $_size_execute0_lowered;
	s3 =	sadd.s32 s3, s5;
	[dreg:$0x0] =	wrdreg $0x0  }
0xa8: {  	s5 =	sshll.u32 s28, $0x1;
	[dreg:$0x2] =	wrdreg s3  }
0xa9: {  	[dreg:$0x3] =	wrdreg s5  }
0xaa: {  	[dreg:$0x4] =	wrdreg $0xC0  }
0xab: {  	_ =	task [dreg:s7], $0x5FFFF  }
0xac: {  	[dreg:$0x1] =	wrdreg $0xFFFFFFFF  }
0xad: {  	[dreg:$0x0] =	wrdreg $0x60  }
0xae: {  	[dreg:$0x2] =	wrdreg s2  }
0xaf: {  	[dreg:$0x3] =	wrdreg s24  }
0xb0: {  	[dreg:$0x4] =	wrdreg $0x84000  }
0xb1: {  	[dreg:$0x5] =	wrdreg $0x9  }
0xb2: {  	_ =	task.clear_ibuf [dreg:s7], $0x6FFFF;
	_ =	strace $0x90000049  }
0xb3: {  	s29 =	simm.s32 $0x9;
	_ =	strace $0x8000004B  }
0xb4: {  	_ =	swait.ge [sflag:s29], $0x1  }
0xb5: {  	[sflag:s29] =	ssyncadd.s32 $0xFFFFFFFF  }
0xb6: {  	_ =	strace $0x9000004B  }
0xb7: {  	_ =	sfence  }
0xb8: {  	s30 =	sld [smem:$0x0];
	_ =	sdelay $0x2  }
0xb9: {  	s31 =	sshll.u32 s1, $0xD;
	s1 =	sshrl.u32 s1, $0x2  }
0xba: {  	s3 =	sand.u32 $0x4000, s31;
	s1 =	sadd.s32 s1, s30  }
0xbb: {  	s0 =	sor.u32 s3, s0;
	s1 =	sshll.u32 s1, $0x11  }
0xbc: {  	s0 =	sor.u32 s1, s0  }
0xbd: {  	s0 =	sadd.s32 $0x8F2B, s0  }
0xbe: {  	[sflag:s0] =	ssyncadd.remote.s32 $0x1  }
0xbf: {  	_ =	sfence.sel $0xFFFF  }
0xc0: {  	[dreg:$0x0] =	wrdreg $0xFFFFFFFF;
	(pc) =	sbr.abs _section_cstart, $3  }
0xc1: {  	[dreg:$0x1] =	wrdreg $0xFFFFFFFF  }
0xc2: {  	_ =	task.clear_ibuf [dreg:s7], $0x2FFFF;
	_ =	strace $0x9FFFFFFF  }
0xc3: {  	(tm) =	ssettm $0x7FFFFFFF  }
tec
execute0_lowered:
.L_overlay_start_1:
0x0: {  	(tag) =	ssettag $0x1  }
0x1: {  	s1 =	rddreg [dreg:$0x0]  }
0x2: {  	s0 =	srdreg.scid;
	s2 =	rddreg [dreg:$0x1]  }
0x3: {  	s17 =	stileid.u32;
	s3 =	rddreg [dreg:$0x2];
	s11 =	simm.s32 $0x400  }
0x4: {  	s12 =	simm.s32 $0x9;
	s13 =	simm.s32 $0x200;
	s14 =	simm.s32 $0x40  }
0x5: {  	s15 =	simm.s32 $0x2400;
	s16 =	simm.s32 $0x4400;
	s18 =	simm.s32 $0x6400  }
0x6: {  	s19 =	simm.s32 $0x100;
	s21 =	simm.s32 $0x300;
	s28 =	simm.s32 $0x5  }
0x7: {  	s29 =	simm.s32 $0x6;
	s31 =	simm.s32 $0x7;
	s7 =	smul.u32 $0x2800, s17  }
0x8: {  	s20 =	simm.s32 $0x3;
	s0 =	sand.u32 $0x1, s0;
	s9 =	smul.u32 $0x50000, s17  }
0x9: {  	s26 =	sshll.u32 s17, $0x6;
	s4 =	sshll.u32 s0, $0x4;
	s6 =	smul.u32 $0x28000, s0  }
0xa: {  	s0 =	ssub.s32 $0x2, s0;
	s5 =	sor.u32 s17, s4;
	s4 =	simm.s32 $0x0  }
0xb: {  	s10 =	sadd.s32 s7, s2;
	s22 =	sshrl.u32 s0, $0x1;
	s9 =	sshrl.u32 s9, $0x2  }
0xc: {  	s17 =	sor.u32 $0x1C09, s26;
	s26 =	simm.s32 $0x4;
	s5 =	smul.u32 $0x500, s5  }
0xd: {  	[smem:$0x7FF] =	sst s4;
	s0 =	ssub.s32 s0, s22;
	s23 =	sadd.s32 s9, s3  }
0xe: {  	s24 =	sadd.s32 $0x17600, s10;
	s10 =	simm.s32 $0x80;
	s9 =	simm.s32 $0x1  }
0xf: {  	_ =	strace $0x8000004A;
	[dreg:$0x5] =	wrdreg s24;
	s0 =	smax.u32 s0, $0x1  }
0x10: {  	s22 =	sshrl.u32 s23, $0x3;
	s24 =	simm.s32 $0x380;
	[dreg:$0x8] =	wrdreg s17  }
0x11: {  	s23 =	simm.s32 $0x0;
	s8 =	sadd.s32 s5, s2;
	[dreg:$0x6] =	wrdreg s0  }
0x12: {  	s2 =	sadd.s32 s6, s2;
	[dreg:$0x9] =	wrdreg s22;
	s5 =	sadd.s32 $0xD600, s8  }
0x13: {  	s6 =	sadd.s32 $0x3600, s8;
	s8 =	sadd.s32 $0xD610, s8;
	s2 =	sadd.s32 $0x3F600, s2  }
0x14: {  	[dreg:$0x4] =	wrdreg s8;
	s25 =	sadd.s32 $0x20, s6;
	s30 =	sadd.s32 s7, s2  }
0x15: {  	s7 =	simm.s32 $0xC0;
	s2 =	simm.s32 $0x8;
	[dreg:$0x7] =	wrdreg s25  }
0x16: {  	s8 =	simm.s32 $0x1C0;
	[dreg:$0xa] =	wrdreg s30;
	s25 =	simm.s32 $0x2  }
.LBB2_1:
0x17: {  	[dreg:$0xb] =	wrdreg s23  }
0x18: {  	[tilespmem:s4], [sflag:$0x9] =	stream.strided.gather [hbm4b:s5+s10], $0x100, s11, s10, $0x38;
	[tilespmem:$0x1C400] =	vst v63  }
0x19: {  	_ =	swait.ge [sflag:s12], $0x100  }
0x1a: {  	[sflag:s12] =	ssyncset.done $0x0  }
0x1b: {  	[sflag:s12] =	ssyncadd.s32 $0xFFFFFF00  }
0x1c: {  	[tilespmem:s13], [sflag:$0x9] =	stream.linear.gather [hbm4b:s6+s4], $0x100, $0x38;
	[tilespmem:$0x1C400] =	vst v63  }
0x1d: {  	_ =	swait.ge [sflag:s12], $0x100  }
0x1e: {  	[sflag:s12] =	ssyncset.done $0x0  }
0x1f: {  	[sflag:s12] =	ssyncadd.s32 $0xFFFFFF00  }
0x20: {  	[tilespmem:s11], [sflag:$0x5] =	stream.indirect.gather [hbm4b:s1+s14], $0x80, s4, s14, $0xb8;
	[tilespmem:$0x1C400] =	vst v63  }
0x21: {  	_ = 	snop  }
0x22: {  	[tilespmem:s15], [sflag:$0x6] =	stream.indirect.gather [hbm4b:s1+s14], $0x80, s14, s14, $0xb8;
	[tilespmem:$0x1C400] =	vst v63  }
0x23: {  	_ = 	snop  }
0x24: {  	[tilespmem:s16], [sflag:$0x7] =	stream.indirect.gather [hbm4b:s1+s14], $0x80, s10, s14, $0xb8;
	[tilespmem:$0x1C400] =	vst v63  }
0x25: {  	_ = 	snop  }
0x26: {  	[tilespmem:s18], [sflag:$0x8] =	stream.indirect.gather [hbm4b:s1+s14], $0x80, s7, s14, $0xb8;
	[tilespmem:$0x1C400] =	vst v63  }
0x27: {  	s0 =	rddreg [dreg:$0x4]  }
0x28: {  	[tilespmem:s19], [sflag:$0x2] =	stream.strided.gather [hbm4b:s0+s10], $0x100, s11, s10, $0x38;
	[tilespmem:$0x1C400] =	vst v63  }
0x29: {  	s23 =	rddreg [dreg:$0x7]  }
0x2a: {  	[tilespmem:s21], [sflag:$0x4] =	stream.linear.gather [hbm4b:s23+s4], $0x100, $0x38;
	[tilespmem:$0x1C400] =	vst v63  }
0x2b: {  	s23 =	rddreg [dreg:$0x5]  }
0x2c: {  	[spmem:s22], [sflag:s17] =	dma.local [hbm:s23], $0x2800  }
0x2d: {  	_ =	swait.ge [sflag:s12], $0x2800  }
0x2e: {  	[sflag:s12] =	ssyncset.done $0x0  }
0x2f: {  	[sflag:s12] =	ssyncadd.s32 $0xFFFFD800  }
0x30: {  	[bflag:$0x0] =	sbarrier.arrive $0xFFFF  }
0x31: {  	_ =	swait.ge [sflag:s25], $0x100  }
0x32: {  	[sflag:s25] =	ssyncset.done $0x0  }
0x33: {  	[sflag:s25] =	ssyncadd.s32 $0xFFFFFF00  }
0x34: {  	_ =	swait.ge [sflag:s26], $0x100  }
0x35: {  	[sflag:s26] =	ssyncset.done $0x0  }
0x36: {  	[sflag:s26] =	ssyncadd.s32 $0xFFFFFF00  }
0x37: {  	_ =	swait.ge [sflag:s28], $0x2000  }
0x38: {  	[sflag:s28] =	ssyncset.done $0x0  }
0x39: {  	[sflag:s28] =	ssyncadd.s32 $0xFFFFE000  }
0x3a: {  	_ =	swait.ge [sflag:s29], $0x2000  }
0x3b: {  	[sflag:s29] =	ssyncset.done $0x0  }
0x3c: {  	[sflag:s29] =	ssyncadd.s32 $0xFFFFE000  }
0x3d: {  	[spmem:s3] =	stream.indirect.scatter.add.f32 [tilespmem:s11], [sflag:$0x9], $0x80, s13, s10, $0xb8;
	[tilespmem:$0x1C400] =	vst v63  }
0x3e: {  	_ =	swait.ge [sflag:s12], $0x4000  }
0x3f: {  	[sflag:s12] =	ssyncset.done $0x0  }
0x40: {  	[sflag:s12] =	ssyncadd.s32 $0xFFFFC000  }
0x41: {  	[tilespmem:s11], [sflag:$0x5] =	stream.indirect.gather [hbm4b:s1+s14], $0x80, s19, s14, $0xb8;
	[tilespmem:$0x1C400] =	vst v63  }
0x42: {  	s23 =	simm.s32 $0x140  }
0x43: {  	[tilespmem:s15], [sflag:$0x6] =	stream.indirect.gather [hbm4b:s1+s14], $0x80, s23, s14, $0xb8;
	[tilespmem:$0x1C400] =	vst v63  }
0x44: {  	_ =	swait.ge [sflag:s31], $0x2000  }
0x45: {  	[sflag:s31] =	ssyncset.done $0x0  }
0x46: {  	[sflag:s31] =	ssyncadd.s32 $0xFFFFE000  }
0x47: {  	_ =	swait.ge [sflag:s2], $0x2000  }
0x48: {  	[sflag:s2] =	ssyncset.done $0x0  }
0x49: {  	s17 =	simm.s32 $0x280;
	[sflag:s2] =	ssyncadd.s32 $0xFFFFE000  }
0x4a: {  	[spmem:s3] =	stream.indirect.scatter.add.f32 [tilespmem:s16], [sflag:$0x9], $0x80, s17, s10, $0xb8;
	[tilespmem:$0x1C400] =	vst v63  }
0x4b: {  	s22 =	simm.s32 $0x20;
	_ =	swait.ge [sflag:s12], $0x4000  }
0x4c: {  	s0 =	sand.u32 $0x60, s22;
	[sflag:s12] =	ssyncset.done $0x0  }
0x4d: {  	s23 =	simm.s32 $0x180;
	s17 =	simm.s32 $0x40;
	[sflag:s12] =	ssyncadd.s32 $0xFFFFC000  }
0x4e: {  	[tilespmem:s16], [sflag:$0x7] =	stream.indirect.gather [hbm4b:s1+s14], $0x80, s23, s14, $0xb8;
	[tilespmem:$0x1C400] =	vst v63  }
0x4f: {  	s0 =	sadd.s32 s5, s0;
	s17 =	sand.u32 $0xF00, s17  }
0x50: {  	[tilespmem:s18], [sflag:$0x8] =	stream.indirect.gather [hbm4b:s1+s14], $0x80, s8, s14, $0xb8;
	[tilespmem:$0x1C400] =	vst v63  }
0x51: {  	s30 =	sadd.s32 $0xFFFFFB40, s6;
	s0 =	sadd.s32 s17, s0  }
0x52: {  	[tilespmem:s4], [sflag:$0x1] =	stream.strided.gather [hbm4b:s0+s10], $0x100, s11, s10, $0x38;
	[tilespmem:$0x1C400] =	vst v63  }
0x53: {  	s23 =	sadd.s32 $0x500, s30  }
0x54: {  	[tilespmem:s13], [sflag:$0x3] =	stream.linear.gather [hbm4b:s23+s4], $0x100, $0x38;
	[tilespmem:$0x1C400] =	vst v63  }
0x55: {  	_ =	swait.ge [sflag:s9], $0x100  }
0x56: {  	[sflag:s9] =	ssyncset.done $0x0  }
0x57: {  	[sflag:s9] =	ssyncadd.s32 $0xFFFFFF00  }
0x58: {  	_ =	swait.ge [sflag:s20], $0x100  }
0x59: {  	[sflag:s20] =	ssyncset.done $0x0  }
0x5a: {  	[sflag:s20] =	ssyncadd.s32 $0xFFFFFF00  }
0x5b: {  	_ =	swait.ge [sflag:s28], $0x2000  }
0x5c: {  	[sflag:s28] =	ssyncset.done $0x0  }
0x5d: {  	[sflag:s28] =	ssyncadd.s32 $0xFFFFE000  }
0x5e: {  	_ =	swait.ge [sflag:s29], $0x2000  }
0x5f: {  	[sflag:s29] =	ssyncset.done $0x0  }
0x60: {  	[sflag:s29] =	ssyncadd.s32 $0xFFFFE000  }
0x61: {  	[spmem:s3] =	stream.indirect.scatter.add.f32 [tilespmem:s11], [sflag:$0x9], $0x80, s21, s10, $0xb8;
	[tilespmem:$0x1C400] =	vst v63  }
0x62: {  	_ =	swait.ge [sflag:s12], $0x4000  }
0x63: {  	[sflag:s12] =	ssyncset.done $0x0  }
0x64: {  	[sflag:s12] =	ssyncadd.s32 $0xFFFFC000  }
0x65: {  	[tilespmem:s11], [sflag:$0x5] =	stream.indirect.gather [hbm4b:s1+s14], $0x80, s4, s14, $0xb8;
	[tilespmem:$0x1C400] =	vst v63  }
0x66: {  	_ = 	snop  }
0x67: {  	[tilespmem:s15], [sflag:$0x6] =	stream.indirect.gather [hbm4b:s1+s14], $0x80, s14, s14, $0xb8;
	[tilespmem:$0x1C400] =	vst v63  }
0x68: {  	_ =	swait.ge [sflag:s31], $0x2000  }
0x69: {  	[sflag:s31] =	ssyncset.done $0x0  }
0x6a: {  	[sflag:s31] =	ssyncadd.s32 $0xFFFFE000  }
0x6b: {  	_ =	swait.ge [sflag:s2], $0x2000  }
0x6c: {  	[sflag:s2] =	ssyncset.done $0x0  }
0x6d: {  	[sflag:s2] =	ssyncadd.s32 $0xFFFFE000  }
0x6e: {  	[spmem:s3] =	stream.indirect.scatter.add.f32 [tilespmem:s16], [sflag:$0x9], $0x80, s24, s10, $0xb8;
	[tilespmem:$0x1C400] =	vst v63  }
0x6f: {  	_ =	swait.ge [sflag:s12], $0x4000  }
0x70: {  	[sflag:s12] =	ssyncset.done $0x0  }
0x71: {  	[sflag:s12] =	ssyncadd.s32 $0xFFFFC000  }
0x72: {  	[tilespmem:s16], [sflag:$0x7] =	stream.indirect.gather [hbm4b:s1+s14], $0x80, s10, s14, $0xb8;
	[tilespmem:$0x1C400] =	vst v63  }
0x73: {  	s23 =	simm.s32 $0x30  }
0x74: {  	[tilespmem:s18], [sflag:$0x8] =	stream.indirect.gather [hbm4b:s1+s14], $0x80, s7, s14, $0xb8;
	[tilespmem:$0x1C400] =	vst v63  }
0x75: {  	s0 =	simm.s32 $0x60;
	s7 =	sand.u32 $0x70, s23  }
0x76: {  	s22 =	simm.s32 $0xFFFFFB80;
	s17 =	sand.u32 $0xF00, s0;
	s0 =	sadd.s32 s5, s7  }
.LBB2_2:
0x77: {  	p0 =	sne.s32 s22, $0xFFFFFFC0;
	s0 =	sadd.s32 s17, s0;
	s23 =	sadd.s32 $0x20, s23  }
0x78: {  	[tilespmem:s19], [sflag:$0x2] =	stream.strided.gather [hbm4b:s0+s10], $0x100, s11, s10, $0x38;
	[tilespmem:$0x1C400] =	vst v63  }
0x79: {  	s17 =	smov.u32 s22;
	s22 =	sadd.s32 $0x40, s22;
	s0 =	sadd.s32 $0x520, s30  }
0x7a: {  	[tilespmem:s21], [sflag:$0x4] =	stream.linear.gather [hbm4b:s0+s4], $0x100, $0x38;
	[tilespmem:$0x1C400] =	vst v63  }
0x7b: {  	_ =	swait.ge [sflag:s25], $0x100  }
0x7c: {  	[sflag:s25] =	ssyncset.done $0x0  }
0x7d: {  	[sflag:s25] =	ssyncadd.s32 $0xFFFFFF00  }
0x7e: {  	_ =	swait.ge [sflag:s26], $0x100  }
0x7f: {  	[sflag:s26] =	ssyncset.done $0x0  }
0x80: {  	[sflag:s26] =	ssyncadd.s32 $0xFFFFFF00  }
0x81: {  	_ =	swait.ge [sflag:s28], $0x2000  }
0x82: {  	[sflag:s28] =	ssyncset.done $0x0  }
0x83: {  	[sflag:s28] =	ssyncadd.s32 $0xFFFFE000  }
0x84: {  	_ =	swait.ge [sflag:s29], $0x2000  }
0x85: {  	[sflag:s29] =	ssyncset.done $0x0  }
0x86: {  	[sflag:s29] =	ssyncadd.s32 $0xFFFFE000  }
0x87: {  	[spmem:s3] =	stream.indirect.scatter.add.f32 [tilespmem:s11], [sflag:$0x9], $0x80, s13, s10, $0xb8;
	[tilespmem:$0x1C400] =	vst v63  }
0x88: {  	_ =	swait.ge [sflag:s12], $0x4000  }
0x89: {  	[sflag:s12] =	ssyncset.done $0x0  }
0x8a: {  	[sflag:s12] =	ssyncadd.s32 $0xFFFFC000  }
0x8b: {  	[tilespmem:s11], [sflag:$0x5] =	stream.indirect.gather [hbm4b:s1+s14], $0x80, s19, s14, $0xb8;
	[tilespmem:$0x1C400] =	vst v63  }
0x8c: {  	s0 =	simm.s32 $0x140  }
0x8d: {  	[tilespmem:s15], [sflag:$0x6] =	stream.indirect.gather [hbm4b:s1+s14], $0x80, s0, s14, $0xb8;
	[tilespmem:$0x1C400] =	vst v63  }
0x8e: {  	_ =	swait.ge [sflag:s31], $0x2000  }
0x8f: {  	[sflag:s31] =	ssyncset.done $0x0  }
0x90: {  	[sflag:s31] =	ssyncadd.s32 $0xFFFFE000  }
0x91: {  	_ =	swait.ge [sflag:s2], $0x2000  }
0x92: {  	[sflag:s2] =	ssyncset.done $0x0  }
0x93: {  	s0 =	simm.s32 $0x280;
	[sflag:s2] =	ssyncadd.s32 $0xFFFFE000  }
0x94: {  	[spmem:s3] =	stream.indirect.scatter.add.f32 [tilespmem:s16], [sflag:$0x9], $0x80, s0, s10, $0xb8;
	[tilespmem:$0x1C400] =	vst v63  }
0x95: {  	s0 =	sadd.s32 $0xFFFFFFF0, s23;
	_ =	swait.ge [sflag:s12], $0x4000  }
0x96: {  	s0 =	sand.u32 $0x60, s0;
	[sflag:s12] =	ssyncset.done $0x0  }
0x97: {  	s30 =	sadd.s32 $0x500, s17;
	[sflag:s12] =	ssyncadd.s32 $0xFFFFC000  }
0x98: {  	s7 =	simm.s32 $0x180;
	s30 =	sand.u32 $0xF00, s30;
	s0 =	sadd.s32 s5, s0  }
0x99: {  	[tilespmem:s16], [sflag:$0x7] =	stream.indirect.gather [hbm4b:s1+s14], $0x80, s7, s14, $0xb8;
	[tilespmem:$0x1C400] =	vst v63  }
0x9a: {  	s0 =	sadd.s32 s30, s0;
	s30 =	sadd.s32 s17, s6  }
0x9b: {  	[tilespmem:s18], [sflag:$0x8] =	stream.indirect.gather [hbm4b:s1+s14], $0x80, s8, s14, $0xb8;
	[tilespmem:$0x1C400] =	vst v63  }
0x9c: {  	s7 =	sadd.s32 $0x500, s30  }
0x9d: {  	[tilespmem:s4], [sflag:$0x1] =	stream.strided.gather [hbm4b:s0+s10], $0x100, s11, s10, $0x38;
	[tilespmem:$0x1C400] =	vst v63  }
0x9e: {  	_ = 	snop  }
0x9f: {  	[tilespmem:s13], [sflag:$0x3] =	stream.linear.gather [hbm4b:s7+s4], $0x100, $0x38;
	[tilespmem:$0x1C400] =	vst v63  }
0xa0: {  	s7 =	simm.s32 $0xC0  }
0xa1: {  	_ =	swait.ge [sflag:s9], $0x100  }
0xa2: {  	[sflag:s9] =	ssyncset.done $0x0  }
0xa3: {  	[sflag:s9] =	ssyncadd.s32 $0xFFFFFF00  }
0xa4: {  	_ =	swait.ge [sflag:s20], $0x100  }
0xa5: {  	[sflag:s20] =	ssyncset.done $0x0  }
0xa6: {  	[sflag:s20] =	ssyncadd.s32 $0xFFFFFF00  }
0xa7: {  	_ =	swait.ge [sflag:s28], $0x2000  }
0xa8: {  	[sflag:s28] =	ssyncset.done $0x0  }
0xa9: {  	[sflag:s28] =	ssyncadd.s32 $0xFFFFE000  }
0xaa: {  	_ =	swait.ge [sflag:s29], $0x2000  }
0xab: {  	[sflag:s29] =	ssyncset.done $0x0  }
0xac: {  	[sflag:s29] =	ssyncadd.s32 $0xFFFFE000  }
0xad: {  	[spmem:s3] =	stream.indirect.scatter.add.f32 [tilespmem:s11], [sflag:$0x9], $0x80, s21, s10, $0xb8;
	[tilespmem:$0x1C400] =	vst v63  }
0xae: {  	_ =	swait.ge [sflag:s12], $0x4000  }
0xaf: {  	[sflag:s12] =	ssyncset.done $0x0  }
0xb0: {  	[sflag:s12] =	ssyncadd.s32 $0xFFFFC000  }
0xb1: {  	[tilespmem:s11], [sflag:$0x5] =	stream.indirect.gather [hbm4b:s1+s14], $0x80, s4, s14, $0xb8;
	[tilespmem:$0x1C400] =	vst v63  }
0xb2: {  	_ = 	snop  }
0xb3: {  	[tilespmem:s15], [sflag:$0x6] =	stream.indirect.gather [hbm4b:s1+s14], $0x80, s14, s14, $0xb8;
	[tilespmem:$0x1C400] =	vst v63  }
0xb4: {  	_ =	swait.ge [sflag:s31], $0x2000  }
0xb5: {  	[sflag:s31] =	ssyncset.done $0x0  }
0xb6: {  	[sflag:s31] =	ssyncadd.s32 $0xFFFFE000  }
0xb7: {  	_ =	swait.ge [sflag:s2], $0x2000  }
0xb8: {  	[sflag:s2] =	ssyncset.done $0x0  }
0xb9: {  	[sflag:s2] =	ssyncadd.s32 $0xFFFFE000  }
0xba: {  	[spmem:s3] =	stream.indirect.scatter.add.f32 [tilespmem:s16], [sflag:$0x9], $0x80, s24, s10, $0xb8;
	[tilespmem:$0x1C400] =	vst v63  }
0xbb: {  	s0 =	sadd.s32 $0x520, s17;
	_ =	swait.ge [sflag:s12], $0x4000  }
.Ltmp0:
0xbc: {  	[sflag:s12] =	ssyncset.done $0x0;
	(pc) =	sbr.rel @p0 .LBB2_2-.Ltmp0, $4  }
0xbd: {  	s17 =	sand.u32 $0xF00, s0;
	s0 =	sand.u32 $0x70, s23;
	[sflag:s12] =	ssyncadd.s32 $0xFFFFC000  }
0xbe: {  	[tilespmem:s16], [sflag:$0x7] =	stream.indirect.gather [hbm4b:s1+s14], $0x80, s10, s14, $0xb8;
	[tilespmem:$0x1C400] =	vst v63  }
0xbf: {  	s0 =	sadd.s32 s5, s0  }
0xc0: {  	[tilespmem:s18], [sflag:$0x8] =	stream.indirect.gather [hbm4b:s1+s14], $0x80, s7, s14, $0xb8;
	[tilespmem:$0x1C400] =	vst v63  }
0xc1: {  	s0 =	sadd.s32 s17, s0  }
0xc2: {  	[tilespmem:s19], [sflag:$0x2] =	stream.strided.gather [hbm4b:s0+s10], $0x100, s11, s10, $0x38;
	[tilespmem:$0x1C400] =	vst v63  }
0xc3: {  	s23 =	sadd.s32 $0x520, s30  }
0xc4: {  	[tilespmem:s21], [sflag:$0x4] =	stream.linear.gather [hbm4b:s23+s4], $0x100, $0x38;
	[tilespmem:$0x1C400] =	vst v63  }
0xc5: {  	_ =	swait.ge [sflag:s25], $0x100  }
0xc6: {  	[sflag:s25] =	ssyncset.done $0x0  }
0xc7: {  	[sflag:s25] =	ssyncadd.s32 $0xFFFFFF00  }
0xc8: {  	_ =	swait.ge [sflag:s26], $0x100  }
0xc9: {  	[sflag:s26] =	ssyncset.done $0x0  }
0xca: {  	[sflag:s26] =	ssyncadd.s32 $0xFFFFFF00  }
0xcb: {  	_ =	swait.ge [sflag:s28], $0x2000  }
0xcc: {  	[sflag:s28] =	ssyncset.done $0x0  }
0xcd: {  	[sflag:s28] =	ssyncadd.s32 $0xFFFFE000  }
0xce: {  	_ =	swait.ge [sflag:s29], $0x2000  }
0xcf: {  	[sflag:s29] =	ssyncset.done $0x0  }
0xd0: {  	[sflag:s29] =	ssyncadd.s32 $0xFFFFE000  }
0xd1: {  	[spmem:s3] =	stream.indirect.scatter.add.f32 [tilespmem:s11], [sflag:$0x9], $0x80, s13, s10, $0xb8;
	[tilespmem:$0x1C400] =	vst v63  }
0xd2: {  	_ =	swait.ge [sflag:s12], $0x4000  }
0xd3: {  	[sflag:s12] =	ssyncset.done $0x0  }
0xd4: {  	[sflag:s12] =	ssyncadd.s32 $0xFFFFC000  }
0xd5: {  	[tilespmem:s11], [sflag:$0x5] =	stream.indirect.gather [hbm4b:s1+s14], $0x80, s19, s14, $0xb8;
	[tilespmem:$0x1C400] =	vst v63  }
0xd6: {  	s30 =	simm.s32 $0x140  }
0xd7: {  	[tilespmem:s15], [sflag:$0x6] =	stream.indirect.gather [hbm4b:s1+s14], $0x80, s30, s14, $0xb8;
	[tilespmem:$0x1C400] =	vst v63  }
0xd8: {  	_ =	swait.ge [sflag:s31], $0x2000  }
0xd9: {  	[sflag:s31] =	ssyncset.done $0x0  }
0xda: {  	[sflag:s31] =	ssyncadd.s32 $0xFFFFE000  }
0xdb: {  	_ =	swait.ge [sflag:s2], $0x2000  }
0xdc: {  	[sflag:s2] =	ssyncset.done $0x0  }
0xdd: {  	s17 =	simm.s32 $0x280;
	[sflag:s2] =	ssyncadd.s32 $0xFFFFE000  }
0xde: {  	[spmem:s3] =	stream.indirect.scatter.add.f32 [tilespmem:s16], [sflag:$0x9], $0x80, s17, s10, $0xb8;
	[tilespmem:$0x1C400] =	vst v63  }
0xdf: {  	_ =	swait.ge [sflag:s12], $0x4000  }
0xe0: {  	[sflag:s12] =	ssyncset.done $0x0  }
0xe1: {  	s22 =	simm.s32 $0x180;
	[sflag:s12] =	ssyncadd.s32 $0xFFFFC000  }
0xe2: {  	[tilespmem:s16], [sflag:$0x7] =	stream.indirect.gather [hbm4b:s1+s14], $0x80, s22, s14, $0xb8;
	[tilespmem:$0x1C400] =	vst v63  }
0xe3: {  	_ = 	snop  }
0xe4: {  	[tilespmem:s18], [sflag:$0x8] =	stream.indirect.gather [hbm4b:s1+s14], $0x80, s8, s14, $0xb8;
	[tilespmem:$0x1C400] =	vst v63  }
0xe5: {  	_ =	swait.ge [sflag:s28], $0x2000  }
0xe6: {  	[sflag:s28] =	ssyncset.done $0x0  }
0xe7: {  	[sflag:s28] =	ssyncadd.s32 $0xFFFFE000  }
0xe8: {  	_ =	swait.ge [sflag:s29], $0x2000  }
0xe9: {  	[sflag:s29] =	ssyncset.done $0x0  }
0xea: {  	[sflag:s29] =	ssyncadd.s32 $0xFFFFE000  }
0xeb: {  	[spmem:s3] =	stream.indirect.scatter.add.f32 [tilespmem:s11], [sflag:$0x9], $0x80, s21, s10, $0xb8;
	[tilespmem:$0x1C400] =	vst v63  }
0xec: {  	_ =	swait.ge [sflag:s12], $0x4000  }
0xed: {  	[sflag:s12] =	ssyncset.done $0x0  }
0xee: {  	[sflag:s12] =	ssyncadd.s32 $0xFFFFC000  }
0xef: {  	_ =	swait.ge [sflag:s31], $0x2000  }
0xf0: {  	[sflag:s31] =	ssyncset.done $0x0  }
0xf1: {  	[sflag:s31] =	ssyncadd.s32 $0xFFFFE000  }
0xf2: {  	_ =	swait.ge [sflag:s2], $0x2000  }
0xf3: {  	[sflag:s2] =	ssyncset.done $0x0  }
0xf4: {  	[sflag:s2] =	ssyncadd.s32 $0xFFFFE000  }
0xf5: {  	[spmem:s3] =	stream.indirect.scatter.add.f32 [tilespmem:s16], [sflag:$0x9], $0x80, s24, s10, $0xb8;
	[tilespmem:$0x1C400] =	vst v63  }
0xf6: {  	_ =	swait.ge [sflag:s12], $0x4000  }
0xf7: {  	[sflag:s12] =	ssyncset.done $0x0  }
0xf8: {  	[sflag:s12] =	ssyncadd.s32 $0xFFFFC000  }
0xf9: {  	[bflag:$0x0] =	sbarrier.arrive $0xFFFF  }
0xfa: {  	s17 =	rddreg [dreg:$0x8]  }
0xfb: {  	s22 =	rddreg [dreg:$0x9]  }
0xfc: {  	s23 =	rddreg [dreg:$0xa]  }
0xfd: {  	[hbm:s23], [sflag:s17] =	dma.local [spmem:s22], $0x2800  }
0xfe: {  	_ =	swait.ge [sflag:s12], $0x2800  }
0xff: {  	s23 =	rddreg [dreg:$0xb]  }
0x100: {  	s30 =	rddreg [dreg:$0x6];
	s23 =	sadd.s32 $0x1, s23  }
0x101: {  	p0 =	sne.s32 s23, s30  }
.Ltmp1:
0x102: {  	_ = 	snop;
	(pc) =	sbr.rel @p0 .LBB2_1-.Ltmp1, $3  }
0x103: {  	_ =	sdelay $0x1  }
0x104: {  	[sflag:s12] =	ssyncset.done $0x0  }
0x105: {  	[sflag:s12] =	ssyncadd.s32 $0xFFFFD800  }
0x106: {  	_ =	sfence.sel $0x180000  }
0x107: {  	[bflag:$0x0] =	sbarrier.arrive $0xFFFF  }
0x108: {  	_ =	strace $0x9000004A  }
0x109: {  	s0 =	stileid.u32;
	[bflag:$0x2] =	sbarrier.arrive $0xFFFF  }
0x10a: {  	p0 =	sne.s32 s0, $0x0;
	s0 =	rddreg [dreg:$0x3]  }
0x10b: {  	s0 =	sadd.s32 @!p0 $0x100000, s0  }
0x10c: {  	[sflag:s0] =	ssyncadd.tile.s32 @!p0 $0x1;
	_ =	shalt  }
.Lfunc_end2:
_tile_overlayer_lowered:
.L_overlay_start_2:
0x10d: {  	(tag) =	ssettag $0x2  }
0x10e: {  	s0 =	rddreg [dreg:$0x0];
	s2 =	stileid.u32  }
0x10f: {  	s1 =	rddreg [dreg:$0x1];
	p0 =	sne.s32 s2, $0x0  }
0x110: {  	s3 =	rddreg [dreg:$0x2];
	[bflag:$0x3] =	sbarrier.arrive $0xFFFF;
	s2 =	simm.s32 @!p0 $0x1C09  }
0x111: {  	[timem:s3], [sflag:s2] =	dma.local @!p0 [hbm:s0], s1  }
0x112: {  	s0 =	simm.s32 @!p0 $0x9  }
0x113: {  	_ =	swait.ge @!p0 [sflag:s0], s1  }
0x114: {  	s1 =	ssub.s32 @!p0 $0x0, s1;
	[sflag:s0] =	ssyncset.done @!p0 $0x0  }
0x115: {  	[sflag:s0] =	ssyncadd.s32 @!p0 s1  }
0x116: {  	[bflag:$0x3] =	sbarrier.arrive $0xFFFF  }
0x117: {  	_ =	shalt  }

// kernel: kernel.15.cloned.1.call-start
scs
__scs_entry_jumppad:
0x0: {  	(pc) =	sbr.rel $0x88, $3  }
0x1: {  	(tag) =	ssettag $0x0;
	lr =	simm.s32 $0x1  }
0x2: {  	[smem:$0x3F97] =	sst lr;
	_ =	strace $0xD0000000  }
0x3: {  	_ = 	snop  }
0x4: {  	_ = 	snop  }
0x5: {  	_ = 	snop  }
0x6: {  	_ = 	snop  }
0x7: {  	_ = 	snop  }
__scs_overlays_trampoline_lowered:
0x8: {  	[smem:$0x3FA6] =	sst s0  }
0x9: {  	[smem:$0x3FA7] =	sst s1  }
0xa: {  	[smem:$0x3FA8] =	sst s2  }
0xb: {  	[smem:$0x3FA9] =	sst s3  }
0xc: {  	[smem:$0x3FAA] =	sst s4  }
0xd: {  	[smem:$0x3FAB] =	sst s5  }
0xe: {  	[smem:$0x3FAC] =	sst s6  }
0xf: {  	[smem:$0x3FAD] =	sst s7  }
0x10: {  	[smem:$0x3FAE] =	sst s8  }
0x11: {  	[smem:$0x3FAF] =	sst s9;
	s0 =	simm.s32 @!p0 $0x0  }
0x12: {  	s1 =	sld [smem:$0x3F95];
	s0 =	simm.s32 @p0 $0x1  }
0x13: {  	[smem:$0x3FB0] =	sst s0;
	s0 =	simm.s32 @!p1 $0x0  }
0x14: {  	s2 =	sld [smem:$0x3F94];
	s0 =	simm.s32 @p1 $0x1  }
0x15: {  	[smem:$0x3FB1] =	sst s0;
	s0 =	simm.s32 @!p2 $0x0  }
0x16: {  	s3 =	sld [smem:$0x3FDB];
	s0 =	simm.s32 @p2 $0x1  }
0x17: {  	s4 =	simm.s32 $0x1BF5;
	[smem:$0x3FB3] =	sst s0  }
0x18: {  	s0 =	sld [smem:$0x3F96];
	_ =	swait.ge [sflag:s4], $0x0  }
0x19: {  	s7 =	sld [smem:$0x3F97]  }
0x1a: {  	s8 =	sadd.s32 $0xFFFFE003, lr  }
0x1b: {  	s9 =	sadd.s32 $0xFFFFFEF7, lr;
	s5 =	simm.s32 $0xFFFFFFFF;
	p2 =	slt.u32 s8, $0xFFFFF086  }
0x1c: {  	p1 =	slt.u32 s9, $0xF7A;
	s5 =	simm.s32 @!p2 $0x0  }
0x1d: {  	s5 =	simm.s32 @p1 $0x1;
	p0 =	seq.s32 s7, s2  }
0x1e: {  	s7 =	smul.u32 @!p0 $0xF7A, s2;
	p2 =	seq.s32 @!p0 s5, $0x0  }
0x1f: {  	s9 =	smul.u32 $0xF7A, s1;
	s8 =	simm.s32 @!p0 $0x1BF5;
	p2 =	por !p2, p0  }
0x20: {  	[sflag:s8] =	ssyncset.s32 @!p0 $0xFFFFF086;
	s6 =	sadd.s32 @!p0 s3, s7;
	s7 =	simm.s32 @!p0 $0x108  }
0x21: {  	s3 =	sadd.s32 s3, s9;
	s6 =	sadd.s32 @!p0 $0x88, s6;
	s7 =	simm.s32 @p2 $0x1082  }
0x22: {  	[simem:s7], [sflag:s8] =	dma.local @!p0 [hbm:s6], $0xF7A  }
0x23: {  	s9 =	sor.u32 $0xD0000000, s2;
	s6 =	simm.s32 $0x108;
	_ =	swait.ge @!p0 [sflag:s8], $0x0  }
0x24: {  	s3 =	sadd.s32 $0x88, s3;
	s6 =	simm.s32 @!p1 $0x1082;
	[sflag:s4] =	ssyncset.s32 $0xFFFFF086  }
0x25: {  	[simem:s6], [sflag:s4] =	dma.local [hbm:s3], $0xF7A  }
0x26: {  	[smem:$0x3F97] =	sst s1;
	(tag) =	ssettag s2;
	_ =	strace s9  }
0x27: {  	s1 =	sld [smem:$0x3FA7]  }
0x28: {  	s2 =	sld [smem:$0x3FA8]  }
0x29: {  	s4 =	sld [smem:$0x3FAA]  }
0x2a: {  	p0 =	seq.s32 s5, $0x0;
	s5 =	sld [smem:$0x3FAB]  }
0x2b: {  	s6 =	sld [smem:$0x3FAC]  }
0x2c: {  	s7 =	sld [smem:$0x3FAD]  }
0x2d: {  	s3 =	simm.s32 $0x108;
	s8 =	sld [smem:$0x3FAE]  }
0x2e: {  	s3 =	simm.s32 @!p0 $0x1082;
	s9 =	sld [smem:$0x3FAF]  }
0x2f: {  	lr =	sadd.s32 s0, s3;
	s0 =	sld [smem:$0x3FA6]  }
0x30: {  	s3 =	sld [smem:$0x3FA9]  }
0x31: {  	[smem:$0x3FB2] =	sst s10  }
0x32: {  	s10 =	sld [smem:$0x3FB0];
	_ =	sdelay $0x3  }
0x33: {  	p0 =	seq.s32 s10, $0x1;
	s10 =	sld [smem:$0x3FB2];
	_ =	sdelay $0x3  }
0x34: {  	[smem:$0x3FB2] =	sst s10  }
0x35: {  	s10 =	sld [smem:$0x3FB1];
	_ =	sdelay $0x3  }
0x36: {  	p1 =	seq.s32 s10, $0x1;
	s10 =	sld [smem:$0x3FB2];
	_ =	sdelay $0x3  }
0x37: {  	[smem:$0x3FB2] =	sst s10  }
0x38: {  	s10 =	sld [smem:$0x3FB3]  }
0x39: {  	_ = 	snop;
	(pc) =	sbr.ind lr, $3  }
0x3a: {  	_ = 	snop  }
0x3b: {  	_ = 	snop  }
0x3c: {  	p2 =	seq.s32 s10, $0x1;
	s10 =	sld [smem:$0x3FB2]  }
0x3d: {  	_ =	shalt  }
0x3e: {  	_ =	shalt  }
0x3f: {  	_ =	shalt  }
0x40: {  	_ =	shalt  }
0x41: {  	_ =	shalt  }
0x42: {  	_ =	shalt  }
0x43: {  	_ =	shalt  }
0x44: {  	_ =	shalt  }
0x45: {  	_ =	shalt  }
0x46: {  	_ =	shalt  }
0x47: {  	_ =	shalt  }
0x48: {  	_ =	shalt  }
0x49: {  	_ =	shalt  }
0x4a: {  	_ =	shalt  }
0x4b: {  	_ =	shalt  }
0x4c: {  	_ =	shalt  }
0x4d: {  	_ =	shalt  }
0x4e: {  	_ =	shalt  }
0x4f: {  	_ =	shalt  }
0x50: {  	_ =	shalt  }
0x51: {  	_ =	shalt  }
0x52: {  	_ =	shalt  }
0x53: {  	_ =	shalt  }
0x54: {  	_ =	shalt  }
0x55: {  	_ =	shalt  }
0x56: {  	_ =	shalt  }
0x57: {  	_ =	shalt  }
0x58: {  	_ =	shalt  }
0x59: {  	_ =	shalt  }
0x5a: {  	_ =	shalt  }
0x5b: {  	_ =	shalt  }
0x5c: {  	_ =	shalt  }
0x5d: {  	_ =	shalt  }
0x5e: {  	_ =	shalt  }
0x5f: {  	_ =	shalt  }
0x60: {  	_ =	shalt  }
0x61: {  	_ =	shalt  }
0x62: {  	_ =	shalt  }
0x63: {  	_ =	shalt  }
0x64: {  	_ =	shalt  }
0x65: {  	_ =	shalt  }
0x66: {  	_ =	shalt  }
0x67: {  	_ =	shalt  }
0x68: {  	_ =	shalt  }
0x69: {  	_ =	shalt  }
0x6a: {  	_ =	shalt  }
0x6b: {  	_ =	shalt  }
0x6c: {  	_ =	shalt  }
0x6d: {  	_ =	shalt  }
0x6e: {  	_ =	shalt  }
0x6f: {  	_ =	shalt  }
0x70: {  	_ =	shalt  }
0x71: {  	_ =	shalt  }
0x72: {  	_ =	shalt  }
0x73: {  	_ =	shalt  }
0x74: {  	_ =	shalt  }
0x75: {  	_ =	shalt  }
0x76: {  	_ =	shalt  }
0x77: {  	_ =	shalt  }
0x78: {  	_ =	shalt  }
0x79: {  	_ =	shalt  }
0x7a: {  	_ =	shalt  }
0x7b: {  	_ =	shalt  }
0x7c: {  	_ =	shalt  }
0x7d: {  	_ =	shalt  }
0x7e: {  	_ =	shalt  }
0x7f: {  	_ =	shalt  }
0x80: {  	_ =	shalt  }
0x81: {  	_ =	shalt  }
0x82: {  	_ =	shalt  }
0x83: {  	_ =	shalt  }
0x84: {  	_ =	shalt  }
0x85: {  	_ =	shalt  }
0x86: {  	_ =	shalt  }
0x87: {  	_ =	shalt  }
.Lfunc_end0:
.L_simem_size_0:
called_computation.2_lowered:
.L_overlay_start_0:
0x88: {  	s2 =	sld [smem:$0x3FD9]  }
0x89: {  	s3 =	sld [smem:$0x3FFE];
	_ =	sdelay $0x1  }
0x8a: {  	s1 =	srdreg.scid  }
0x8b: {  	s0 =	sand.u32 $0x1, s1  }
0x8c: {  	s17 =	sshll.u32 s0, $0xA;
	s2 =	sadd.s32 s3, s2  }
0x8d: {  	s2 =	sadd.s32 s2, s17  }
0x8e: {  	[smem:$0x3FBE] =	sst s2  }
0x8f: {  	_ = 	snop  }
0x90: {  	s2 =	sld [smem:$0x3FD0];
	(tm) =	ssettm $0x1  }
0x91: {  	s18 =	sld [smem:$0x3FFB];
	_ =	sdelay $0x3  }
0x92: {  	_ =	strace s18  }
0x93: {  	s3 =	sld [smem:$0x3FFC];
	_ =	sdelay $0x3  }
0x94: {  	_ =	strace s3  }
0x95: {  	s3 =	sld [smem:$0x3FFD];
	_ =	sdelay $0x3  }
0x96: {  	_ =	strace s3  }
0x97: {  	_ =	strace $0x8FFFFFFF  }
0x98: {  	s19 =	sld [smem:$0x3FDB];
	_ =	sdelay $0x1  }
0x99: {  	s4 =	simm.s32 $_scs_section_size  }
0x9a: {  	s5 =	simm.s32 $_size__tile_overlayer_lowered;
	s6 =	simm.s32 $_tile_overlayer_lowered  }
0x9b: {  	s22 =	simm.s32 $0x1BFF;
	s21 =	sshll.u32 s6, $0x1;
	s3 =	sadd.s32 s4, s19  }
0x9c: {  	s7 =	simm.s32 $0x0;
	s20 =	sshll.u32 s5, $0x1;
	s5 =	sadd.s32 s21, s3  }
0x9d: {  	[timem:s7], [sflag:s22] =	dma.local [hbm:s5], s20  }
0x9e: {  	_ =	swait.ge [sflag:s22], s20  }
0x9f: {  	s4 =	ssub.s32 $0x0, s20;
	[sflag:s22] =	ssyncset.done $0x0  }
0xa0: {  	[sflag:s22] =	ssyncadd.s32 s4;
	_ =	sdelay $0x1  }
0xa1: {  	s23 =	simm.s32 $0x1B8B  }
0xa2: {  	_ =	swait.ge [sflag:s23], $0x1  }
0xa3: {  	[sflag:s23] =	ssyncset.done $0x0  }
0xa4: {  	s25 =	simm.s32 $0x1B8E;
	s24 =	sld [smem:$0x3FFE];
	[sflag:s23] =	ssyncadd.s32 $0xFFFFFFFF  }
0xa5: {  	s26 =	simm.s32 $execute0_lowered;
	[smem:$0x3FD2] =	sst s25  }
0xa6: {  	s5 =	sshll.u32 s26, $0x1;
	_ =	strace $0x8000004C;
	[dreg:$0x1] =	wrdreg $0xFFFFFFFF  }
0xa7: {  	s28 =	simm.s32 $_size_execute0_lowered;
	s3 =	sadd.s32 s3, s5;
	[dreg:$0x0] =	wrdreg $0x0  }
0xa8: {  	s5 =	sshll.u32 s28, $0x1;
	[dreg:$0x2] =	wrdreg s3  }
0xa9: {  	[dreg:$0x3] =	wrdreg s5  }
0xaa: {  	[dreg:$0x4] =	wrdreg $0xC0  }
0xab: {  	_ =	task [dreg:s7], $0x5FFFF  }
0xac: {  	[dreg:$0x1] =	wrdreg $0xFFFFFFFF  }
0xad: {  	[dreg:$0x0] =	wrdreg $0x60  }
0xae: {  	[dreg:$0x2] =	wrdreg s2  }
0xaf: {  	[dreg:$0x3] =	wrdreg s24  }
0xb0: {  	[dreg:$0x4] =	wrdreg $0x84000  }
0xb1: {  	[dreg:$0x5] =	wrdreg $0x9  }
0xb2: {  	_ =	task.clear_ibuf [dreg:s7], $0x6FFFF;
	_ =	strace $0x9000004C  }
0xb3: {  	s29 =	simm.s32 $0x9;
	_ =	strace $0x8000004E  }
0xb4: {  	_ =	swait.ge [sflag:s29], $0x1  }
0xb5: {  	[sflag:s29] =	ssyncadd.s32 $0xFFFFFFFF  }
0xb6: {  	_ =	strace $0x9000004E  }
0xb7: {  	_ =	sfence  }
0xb8: {  	s30 =	sld [smem:$0x0];
	_ =	sdelay $0x2  }
0xb9: {  	s31 =	sshll.u32 s1, $0xD;
	s1 =	sshrl.u32 s1, $0x2  }
0xba: {  	s3 =	sand.u32 $0x4000, s31;
	s1 =	sadd.s32 s1, s30  }
0xbb: {  	s0 =	sor.u32 s3, s0;
	s1 =	sshll.u32 s1, $0x11  }
0xbc: {  	s0 =	sor.u32 s1, s0  }
0xbd: {  	s0 =	sadd.s32 $0x8F2B, s0  }
0xbe: {  	[sflag:s0] =	ssyncadd.remote.s32 $0x1  }
0xbf: {  	_ =	sfence.sel $0xFFFF  }
0xc0: {  	[dreg:$0x0] =	wrdreg $0xFFFFFFFF;
	(pc) =	sbr.abs _section_cstart, $3  }
0xc1: {  	[dreg:$0x1] =	wrdreg $0xFFFFFFFF  }
0xc2: {  	_ =	task.clear_ibuf [dreg:s7], $0x2FFFF;
	_ =	strace $0x9FFFFFFF  }
0xc3: {  	(tm) =	ssettm $0x7FFFFFFF  }
tec
execute0_lowered:
.L_overlay_start_1:
0x0: {  	(tag) =	ssettag $0x1  }
0x1: {  	s1 =	rddreg [dreg:$0x0]  }
0x2: {  	s0 =	srdreg.scid;
	s2 =	rddreg [dreg:$0x1]  }
0x3: {  	s17 =	stileid.u32;
	s3 =	rddreg [dreg:$0x2];
	s11 =	simm.s32 $0x400  }
0x4: {  	s12 =	simm.s32 $0x9;
	s13 =	simm.s32 $0x200;
	s14 =	simm.s32 $0x40  }
0x5: {  	s15 =	simm.s32 $0x2400;
	s16 =	simm.s32 $0x4400;
	s18 =	simm.s32 $0x6400  }
0x6: {  	s19 =	simm.s32 $0x100;
	s21 =	simm.s32 $0x300;
	s28 =	simm.s32 $0x5  }
0x7: {  	s29 =	simm.s32 $0x6;
	s31 =	simm.s32 $0x7;
	s7 =	smul.u32 $0x2800, s17  }
0x8: {  	s20 =	simm.s32 $0x3;
	s0 =	sand.u32 $0x1, s0;
	s9 =	smul.u32 $0x50000, s17  }
0x9: {  	s26 =	sshll.u32 s17, $0x6;
	s4 =	sshll.u32 s0, $0x4;
	s6 =	smul.u32 $0x28000, s0  }
0xa: {  	s0 =	ssub.s32 $0x2, s0;
	s5 =	sor.u32 s17, s4;
	s4 =	simm.s32 $0x0  }
0xb: {  	s10 =	sadd.s32 s7, s2;
	s22 =	sshrl.u32 s0, $0x1;
	s9 =	sshrl.u32 s9, $0x2  }
0xc: {  	s17 =	sor.u32 $0x1C09, s26;
	s26 =	simm.s32 $0x4;
	s5 =	smul.u32 $0x500, s5  }
0xd: {  	[smem:$0x7FF] =	sst s4;
	s0 =	ssub.s32 s0, s22;
	s23 =	sadd.s32 s9, s3  }
0xe: {  	s24 =	sadd.s32 $0x17600, s10;
	s10 =	simm.s32 $0x80;
	s9 =	simm.s32 $0x1  }
0xf: {  	_ =	strace $0x8000004D;
	[dreg:$0x5] =	wrdreg s24;
	s0 =	smax.u32 s0, $0x1  }
0x10: {  	s22 =	sshrl.u32 s23, $0x3;
	s24 =	simm.s32 $0x380;
	[dreg:$0x8] =	wrdreg s17  }
0x11: {  	s23 =	simm.s32 $0x0;
	s8 =	sadd.s32 s5, s2;
	[dreg:$0x6] =	wrdreg s0  }
0x12: {  	s2 =	sadd.s32 s6, s2;
	[dreg:$0x9] =	wrdreg s22;
	s5 =	sadd.s32 $0xD600, s8  }
0x13: {  	s6 =	sadd.s32 $0x3600, s8;
	s8 =	sadd.s32 $0xD610, s8;
	s2 =	sadd.s32 $0x3F600, s2  }
0x14: {  	[dreg:$0x4] =	wrdreg s8;
	s25 =	sadd.s32 $0x20, s6;
	s30 =	sadd.s32 s7, s2  }
0x15: {  	s7 =	simm.s32 $0xC0;
	s2 =	simm.s32 $0x8;
	[dreg:$0x7] =	wrdreg s25  }
0x16: {  	s8 =	simm.s32 $0x1C0;
	[dreg:$0xa] =	wrdreg s30;
	s25 =	simm.s32 $0x2  }
.LBB2_1:
0x17: {  	[dreg:$0xb] =	wrdreg s23  }
0x18: {  	[tilespmem:s4], [sflag:$0x9] =	stream.strided.gather [hbm4b:s5+s10], $0x100, s11, s10, $0x38;
	[tilespmem:$0x1C400] =	vst v63  }
0x19: {  	_ =	swait.ge [sflag:s12], $0x100  }
0x1a: {  	[sflag:s12] =	ssyncset.done $0x0  }
0x1b: {  	[sflag:s12] =	ssyncadd.s32 $0xFFFFFF00  }
0x1c: {  	[tilespmem:s13], [sflag:$0x9] =	stream.linear.gather [hbm4b:s6+s4], $0x100, $0x38;
	[tilespmem:$0x1C400] =	vst v63  }
0x1d: {  	_ =	swait.ge [sflag:s12], $0x100  }
0x1e: {  	[sflag:s12] =	ssyncset.done $0x0  }
0x1f: {  	[sflag:s12] =	ssyncadd.s32 $0xFFFFFF00  }
0x20: {  	[tilespmem:s11], [sflag:$0x5] =	stream.indirect.gather [hbm4b:s1+s14], $0x80, s4, s14, $0xb8;
	[tilespmem:$0x1C400] =	vst v63  }
0x21: {  	_ = 	snop  }
0x22: {  	[tilespmem:s15], [sflag:$0x6] =	stream.indirect.gather [hbm4b:s1+s14], $0x80, s14, s14, $0xb8;
	[tilespmem:$0x1C400] =	vst v63  }
0x23: {  	_ = 	snop  }
0x24: {  	[tilespmem:s16], [sflag:$0x7] =	stream.indirect.gather [hbm4b:s1+s14], $0x80, s10, s14, $0xb8;
	[tilespmem:$0x1C400] =	vst v63  }
0x25: {  	_ = 	snop  }
0x26: {  	[tilespmem:s18], [sflag:$0x8] =	stream.indirect.gather [hbm4b:s1+s14], $0x80, s7, s14, $0xb8;
	[tilespmem:$0x1C400] =	vst v63  }
0x27: {  	s0 =	rddreg [dreg:$0x4]  }
0x28: {  	[tilespmem:s19], [sflag:$0x2] =	stream.strided.gather [hbm4b:s0+s10], $0x100, s11, s10, $0x38;
	[tilespmem:$0x1C400] =	vst v63  }
0x29: {  	s23 =	rddreg [dreg:$0x7]  }
0x2a: {  	[tilespmem:s21], [sflag:$0x4] =	stream.linear.gather [hbm4b:s23+s4], $0x100, $0x38;
	[tilespmem:$0x1C400] =	vst v63  }
0x2b: {  	s23 =	rddreg [dreg:$0x5]  }
0x2c: {  	[spmem:s22], [sflag:s17] =	dma.local [hbm:s23], $0x2800  }
0x2d: {  	_ =	swait.ge [sflag:s12], $0x2800  }
0x2e: {  	[sflag:s12] =	ssyncset.done $0x0  }
0x2f: {  	[sflag:s12] =	ssyncadd.s32 $0xFFFFD800  }
0x30: {  	[bflag:$0x0] =	sbarrier.arrive $0xFFFF  }
0x31: {  	_ =	swait.ge [sflag:s25], $0x100  }
0x32: {  	[sflag:s25] =	ssyncset.done $0x0  }
0x33: {  	[sflag:s25] =	ssyncadd.s32 $0xFFFFFF00  }
0x34: {  	_ =	swait.ge [sflag:s26], $0x100  }
0x35: {  	[sflag:s26] =	ssyncset.done $0x0  }
0x36: {  	[sflag:s26] =	ssyncadd.s32 $0xFFFFFF00  }
0x37: {  	_ =	swait.ge [sflag:s28], $0x2000  }
0x38: {  	[sflag:s28] =	ssyncset.done $0x0  }
0x39: {  	[sflag:s28] =	ssyncadd.s32 $0xFFFFE000  }
0x3a: {  	_ =	swait.ge [sflag:s29], $0x2000  }
0x3b: {  	[sflag:s29] =	ssyncset.done $0x0  }
0x3c: {  	[sflag:s29] =	ssyncadd.s32 $0xFFFFE000  }
0x3d: {  	[spmem:s3] =	stream.indirect.scatter.add.f32 [tilespmem:s11], [sflag:$0x9], $0x80, s13, s10, $0xb8;
	[tilespmem:$0x1C400] =	vst v63  }
0x3e: {  	_ =	swait.ge [sflag:s12], $0x4000  }
0x3f: {  	[sflag:s12] =	ssyncset.done $0x0  }
0x40: {  	[sflag:s12] =	ssyncadd.s32 $0xFFFFC000  }
0x41: {  	[tilespmem:s11], [sflag:$0x5] =	stream.indirect.gather [hbm4b:s1+s14], $0x80, s19, s14, $0xb8;
	[tilespmem:$0x1C400] =	vst v63  }
0x42: {  	s23 =	simm.s32 $0x140  }
0x43: {  	[tilespmem:s15], [sflag:$0x6] =	stream.indirect.gather [hbm4b:s1+s14], $0x80, s23, s14, $0xb8;
	[tilespmem:$0x1C400] =	vst v63  }
0x44: {  	_ =	swait.ge [sflag:s31], $0x2000  }
0x45: {  	[sflag:s31] =	ssyncset.done $0x0  }
0x46: {  	[sflag:s31] =	ssyncadd.s32 $0xFFFFE000  }
0x47: {  	_ =	swait.ge [sflag:s2], $0x2000  }
0x48: {  	[sflag:s2] =	ssyncset.done $0x0  }
0x49: {  	s17 =	simm.s32 $0x280;
	[sflag:s2] =	ssyncadd.s32 $0xFFFFE000  }
0x4a: {  	[spmem:s3] =	stream.indirect.scatter.add.f32 [tilespmem:s16], [sflag:$0x9], $0x80, s17, s10, $0xb8;
	[tilespmem:$0x1C400] =	vst v63  }
0x4b: {  	s22 =	simm.s32 $0x20;
	_ =	swait.ge [sflag:s12], $0x4000  }
0x4c: {  	s0 =	sand.u32 $0x60, s22;
	[sflag:s12] =	ssyncset.done $0x0  }
0x4d: {  	s23 =	simm.s32 $0x180;
	s17 =	simm.s32 $0x40;
	[sflag:s12] =	ssyncadd.s32 $0xFFFFC000  }
0x4e: {  	[tilespmem:s16], [sflag:$0x7] =	stream.indirect.gather [hbm4b:s1+s14], $0x80, s23, s14, $0xb8;
	[tilespmem:$0x1C400] =	vst v63  }
0x4f: {  	s0 =	sadd.s32 s5, s0;
	s17 =	sand.u32 $0xF00, s17  }
0x50: {  	[tilespmem:s18], [sflag:$0x8] =	stream.indirect.gather [hbm4b:s1+s14], $0x80, s8, s14, $0xb8;
	[tilespmem:$0x1C400] =	vst v63  }
0x51: {  	s30 =	sadd.s32 $0xFFFFFB40, s6;
	s0 =	sadd.s32 s17, s0  }
0x52: {  	[tilespmem:s4], [sflag:$0x1] =	stream.strided.gather [hbm4b:s0+s10], $0x100, s11, s10, $0x38;
	[tilespmem:$0x1C400] =	vst v63  }
0x53: {  	s23 =	sadd.s32 $0x500, s30  }
0x54: {  	[tilespmem:s13], [sflag:$0x3] =	stream.linear.gather [hbm4b:s23+s4], $0x100, $0x38;
	[tilespmem:$0x1C400] =	vst v63  }
0x55: {  	_ =	swait.ge [sflag:s9], $0x100  }
0x56: {  	[sflag:s9] =	ssyncset.done $0x0  }
0x57: {  	[sflag:s9] =	ssyncadd.s32 $0xFFFFFF00  }
0x58: {  	_ =	swait.ge [sflag:s20], $0x100  }
0x59: {  	[sflag:s20] =	ssyncset.done $0x0  }
0x5a: {  	[sflag:s20] =	ssyncadd.s32 $0xFFFFFF00  }
0x5b: {  	_ =	swait.ge [sflag:s28], $0x2000  }
0x5c: {  	[sflag:s28] =	ssyncset.done $0x0  }
0x5d: {  	[sflag:s28] =	ssyncadd.s32 $0xFFFFE000  }
0x5e: {  	_ =	swait.ge [sflag:s29], $0x2000  }
0x5f: {  	[sflag:s29] =	ssyncset.done $0x0  }
0x60: {  	[sflag:s29] =	ssyncadd.s32 $0xFFFFE000  }
0x61: {  	[spmem:s3] =	stream.indirect.scatter.add.f32 [tilespmem:s11], [sflag:$0x9], $0x80, s21, s10, $0xb8;
	[tilespmem:$0x1C400] =	vst v63  }
0x62: {  	_ =	swait.ge [sflag:s12], $0x4000  }
0x63: {  	[sflag:s12] =	ssyncset.done $0x0  }
0x64: {  	[sflag:s12] =	ssyncadd.s32 $0xFFFFC000  }
0x65: {  	[tilespmem:s11], [sflag:$0x5] =	stream.indirect.gather [hbm4b:s1+s14], $0x80, s4, s14, $0xb8;
	[tilespmem:$0x1C400] =	vst v63  }
0x66: {  	_ = 	snop  }
0x67: {  	[tilespmem:s15], [sflag:$0x6] =	stream.indirect.gather [hbm4b:s1+s14], $0x80, s14, s14, $0xb8;
	[tilespmem:$0x1C400] =	vst v63  }
0x68: {  	_ =	swait.ge [sflag:s31], $0x2000  }
0x69: {  	[sflag:s31] =	ssyncset.done $0x0  }
0x6a: {  	[sflag:s31] =	ssyncadd.s32 $0xFFFFE000  }
0x6b: {  	_ =	swait.ge [sflag:s2], $0x2000  }
0x6c: {  	[sflag:s2] =	ssyncset.done $0x0  }
0x6d: {  	[sflag:s2] =	ssyncadd.s32 $0xFFFFE000  }
0x6e: {  	[spmem:s3] =	stream.indirect.scatter.add.f32 [tilespmem:s16], [sflag:$0x9], $0x80, s24, s10, $0xb8;
	[tilespmem:$0x1C400] =	vst v63  }
0x6f: {  	_ =	swait.ge [sflag:s12], $0x4000  }
0x70: {  	[sflag:s12] =	ssyncset.done $0x0  }
0x71: {  	[sflag:s12] =	ssyncadd.s32 $0xFFFFC000  }
0x72: {  	[tilespmem:s16], [sflag:$0x7] =	stream.indirect.gather [hbm4b:s1+s14], $0x80, s10, s14, $0xb8;
	[tilespmem:$0x1C400] =	vst v63  }
0x73: {  	s23 =	simm.s32 $0x30  }
0x74: {  	[tilespmem:s18], [sflag:$0x8] =	stream.indirect.gather [hbm4b:s1+s14], $0x80, s7, s14, $0xb8;
	[tilespmem:$0x1C400] =	vst v63  }
0x75: {  	s0 =	simm.s32 $0x60;
	s7 =	sand.u32 $0x70, s23  }
0x76: {  	s22 =	simm.s32 $0xFFFFFB80;
	s17 =	sand.u32 $0xF00, s0;
	s0 =	sadd.s32 s5, s7  }
.LBB2_2:
0x77: {  	p0 =	sne.s32 s22, $0xFFFFFFC0;
	s0 =	sadd.s32 s17, s0;
	s23 =	sadd.s32 $0x20, s23  }
0x78: {  	[tilespmem:s19], [sflag:$0x2] =	stream.strided.gather [hbm4b:s0+s10], $0x100, s11, s10, $0x38;
	[tilespmem:$0x1C400] =	vst v63  }
0x79: {  	s17 =	smov.u32 s22;
	s22 =	sadd.s32 $0x40, s22;
	s0 =	sadd.s32 $0x520, s30  }
0x7a: {  	[tilespmem:s21], [sflag:$0x4] =	stream.linear.gather [hbm4b:s0+s4], $0x100, $0x38;
	[tilespmem:$0x1C400] =	vst v63  }
0x7b: {  	_ =	swait.ge [sflag:s25], $0x100  }
0x7c: {  	[sflag:s25] =	ssyncset.done $0x0  }
0x7d: {  	[sflag:s25] =	ssyncadd.s32 $0xFFFFFF00  }
0x7e: {  	_ =	swait.ge [sflag:s26], $0x100  }
0x7f: {  	[sflag:s26] =	ssyncset.done $0x0  }
0x80: {  	[sflag:s26] =	ssyncadd.s32 $0xFFFFFF00  }
0x81: {  	_ =	swait.ge [sflag:s28], $0x2000  }
0x82: {  	[sflag:s28] =	ssyncset.done $0x0  }
0x83: {  	[sflag:s28] =	ssyncadd.s32 $0xFFFFE000  }
0x84: {  	_ =	swait.ge [sflag:s29], $0x2000  }
0x85: {  	[sflag:s29] =	ssyncset.done $0x0  }
0x86: {  	[sflag:s29] =	ssyncadd.s32 $0xFFFFE000  }
0x87: {  	[spmem:s3] =	stream.indirect.scatter.add.f32 [tilespmem:s11], [sflag:$0x9], $0x80, s13, s10, $0xb8;
	[tilespmem:$0x1C400] =	vst v63  }
0x88: {  	_ =	swait.ge [sflag:s12], $0x4000  }
0x89: {  	[sflag:s12] =	ssyncset.done $0x0  }
0x8a: {  	[sflag:s12] =	ssyncadd.s32 $0xFFFFC000  }
0x8b: {  	[tilespmem:s11], [sflag:$0x5] =	stream.indirect.gather [hbm4b:s1+s14], $0x80, s19, s14, $0xb8;
	[tilespmem:$0x1C400] =	vst v63  }
0x8c: {  	s0 =	simm.s32 $0x140  }
0x8d: {  	[tilespmem:s15], [sflag:$0x6] =	stream.indirect.gather [hbm4b:s1+s14], $0x80, s0, s14, $0xb8;
	[tilespmem:$0x1C400] =	vst v63  }
0x8e: {  	_ =	swait.ge [sflag:s31], $0x2000  }
0x8f: {  	[sflag:s31] =	ssyncset.done $0x0  }
0x90: {  	[sflag:s31] =	ssyncadd.s32 $0xFFFFE000  }
0x91: {  	_ =	swait.ge [sflag:s2], $0x2000  }
0x92: {  	[sflag:s2] =	ssyncset.done $0x0  }
0x93: {  	s0 =	simm.s32 $0x280;
	[sflag:s2] =	ssyncadd.s32 $0xFFFFE000  }
0x94: {  	[spmem:s3] =	stream.indirect.scatter.add.f32 [tilespmem:s16], [sflag:$0x9], $0x80, s0, s10, $0xb8;
	[tilespmem:$0x1C400] =	vst v63  }
0x95: {  	s0 =	sadd.s32 $0xFFFFFFF0, s23;
	_ =	swait.ge [sflag:s12], $0x4000  }
0x96: {  	s0 =	sand.u32 $0x60, s0;
	[sflag:s12] =	ssyncset.done $0x0  }
0x97: {  	s30 =	sadd.s32 $0x500, s17;
	[sflag:s12] =	ssyncadd.s32 $0xFFFFC000  }
0x98: {  	s7 =	simm.s32 $0x180;
	s30 =	sand.u32 $0xF00, s30;
	s0 =	sadd.s32 s5, s0  }
0x99: {  	[tilespmem:s16], [sflag:$0x7] =	stream.indirect.gather [hbm4b:s1+s14], $0x80, s7, s14, $0xb8;
	[tilespmem:$0x1C400] =	vst v63  }
0x9a: {  	s0 =	sadd.s32 s30, s0;
	s30 =	sadd.s32 s17, s6  }
0x9b: {  	[tilespmem:s18], [sflag:$0x8] =	stream.indirect.gather [hbm4b:s1+s14], $0x80, s8, s14, $0xb8;
	[tilespmem:$0x1C400] =	vst v63  }
0x9c: {  	s7 =	sadd.s32 $0x500, s30  }
0x9d: {  	[tilespmem:s4], [sflag:$0x1] =	stream.strided.gather [hbm4b:s0+s10], $0x100, s11, s10, $0x38;
	[tilespmem:$0x1C400] =	vst v63  }
0x9e: {  	_ = 	snop  }
0x9f: {  	[tilespmem:s13], [sflag:$0x3] =	stream.linear.gather [hbm4b:s7+s4], $0x100, $0x38;
	[tilespmem:$0x1C400] =	vst v63  }
0xa0: {  	s7 =	simm.s32 $0xC0  }
0xa1: {  	_ =	swait.ge [sflag:s9], $0x100  }
0xa2: {  	[sflag:s9] =	ssyncset.done $0x0  }
0xa3: {  	[sflag:s9] =	ssyncadd.s32 $0xFFFFFF00  }
0xa4: {  	_ =	swait.ge [sflag:s20], $0x100  }
0xa5: {  	[sflag:s20] =	ssyncset.done $0x0  }
0xa6: {  	[sflag:s20] =	ssyncadd.s32 $0xFFFFFF00  }
0xa7: {  	_ =	swait.ge [sflag:s28], $0x2000  }
0xa8: {  	[sflag:s28] =	ssyncset.done $0x0  }
0xa9: {  	[sflag:s28] =	ssyncadd.s32 $0xFFFFE000  }
0xaa: {  	_ =	swait.ge [sflag:s29], $0x2000  }
0xab: {  	[sflag:s29] =	ssyncset.done $0x0  }
0xac: {  	[sflag:s29] =	ssyncadd.s32 $0xFFFFE000  }
0xad: {  	[spmem:s3] =	stream.indirect.scatter.add.f32 [tilespmem:s11], [sflag:$0x9], $0x80, s21, s10, $0xb8;
	[tilespmem:$0x1C400] =	vst v63  }
0xae: {  	_ =	swait.ge [sflag:s12], $0x4000  }
0xaf: {  	[sflag:s12] =	ssyncset.done $0x0  }
0xb0: {  	[sflag:s12] =	ssyncadd.s32 $0xFFFFC000  }
0xb1: {  	[tilespmem:s11], [sflag:$0x5] =	stream.indirect.gather [hbm4b:s1+s14], $0x80, s4, s14, $0xb8;
	[tilespmem:$0x1C400] =	vst v63  }
0xb2: {  	_ = 	snop  }
0xb3: {  	[tilespmem:s15], [sflag:$0x6] =	stream.indirect.gather [hbm4b:s1+s14], $0x80, s14, s14, $0xb8;
	[tilespmem:$0x1C400] =	vst v63  }
0xb4: {  	_ =	swait.ge [sflag:s31], $0x2000  }
0xb5: {  	[sflag:s31] =	ssyncset.done $0x0  }
0xb6: {  	[sflag:s31] =	ssyncadd.s32 $0xFFFFE000  }
0xb7: {  	_ =	swait.ge [sflag:s2], $0x2000  }
0xb8: {  	[sflag:s2] =	ssyncset.done $0x0  }
0xb9: {  	[sflag:s2] =	ssyncadd.s32 $0xFFFFE000  }
0xba: {  	[spmem:s3] =	stream.indirect.scatter.add.f32 [tilespmem:s16], [sflag:$0x9], $0x80, s24, s10, $0xb8;
	[tilespmem:$0x1C400] =	vst v63  }
0xbb: {  	s0 =	sadd.s32 $0x520, s17;
	_ =	swait.ge [sflag:s12], $0x4000  }
.Ltmp0:
0xbc: {  	[sflag:s12] =	ssyncset.done $0x0;
	(pc) =	sbr.rel @p0 .LBB2_2-.Ltmp0, $4  }
0xbd: {  	s17 =	sand.u32 $0xF00, s0;
	s0 =	sand.u32 $0x70, s23;
	[sflag:s12] =	ssyncadd.s32 $0xFFFFC000  }
0xbe: {  	[tilespmem:s16], [sflag:$0x7] =	stream.indirect.gather [hbm4b:s1+s14], $0x80, s10, s14, $0xb8;
	[tilespmem:$0x1C400] =	vst v63  }
0xbf: {  	s0 =	sadd.s32 s5, s0  }
0xc0: {  	[tilespmem:s18], [sflag:$0x8] =	stream.indirect.gather [hbm4b:s1+s14], $0x80, s7, s14, $0xb8;
	[tilespmem:$0x1C400] =	vst v63  }
0xc1: {  	s0 =	sadd.s32 s17, s0  }
0xc2: {  	[tilespmem:s19], [sflag:$0x2] =	stream.strided.gather [hbm4b:s0+s10], $0x100, s11, s10, $0x38;
	[tilespmem:$0x1C400] =	vst v63  }
0xc3: {  	s23 =	sadd.s32 $0x520, s30  }
0xc4: {  	[tilespmem:s21], [sflag:$0x4] =	stream.linear.gather [hbm4b:s23+s4], $0x100, $0x38;
	[tilespmem:$0x1C400] =	vst v63  }
0xc5: {  	_ =	swait.ge [sflag:s25], $0x100  }
0xc6: {  	[sflag:s25] =	ssyncset.done $0x0  }
0xc7: {  	[sflag:s25] =	ssyncadd.s32 $0xFFFFFF00  }
0xc8: {  	_ =	swait.ge [sflag:s26], $0x100  }
0xc9: {  	[sflag:s26] =	ssyncset.done $0x0  }
0xca: {  	[sflag:s26] =	ssyncadd.s32 $0xFFFFFF00  }
0xcb: {  	_ =	swait.ge [sflag:s28], $0x2000  }
0xcc: {  	[sflag:s28] =	ssyncset.done $0x0  }
0xcd: {  	[sflag:s28] =	ssyncadd.s32 $0xFFFFE000  }
0xce: {  	_ =	swait.ge [sflag:s29], $0x2000  }
0xcf: {  	[sflag:s29] =	ssyncset.done $0x0  }
0xd0: {  	[sflag:s29] =	ssyncadd.s32 $0xFFFFE000  }
0xd1: {  	[spmem:s3] =	stream.indirect.scatter.add.f32 [tilespmem:s11], [sflag:$0x9], $0x80, s13, s10, $0xb8;
	[tilespmem:$0x1C400] =	vst v63  }
0xd2: {  	_ =	swait.ge [sflag:s12], $0x4000  }
0xd3: {  	[sflag:s12] =	ssyncset.done $0x0  }
0xd4: {  	[sflag:s12] =	ssyncadd.s32 $0xFFFFC000  }
0xd5: {  	[tilespmem:s11], [sflag:$0x5] =	stream.indirect.gather [hbm4b:s1+s14], $0x80, s19, s14, $0xb8;
	[tilespmem:$0x1C400] =	vst v63  }
0xd6: {  	s30 =	simm.s32 $0x140  }
0xd7: {  	[tilespmem:s15], [sflag:$0x6] =	stream.indirect.gather [hbm4b:s1+s14], $0x80, s30, s14, $0xb8;
	[tilespmem:$0x1C400] =	vst v63  }
0xd8: {  	_ =	swait.ge [sflag:s31], $0x2000  }
0xd9: {  	[sflag:s31] =	ssyncset.done $0x0  }
0xda: {  	[sflag:s31] =	ssyncadd.s32 $0xFFFFE000  }
0xdb: {  	_ =	swait.ge [sflag:s2], $0x2000  }
0xdc: {  	[sflag:s2] =	ssyncset.done $0x0  }
0xdd: {  	s17 =	simm.s32 $0x280;
	[sflag:s2] =	ssyncadd.s32 $0xFFFFE000  }
0xde: {  	[spmem:s3] =	stream.indirect.scatter.add.f32 [tilespmem:s16], [sflag:$0x9], $0x80, s17, s10, $0xb8;
	[tilespmem:$0x1C400] =	vst v63  }
0xdf: {  	_ =	swait.ge [sflag:s12], $0x4000  }
0xe0: {  	[sflag:s12] =	ssyncset.done $0x0  }
0xe1: {  	s22 =	simm.s32 $0x180;
	[sflag:s12] =	ssyncadd.s32 $0xFFFFC000  }
0xe2: {  	[tilespmem:s16], [sflag:$0x7] =	stream.indirect.gather [hbm4b:s1+s14], $0x80, s22, s14, $0xb8;
	[tilespmem:$0x1C400] =	vst v63  }
0xe3: {  	_ = 	snop  }
0xe4: {  	[tilespmem:s18], [sflag:$0x8] =	stream.indirect.gather [hbm4b:s1+s14], $0x80, s8, s14, $0xb8;
	[tilespmem:$0x1C400] =	vst v63  }
0xe5: {  	_ =	swait.ge [sflag:s28], $0x2000  }
0xe6: {  	[sflag:s28] =	ssyncset.done $0x0  }
0xe7: {  	[sflag:s28] =	ssyncadd.s32 $0xFFFFE000  }
0xe8: {  	_ =	swait.ge [sflag:s29], $0x2000  }
0xe9: {  	[sflag:s29] =	ssyncset.done $0x0  }
0xea: {  	[sflag:s29] =	ssyncadd.s32 $0xFFFFE000  }
0xeb: {  	[spmem:s3] =	stream.indirect.scatter.add.f32 [tilespmem:s11], [sflag:$0x9], $0x80, s21, s10, $0xb8;
	[tilespmem:$0x1C400] =	vst v63  }
0xec: {  	_ =	swait.ge [sflag:s12], $0x4000  }
0xed: {  	[sflag:s12] =	ssyncset.done $0x0  }
0xee: {  	[sflag:s12] =	ssyncadd.s32 $0xFFFFC000  }
0xef: {  	_ =	swait.ge [sflag:s31], $0x2000  }
0xf0: {  	[sflag:s31] =	ssyncset.done $0x0  }
0xf1: {  	[sflag:s31] =	ssyncadd.s32 $0xFFFFE000  }
0xf2: {  	_ =	swait.ge [sflag:s2], $0x2000  }
0xf3: {  	[sflag:s2] =	ssyncset.done $0x0  }
0xf4: {  	[sflag:s2] =	ssyncadd.s32 $0xFFFFE000  }
0xf5: {  	[spmem:s3] =	stream.indirect.scatter.add.f32 [tilespmem:s16], [sflag:$0x9], $0x80, s24, s10, $0xb8;
	[tilespmem:$0x1C400] =	vst v63  }
0xf6: {  	_ =	swait.ge [sflag:s12], $0x4000  }
0xf7: {  	[sflag:s12] =	ssyncset.done $0x0  }
0xf8: {  	[sflag:s12] =	ssyncadd.s32 $0xFFFFC000  }
0xf9: {  	[bflag:$0x0] =	sbarrier.arrive $0xFFFF  }
0xfa: {  	s17 =	rddreg [dreg:$0x8]  }
0xfb: {  	s22 =	rddreg [dreg:$0x9]  }
0xfc: {  	s23 =	rddreg [dreg:$0xa]  }
0xfd: {  	[hbm:s23], [sflag:s17] =	dma.local [spmem:s22], $0x2800  }
0xfe: {  	_ =	swait.ge [sflag:s12], $0x2800  }
0xff: {  	s23 =	rddreg [dreg:$0xb]  }
0x100: {  	s30 =	rddreg [dreg:$0x6];
	s23 =	sadd.s32 $0x1, s23  }
0x101: {  	p0 =	sne.s32 s23, s30  }
.Ltmp1:
0x102: {  	_ = 	snop;
	(pc) =	sbr.rel @p0 .LBB2_1-.Ltmp1, $3  }
0x103: {  	_ =	sdelay $0x1  }
0x104: {  	[sflag:s12] =	ssyncset.done $0x0  }
0x105: {  	[sflag:s12] =	ssyncadd.s32 $0xFFFFD800  }
0x106: {  	_ =	sfence.sel $0x180000  }
0x107: {  	[bflag:$0x0] =	sbarrier.arrive $0xFFFF  }
0x108: {  	_ =	strace $0x9000004D  }
0x109: {  	s0 =	stileid.u32;
	[bflag:$0x2] =	sbarrier.arrive $0xFFFF  }
0x10a: {  	p0 =	sne.s32 s0, $0x0;
	s0 =	rddreg [dreg:$0x3]  }
0x10b: {  	s0 =	sadd.s32 @!p0 $0x100000, s0  }
0x10c: {  	[sflag:s0] =	ssyncadd.tile.s32 @!p0 $0x1;
	_ =	shalt  }
.Lfunc_end2:
_tile_overlayer_lowered:
.L_overlay_start_2:
0x10d: {  	(tag) =	ssettag $0x2  }
0x10e: {  	s0 =	rddreg [dreg:$0x0];
	s2 =	stileid.u32  }
0x10f: {  	s1 =	rddreg [dreg:$0x1];
	p0 =	sne.s32 s2, $0x0  }
0x110: {  	s3 =	rddreg [dreg:$0x2];
	[bflag:$0x3] =	sbarrier.arrive $0xFFFF;
	s2 =	simm.s32 @!p0 $0x1C09  }
0x111: {  	[timem:s3], [sflag:s2] =	dma.local @!p0 [hbm:s0], s1  }
0x112: {  	s0 =	simm.s32 @!p0 $0x9  }
0x113: {  	_ =	swait.ge @!p0 [sflag:s0], s1  }
0x114: {  	s1 =	ssub.s32 @!p0 $0x0, s1;
	[sflag:s0] =	ssyncset.done @!p0 $0x0  }
0x115: {  	[sflag:s0] =	ssyncadd.s32 @!p0 s1  }
0x116: {  	[bflag:$0x3] =	sbarrier.arrive $0xFFFF  }
0x117: {  	_ =	shalt  }

// kernel: kernel.9.cloned.1.call-start
scs
__scs_entry_jumppad:
0x0: {  	(pc) =	sbr.rel $0x88, $3  }
0x1: {  	(tag) =	ssettag $0x0;
	lr =	simm.s32 $0x1  }
0x2: {  	[smem:$0x3F97] =	sst lr;
	_ =	strace $0xD0000000  }
0x3: {  	_ = 	snop  }
0x4: {  	_ = 	snop  }
0x5: {  	_ = 	snop  }
0x6: {  	_ = 	snop  }
0x7: {  	_ = 	snop  }
__scs_overlays_trampoline_lowered:
0x8: {  	[smem:$0x3FA6] =	sst s0  }
0x9: {  	[smem:$0x3FA7] =	sst s1  }
0xa: {  	[smem:$0x3FA8] =	sst s2  }
0xb: {  	[smem:$0x3FA9] =	sst s3  }
0xc: {  	[smem:$0x3FAA] =	sst s4  }
0xd: {  	[smem:$0x3FAB] =	sst s5  }
0xe: {  	[smem:$0x3FAC] =	sst s6  }
0xf: {  	[smem:$0x3FAD] =	sst s7  }
0x10: {  	[smem:$0x3FAE] =	sst s8  }
0x11: {  	[smem:$0x3FAF] =	sst s9;
	s0 =	simm.s32 @!p0 $0x0  }
0x12: {  	s1 =	sld [smem:$0x3F95];
	s0 =	simm.s32 @p0 $0x1  }
0x13: {  	[smem:$0x3FB0] =	sst s0;
	s0 =	simm.s32 @!p1 $0x0  }
0x14: {  	s2 =	sld [smem:$0x3F94];
	s0 =	simm.s32 @p1 $0x1  }
0x15: {  	[smem:$0x3FB1] =	sst s0;
	s0 =	simm.s32 @!p2 $0x0  }
0x16: {  	s3 =	sld [smem:$0x3FDB];
	s0 =	simm.s32 @p2 $0x1  }
0x17: {  	s4 =	simm.s32 $0x1BF5;
	[smem:$0x3FB3] =	sst s0  }
0x18: {  	s0 =	sld [smem:$0x3F96];
	_ =	swait.ge [sflag:s4], $0x0  }
0x19: {  	s7 =	sld [smem:$0x3F97]  }
0x1a: {  	s8 =	sadd.s32 $0xFFFFE003, lr  }
0x1b: {  	s9 =	sadd.s32 $0xFFFFFEF7, lr;
	s5 =	simm.s32 $0xFFFFFFFF;
	p2 =	slt.u32 s8, $0xFFFFF086  }
0x1c: {  	p1 =	slt.u32 s9, $0xF7A;
	s5 =	simm.s32 @!p2 $0x0  }
0x1d: {  	s5 =	simm.s32 @p1 $0x1;
	p0 =	seq.s32 s7, s2  }
0x1e: {  	s7 =	smul.u32 @!p0 $0xF7A, s2;
	p2 =	seq.s32 @!p0 s5, $0x0  }
0x1f: {  	s9 =	smul.u32 $0xF7A, s1;
	s8 =	simm.s32 @!p0 $0x1BF5;
	p2 =	por !p2, p0  }
0x20: {  	[sflag:s8] =	ssyncset.s32 @!p0 $0xFFFFF086;
	s6 =	sadd.s32 @!p0 s3, s7;
	s7 =	simm.s32 @!p0 $0x108  }
0x21: {  	s3 =	sadd.s32 s3, s9;
	s6 =	sadd.s32 @!p0 $0x88, s6;
	s7 =	simm.s32 @p2 $0x1082  }
0x22: {  	[simem:s7], [sflag:s8] =	dma.local @!p0 [hbm:s6], $0xF7A  }
0x23: {  	s9 =	sor.u32 $0xD0000000, s2;
	s6 =	simm.s32 $0x108;
	_ =	swait.ge @!p0 [sflag:s8], $0x0  }
0x24: {  	s3 =	sadd.s32 $0x88, s3;
	s6 =	simm.s32 @!p1 $0x1082;
	[sflag:s4] =	ssyncset.s32 $0xFFFFF086  }
0x25: {  	[simem:s6], [sflag:s4] =	dma.local [hbm:s3], $0xF7A  }
0x26: {  	[smem:$0x3F97] =	sst s1;
	(tag) =	ssettag s2;
	_ =	strace s9  }
0x27: {  	s1 =	sld [smem:$0x3FA7]  }
0x28: {  	s2 =	sld [smem:$0x3FA8]  }
0x29: {  	s4 =	sld [smem:$0x3FAA]  }
0x2a: {  	p0 =	seq.s32 s5, $0x0;
	s5 =	sld [smem:$0x3FAB]  }
0x2b: {  	s6 =	sld [smem:$0x3FAC]  }
0x2c: {  	s7 =	sld [smem:$0x3FAD]  }
0x2d: {  	s3 =	simm.s32 $0x108;
	s8 =	sld [smem:$0x3FAE]  }
0x2e: {  	s3 =	simm.s32 @!p0 $0x1082;
	s9 =	sld [smem:$0x3FAF]  }
0x2f: {  	lr =	sadd.s32 s0, s3;
	s0 =	sld [smem:$0x3FA6]  }
0x30: {  	s3 =	sld [smem:$0x3FA9]  }
0x31: {  	[smem:$0x3FB2] =	sst s10  }
0x32: {  	s10 =	sld [smem:$0x3FB0];
	_ =	sdelay $0x3  }
0x33: {  	p0 =	seq.s32 s10, $0x1;
	s10 =	sld [smem:$0x3FB2];
	_ =	sdelay $0x3  }
0x34: {  	[smem:$0x3FB2] =	sst s10  }
0x35: {  	s10 =	sld [smem:$0x3FB1];
	_ =	sdelay $0x3  }
0x36: {  	p1 =	seq.s32 s10, $0x1;
	s10 =	sld [smem:$0x3FB2];
	_ =	sdelay $0x3  }
0x37: {  	[smem:$0x3FB2] =	sst s10  }
0x38: {  	s10 =	sld [smem:$0x3FB3]  }
0x39: {  	_ = 	snop;
	(pc) =	sbr.ind lr, $3  }
0x3a: {  	_ = 	snop  }
0x3b: {  	_ = 	snop  }
0x3c: {  	p2 =	seq.s32 s10, $0x1;
	s10 =	sld [smem:$0x3FB2]  }
0x3d: {  	_ =	shalt  }
0x3e: {  	_ =	shalt  }
0x3f: {  	_ =	shalt  }
0x40: {  	_ =	shalt  }
0x41: {  	_ =	shalt  }
0x42: {  	_ =	shalt  }
0x43: {  	_ =	shalt  }
0x44: {  	_ =	shalt  }
0x45: {  	_ =	shalt  }
0x46: {  	_ =	shalt  }
0x47: {  	_ =	shalt  }
0x48: {  	_ =	shalt  }
0x49: {  	_ =	shalt  }
0x4a: {  	_ =	shalt  }
0x4b: {  	_ =	shalt  }
0x4c: {  	_ =	shalt  }
0x4d: {  	_ =	shalt  }
0x4e: {  	_ =	shalt  }
0x4f: {  	_ =	shalt  }
0x50: {  	_ =	shalt  }
0x51: {  	_ =	shalt  }
0x52: {  	_ =	shalt  }
0x53: {  	_ =	shalt  }
0x54: {  	_ =	shalt  }
0x55: {  	_ =	shalt  }
0x56: {  	_ =	shalt  }
0x57: {  	_ =	shalt  }
0x58: {  	_ =	shalt  }
0x59: {  	_ =	shalt  }
0x5a: {  	_ =	shalt  }
0x5b: {  	_ =	shalt  }
0x5c: {  	_ =	shalt  }
0x5d: {  	_ =	shalt  }
0x5e: {  	_ =	shalt  }
0x5f: {  	_ =	shalt  }
0x60: {  	_ =	shalt  }
0x61: {  	_ =	shalt  }
0x62: {  	_ =	shalt  }
0x63: {  	_ =	shalt  }
0x64: {  	_ =	shalt  }
0x65: {  	_ =	shalt  }
0x66: {  	_ =	shalt  }
0x67: {  	_ =	shalt  }
0x68: {  	_ =	shalt  }
0x69: {  	_ =	shalt  }
0x6a: {  	_ =	shalt  }
0x6b: {  	_ =	shalt  }
0x6c: {  	_ =	shalt  }
0x6d: {  	_ =	shalt  }
0x6e: {  	_ =	shalt  }
0x6f: {  	_ =	shalt  }
0x70: {  	_ =	shalt  }
0x71: {  	_ =	shalt  }
0x72: {  	_ =	shalt  }
0x73: {  	_ =	shalt  }
0x74: {  	_ =	shalt  }
0x75: {  	_ =	shalt  }
0x76: {  	_ =	shalt  }
0x77: {  	_ =	shalt  }
0x78: {  	_ =	shalt  }
0x79: {  	_ =	shalt  }
0x7a: {  	_ =	shalt  }
0x7b: {  	_ =	shalt  }
0x7c: {  	_ =	shalt  }
0x7d: {  	_ =	shalt  }
0x7e: {  	_ =	shalt  }
0x7f: {  	_ =	shalt  }
0x80: {  	_ =	shalt  }
0x81: {  	_ =	shalt  }
0x82: {  	_ =	shalt  }
0x83: {  	_ =	shalt  }
0x84: {  	_ =	shalt  }
0x85: {  	_ =	shalt  }
0x86: {  	_ =	shalt  }
0x87: {  	_ =	shalt  }
.Lfunc_end0:
.L_simem_size_0:
called_computation_lowered:
.L_overlay_start_0:
0x88: {  	s2 =	sld [smem:$0x3FD9]  }
0x89: {  	s3 =	sld [smem:$0x3FFE];
	_ =	sdelay $0x1  }
0x8a: {  	s1 =	srdreg.scid  }
0x8b: {  	s0 =	sand.u32 $0x1, s1  }
0x8c: {  	s17 =	sshll.u32 s0, $0xA;
	s2 =	sadd.s32 s3, s2  }
0x8d: {  	s2 =	sadd.s32 s2, s17  }
0x8e: {  	[smem:$0x3FBE] =	sst s2  }
0x8f: {  	_ = 	snop  }
0x90: {  	s2 =	sld [smem:$0x3FD0];
	(tm) =	ssettm $0x1  }
0x91: {  	s18 =	sld [smem:$0x3FFB];
	_ =	sdelay $0x3  }
0x92: {  	_ =	strace s18  }
0x93: {  	s3 =	sld [smem:$0x3FFC];
	_ =	sdelay $0x3  }
0x94: {  	_ =	strace s3  }
0x95: {  	s3 =	sld [smem:$0x3FFD];
	_ =	sdelay $0x3  }
0x96: {  	_ =	strace s3  }
0x97: {  	_ =	strace $0x8FFFFFFF  }
0x98: {  	s19 =	sld [smem:$0x3FDB];
	_ =	sdelay $0x1  }
0x99: {  	s4 =	simm.s32 $_scs_section_size  }
0x9a: {  	s5 =	simm.s32 $_size__tile_overlayer_lowered;
	s6 =	simm.s32 $_tile_overlayer_lowered  }
0x9b: {  	s22 =	simm.s32 $0x1BFF;
	s21 =	sshll.u32 s6, $0x1;
	s3 =	sadd.s32 s4, s19  }
0x9c: {  	s7 =	simm.s32 $0x0;
	s20 =	sshll.u32 s5, $0x1;
	s5 =	sadd.s32 s21, s3  }
0x9d: {  	[timem:s7], [sflag:s22] =	dma.local [hbm:s5], s20  }
0x9e: {  	_ =	swait.ge [sflag:s22], s20  }
0x9f: {  	s4 =	ssub.s32 $0x0, s20;
	[sflag:s22] =	ssyncset.done $0x0  }
0xa0: {  	[sflag:s22] =	ssyncadd.s32 s4;
	_ =	sdelay $0x1  }
0xa1: {  	s23 =	simm.s32 $0x1B8B  }
0xa2: {  	_ =	swait.ge [sflag:s23], $0x1  }
0xa3: {  	[sflag:s23] =	ssyncset.done $0x0  }
0xa4: {  	s25 =	simm.s32 $0x1B8E;
	s24 =	sld [smem:$0x3FFE];
	[sflag:s23] =	ssyncadd.s32 $0xFFFFFFFF  }
0xa5: {  	s26 =	simm.s32 $execute0_lowered;
	[smem:$0x3FD2] =	sst s25  }
0xa6: {  	s5 =	sshll.u32 s26, $0x1;
	_ =	strace $0x80000046;
	[dreg:$0x1] =	wrdreg $0xFFFFFFFF  }
0xa7: {  	s28 =	simm.s32 $_size_execute0_lowered;
	s3 =	sadd.s32 s3, s5;
	[dreg:$0x0] =	wrdreg $0x0  }
0xa8: {  	s5 =	sshll.u32 s28, $0x1;
	[dreg:$0x2] =	wrdreg s3  }
0xa9: {  	[dreg:$0x3] =	wrdreg s5  }
0xaa: {  	[dreg:$0x4] =	wrdreg $0xC0  }
0xab: {  	_ =	task [dreg:s7], $0x5FFFF  }
0xac: {  	[dreg:$0x1] =	wrdreg $0xFFFFFFFF  }
0xad: {  	[dreg:$0x0] =	wrdreg $0x60  }
0xae: {  	[dreg:$0x2] =	wrdreg s24  }
0xaf: {  	[dreg:$0x3] =	wrdreg s2  }
0xb0: {  	[dreg:$0x4] =	wrdreg $0x2B000  }
0xb1: {  	[dreg:$0x5] =	wrdreg $0x9  }
0xb2: {  	_ =	task.clear_ibuf [dreg:s7], $0x6FFFF;
	_ =	strace $0x90000046  }
0xb3: {  	s29 =	simm.s32 $0x9;
	_ =	strace $0x80000048  }
0xb4: {  	_ =	swait.ge [sflag:s29], $0x1  }
0xb5: {  	[sflag:s29] =	ssyncadd.s32 $0xFFFFFFFF  }
0xb6: {  	_ =	strace $0x90000048  }
0xb7: {  	_ =	sfence  }
0xb8: {  	s30 =	sld [smem:$0x0];
	_ =	sdelay $0x2  }
0xb9: {  	s31 =	sshll.u32 s1, $0xD;
	s1 =	sshrl.u32 s1, $0x2  }
0xba: {  	s3 =	sand.u32 $0x4000, s31;
	s1 =	sadd.s32 s1, s30  }
0xbb: {  	s0 =	sor.u32 s3, s0;
	s1 =	sshll.u32 s1, $0x11  }
0xbc: {  	s0 =	sor.u32 s1, s0  }
0xbd: {  	s0 =	sadd.s32 $0x8F2B, s0  }
0xbe: {  	[sflag:s0] =	ssyncadd.remote.s32 $0x1  }
0xbf: {  	_ =	sfence.sel $0xFFFF  }
0xc0: {  	[dreg:$0x0] =	wrdreg $0xFFFFFFFF;
	(pc) =	sbr.abs _section_cstart, $3  }
0xc1: {  	[dreg:$0x1] =	wrdreg $0xFFFFFFFF  }
0xc2: {  	_ =	task.clear_ibuf [dreg:s7], $0x2FFFF;
	_ =	strace $0x9FFFFFFF  }
0xc3: {  	(tm) =	ssettm $0x7FFFFFFF  }
tec
execute0_lowered:
.L_overlay_start_1:
0x0: {  	(tag) =	ssettag $0x1  }
0x1: {  	s4 =	rddreg [dreg:$0x0]  }
0x2: {  	s6 =	rddreg [dreg:$0x1]  }
0x3: {  	s0 =	srdreg.scid;
	s2 =	rddreg [dreg:$0x2]  }
0x4: {  	s1 =	rddreg [dreg:$0x3];
	s3 =	simm.s32 $0x0;
	s11 =	simm.s32 $0x2800  }
0x5: {  	s12 =	simm.s32 $0x2;
	s16 =	simm.s32 $0x20;
	s17 =	simm.s32 $0x10  }
0x6: {  	s18 =	simm.s32 $0x0;
	s5 =	sand.u32 $0x1, s0;
	s0 =	stileid.u32  }
0x7: {  	[smem:$0x7FF] =	sst s3;
	s7 =	sshll.u32 s5, $0x4;
	s9 =	smul.u32 $0xA00, s0  }
0x8: {  	s5 =	ssub.s32 $0x2, s5;
	_ =	strace $0x80000047;
	s14 =	smul.u32 $0xA0, s0  }
0x9: {  	s15 =	sshll.u32 s0, $0x6;
	s8 =	sor.u32 s0, s7;
	s10 =	sshrl.u32 s5, $0x1  }
0xa: {  	s13 =	sadd.s32 s6, s7;
	s7 =	simm.s32 $0x2880;
	s8 =	smul.u32 $0x500, s8  }
0xb: {  	s30 =	ssub.s32 s5, s10;
	s31 =	sshrl.u32 s9, $0x2;
	s9 =	simm.s32 $0x1  }
0xc: {  	s10 =	simm.s32 $0x80;
	s13 =	sadd.s32 s14, s13;
	s14 =	sor.u32 $0x1C03, s15  }
0xd: {  	s5 =	sadd.s32 s31, s2;
	s6 =	smax.u32 s30, $0x1;
	s4 =	sadd.s32 s8, s4  }
0xe: {  	v0 =	vimm.f32 $1.000000000e+00;
	v1 =	vimm.f32 $0.0e+00;
	s8 =	simm.s32 $0x3;
	s15 =	sshrl.u32 s5, $0x3;
	s4 =	sadd.s32 $0x3600, s4  }
.LBB2_1:
0xf: {  	[tilespmem:s3], [sflag:$0x1] =	stream.linear.gather [hbm4b:s4+s3], $0x2800, $0x38;
	[tilespmem:$0x2D80] =	vst v63  }
0x10: {  	[tilespmem:$0x2800] =	vst v0  }
0x11: {  	[tilespmem:$0x2810] =	vst v0  }
0x12: {  	[tilespmem:$0x2820] =	vst v0  }
0x13: {  	[tilespmem:$0x2830] =	vst v0  }
0x14: {  	[tilespmem:$0x2840] =	vst v0  }
0x15: {  	[tilespmem:$0x2850] =	vst v0  }
0x16: {  	[tilespmem:$0x2860] =	vst v0  }
0x17: {  	[tilespmem:$0x2870] =	vst v0  }
0x18: {  	[tilespmem:$0x2880] =	vst v1  }
0x19: {  	[tilespmem:$0x2890] =	vst v1  }
0x1a: {  	[tilespmem:$0x28A0] =	vst v1  }
0x1b: {  	[tilespmem:$0x28B0] =	vst v1  }
0x1c: {  	[tilespmem:$0x28C0] =	vst v1  }
0x1d: {  	[tilespmem:$0x28D0] =	vst v1  }
0x1e: {  	[tilespmem:$0x28E0] =	vst v1  }
0x1f: {  	[tilespmem:$0x28F0] =	vst v1  }
0x20: {  	[tilespmem:$0x2900] =	vst v1  }
0x21: {  	[tilespmem:$0x2910] =	vst v1  }
0x22: {  	[tilespmem:$0x2920] =	vst v1  }
0x23: {  	[tilespmem:$0x2930] =	vst v1  }
0x24: {  	[tilespmem:$0x2940] =	vst v1  }
0x25: {  	[tilespmem:$0x2950] =	vst v1  }
0x26: {  	[tilespmem:$0x2960] =	vst v1  }
0x27: {  	[tilespmem:$0x2970] =	vst v1  }
0x28: {  	[tilespmem:$0x2980] =	vst v1  }
0x29: {  	[tilespmem:$0x2990] =	vst v1  }
0x2a: {  	[tilespmem:$0x29A0] =	vst v1  }
0x2b: {  	[tilespmem:$0x29B0] =	vst v1  }
0x2c: {  	[tilespmem:$0x29C0] =	vst v1  }
0x2d: {  	[tilespmem:$0x29D0] =	vst v1  }
0x2e: {  	[tilespmem:$0x29E0] =	vst v1  }
0x2f: {  	[tilespmem:$0x29F0] =	vst v1  }
0x30: {  	[tilespmem:$0x2A00] =	vst v1  }
0x31: {  	[tilespmem:$0x2A10] =	vst v1  }
0x32: {  	[tilespmem:$0x2A20] =	vst v1  }
0x33: {  	[tilespmem:$0x2A30] =	vst v1  }
0x34: {  	[tilespmem:$0x2A40] =	vst v1  }
0x35: {  	[tilespmem:$0x2A50] =	vst v1  }
0x36: {  	[tilespmem:$0x2A60] =	vst v1  }
0x37: {  	[tilespmem:$0x2A70] =	vst v1  }
0x38: {  	[tilespmem:$0x2A80] =	vst v1  }
0x39: {  	[tilespmem:$0x2A90] =	vst v1  }
0x3a: {  	[tilespmem:$0x2AA0] =	vst v1  }
0x3b: {  	[tilespmem:$0x2AB0] =	vst v1  }
0x3c: {  	[tilespmem:$0x2AC0] =	vst v1  }
0x3d: {  	[tilespmem:$0x2AD0] =	vst v1  }
0x3e: {  	[tilespmem:$0x2AE0] =	vst v1  }
0x3f: {  	[tilespmem:$0x2AF0] =	vst v1  }
0x40: {  	[spmem:s5] =	stream.linear.scatter [tilespmem:s7], [sflag:$0x3], $0x280, $0x38;
	[tilespmem:$0x2D80] =	vst v63  }
0x41: {  	_ =	swait.ge [sflag:s8], $0x280  }
0x42: {  	[sflag:s8] =	ssyncset.done $0x0  }
0x43: {  	[sflag:s8] =	ssyncadd.s32 $0xFFFFFD80  }
0x44: {  	_ =	swait.ge [sflag:s9], $0x2800  }
0x45: {  	[sflag:s9] =	ssyncset.done $0x0  }
0x46: {  	[sflag:s9] =	ssyncadd.s32 $0xFFFFD800  }
0x47: {  	s19 =	simm.s32 $0x0;
	[bflag:$0x0] =	sbarrier.arrive $0xFFFF  }
.LBB2_2:
0x48: {  	p0 =	sne.s32 s19, $0x9E00  }
.Ltmp0:
0x49: {  	_ = 	snop;
	(pc) =	sbr.rel @p0 .LBB2_2-.Ltmp0, $3  }
0x4a: {  	_ =	sdelay $0x1  }
0x4b: {  	s20 =	sshra.s32 s19, $0x2;
	s19 =	sadd.s32 $0x200, s19  }
0x4c: {  	[spmem:s2] =	stream.indirect.scatter.add.f32 [tilespmem:s11], [sflag:$0x2], $0x1, s20, s10, $0xb8;
	[tilespmem:$0x2D80] =	vst v63  }
0x4d: {  	_ =	swait.ge [sflag:s12], $0x80  }
0x4e: {  	s19 =	simm.s32 $0x4F;
	[sflag:s12] =	ssyncset.done $0x0  }
.LBB2_4:
0x4f: {  	p0 =	sne.s32 s19, $0x1;
	s19 =	sadd.s32 $0xFFFFFFFF, s19;
	[sflag:s12] =	ssyncadd.s32 $0xFFFFFF80  }
.Ltmp1:
0x50: {  	(pc) =	sbr.rel @p0 .LBB2_4-.Ltmp1, $3  }
0x51: {  	_ =	sdelay $0x1  }
0x52: {  	_ =	swait.ge [sflag:s12], $0x80  }
0x53: {  	[sflag:s12] =	ssyncset.done $0x0  }
0x54: {  	s18 =	sadd.s32 $0x1, s18  }
0x55: {  	[sflag:s12] =	ssyncadd.s32 $0xFFFFFF80;
	p0 =	sne.s32 s18, s6  }
.Ltmp2:
0x56: {  	[bflag:$0x0] =	sbarrier.arrive $0xFFFF;
	(pc) =	sbr.rel @p0 .LBB2_1-.Ltmp2, $4  }
0x57: {  	[hbm:s13@s16], [sflag:s14] =	dma.strided [spmem:s15@s17], $0x50, s9, $0x10   }
0x58: {  	_ =	swait.ge [sflag:s8], $0x50  }
0x59: {  	[sflag:s8] =	ssyncset.done $0x0  }
0x5a: {  	[sflag:s8] =	ssyncadd.s32 $0xFFFFFFB0  }
0x5b: {  	_ =	sfence.sel $0x180000  }
0x5c: {  	[bflag:$0x0] =	sbarrier.arrive $0xFFFF  }
0x5d: {  	p0 =	sne.s32 s0, $0x0;
	_ =	strace $0x90000047  }
0x5e: {  	s0 =	sadd.s32 @!p0 $0x100000, s1;
	[bflag:$0x2] =	sbarrier.arrive $0xFFFF  }
0x5f: {  	[sflag:s0] =	ssyncadd.tile.s32 @!p0 $0x1;
	_ =	shalt  }
.Lfunc_end2:
_tile_overlayer_lowered:
.L_overlay_start_2:
0x60: {  	(tag) =	ssettag $0x2  }
0x61: {  	s0 =	rddreg [dreg:$0x0];
	s2 =	stileid.u32  }
0x62: {  	s1 =	rddreg [dreg:$0x1];
	p0 =	sne.s32 s2, $0x0  }
0x63: {  	s3 =	rddreg [dreg:$0x2];
	[bflag:$0x3] =	sbarrier.arrive $0xFFFF;
	s2 =	simm.s32 @!p0 $0x1C03  }
0x64: {  	[timem:s3], [sflag:s2] =	dma.local @!p0 [hbm:s0], s1  }
0x65: {  	s0 =	simm.s32 @!p0 $0x3  }
0x66: {  	_ =	swait.ge @!p0 [sflag:s0], s1  }
0x67: {  	s1 =	ssub.s32 @!p0 $0x0, s1;
	[sflag:s0] =	ssyncset.done @!p0 $0x0  }
0x68: {  	[sflag:s0] =	ssyncadd.s32 @!p0 s1  }
0x69: {  	[bflag:$0x3] =	sbarrier.arrive $0xFFFF  }
0x6a: {  	_ =	shalt  }

</sc_bundles>
